<compile_context>
chip_gen: v7x
topology: tpu7x:2x2x1
jax: 0.10.2.dev20260603
libtpu: 0.0.44.dev20260713+nightly
codegen_flags: <defaults>
</compile_context>

<pallas_src>
import functools

import jax
import jax.numpy as jnp
from jax import lax
from jax.experimental import pallas as pl
from jax.experimental.pallas import tpu as pltpu
from jax.experimental.pallas import tpu_sc as plsc

N = 10000
E = 320000
D = 128
NP = 10240
NC = 2
NS = 16
L = 16
CH = 128
NCH = E // CH
MCH = 157
CPC = NCH + 44
NCC = E // 64
RPS = NP // NS
DEGR = NP // L
HG = 26


def _lin_body(x_ref, w_ref, b_ref, o_ref):
    o_ref[0] = (
        lax.dot_general(
            x_ref[...], w_ref[0], (((1,), (1,)), ((), ())),
            preferred_element_type=jnp.float32,
        )
        + b_ref[0]
    )


def _linear(x_pad, W_all, b_all):
    BM = 2048
    return pl.pallas_call(
        _lin_body,
        grid=(2, NP // BM),
        in_specs=[
            pl.BlockSpec((BM, D), lambda l, i: (i, 0)),
            pl.BlockSpec((1, D, D), lambda l, i: (l, 0, 0)),
            pl.BlockSpec((1, 1, D), lambda l, i: (l, 0, 0)),
        ],
        out_specs=pl.BlockSpec((1, BM, D), lambda l, i: (l, i, 0)),
        out_shape=jax.ShapeDtypeStruct((2, NP, D), jnp.float32),
    )(x_pad, W_all, b_all)


_mesh = plsc.VectorSubcoreMesh(
    core_axis_name="c", subcore_axis_name="s", num_cores=NC, num_subcores=NS
)


@functools.partial(
    pl.kernel,
    out_type=jax.ShapeDtypeStruct((2 * NP, D), jnp.float32),
    mesh=_mesh,
    compiler_params=pltpu.CompilerParams(
        needs_layout_passes=False, use_tc_tiling_on_sc=False
    ),
    scratch_types=[
        pltpu.VMEM_SHARED((DEGR, L), jnp.float32),
        pltpu.VMEM_SHARED((NP, D), jnp.float32),
        pltpu.VMEM((DEGR, L), jnp.float32),
        pltpu.VMEM((5, 128), jnp.int32),
        pltpu.VMEM((HG, 64), jnp.int32),
        pltpu.VMEM((10, CH), jnp.int32),
        pltpu.VMEM((CH, D), jnp.float32),
        pltpu.VMEM((CH, D), jnp.float32),
        pltpu.SemaphoreType.DMA,
        pltpu.SemaphoreType.DMA,
        pltpu.SemaphoreType.DMA,
    ],
)
def _sc_kernel(
    cols64, eidx, attr, hflat, zrows, zdeg, idrows, out,
    dcomp_sp, s_sp, dis_v, idr_v, colq_v, idx2_v, hrows_v, attr_v,
    sem_i, sem_g, sem_a,
):
    cid = lax.axis_index("c")
    sid = lax.axis_index("s")
    one16 = jnp.ones((L,), jnp.float32)

    pltpu.sync_copy(zdeg, dis_v)
    pltpu.sync_copy(idrows, idr_v)
    pltpu.sync_copy(zdeg.at[pl.ds(0, 40)], dcomp_sp.at[pl.ds(sid * 40, 40)])
    for k in range(5):
        pltpu.sync_copy(zrows, s_sp.at[pl.ds(sid * RPS + k * 128, 128)])
    plsc.subcore_barrier()

    def hist_rows(nrows):
        def hrow(a, carry):
            for bq in range(4):
                c16 = colq_v[a, pl.ds(bq * 16, 16)]
                hi = lax.shift_right_logical(c16, 4)
                lo = lax.bitwise_and(c16, 15)
                plsc.addupdate_scatter(dis_v, [hi, lo], one16)
            return carry

        lax.fori_loop(0, nrows, hrow, 0)

    def hgroup(g, carry):
        r = sid * 312 + g * HG
        pltpu.sync_copy(cols64.at[pl.ds(r, HG)], colq_v)
        hist_rows(HG)
        return carry

    lax.fori_loop(0, 12, hgroup, 0)

    @pl.when(sid == 15)
    def _():
        pltpu.sync_copy(cols64.at[pl.ds(4992, 8)], colq_v.at[pl.ds(0, 8)])
        hist_rows(8)

    for k in range(5):
        pltpu.sync_copy(
            dis_v.at[pl.ds(k * 128, 128)], dcomp_sp.at[idr_v.at[k]], add=True
        )
    plsc.subcore_barrier()

    pltpu.sync_copy(dcomp_sp, dis_v)

    def newton(i, carry):
        d = dis_v[i]
        ib = plsc.bitcast(d, jnp.int32)
        ib = 0x5F3759DF - lax.shift_right_logical(ib, 1)
        y = plsc.bitcast(ib, jnp.float32)
        y = y * (1.5 - 0.5 * d * y * y)
        y = y * (1.5 - 0.5 * d * y * y)
        y = y * (1.5 - 0.5 * d * y * y)
        dis_v[i] = jnp.where(d > 0.5, y, 0.0)
        return carry

    lax.fori_loop(0, DEGR, newton, 0)


    def issue_idx(m, si):
        rb = (cid * CPC + sid + 16 * m) * 3
        pltpu.async_copy(
            eidx.at[pl.ds(rb, 3)], idx2_v.at[pl.ds(3 * si, 3)], sem_i
        )

    def wait_idx(si):
        pltpu.make_async_copy(
            eidx.at[pl.ds(0, 3)], idx2_v.at[pl.ds(3 * si, 3)], sem_i
        ).wait()

    def issue_ga(m, si):
        c = jnp.minimum(sid + 16 * m, NCH - 1)
        base = pl.multiple_of(c * CH, CH)
        pltpu.async_copy(
            hflat.at[idx2_v.at[3 * si + 1]], hrows_v, sem_g
        )
        pltpu.async_copy(attr.at[pl.ds(base, CH)], attr_v, sem_a)

    def wait_ga():
        pltpu.make_async_copy(attr.at[pl.ds(0, CH)], hrows_v, sem_g).wait()
        pltpu.make_async_copy(attr.at[pl.ds(0, CH)], attr_v, sem_a).wait()

    issue_idx(0, 0)

    def echunk(m, carry):
        si = lax.rem(m, 3)
        sin = lax.rem(m + 1, 3)
        wait_idx(si)
        issue_idx(m + 1, sin)
        issue_ga(m, si)
        wait_ga()

        def qloop(q, carry2):
            r16 = idx2_v[3 * si + 2, pl.ds(q * 8, 16)]
            hi = lax.bitwise_and(lax.shift_right_logical(r16, 4), 1023)
            lo = lax.bitwise_and(r16, 15)
            drv = plsc.load_gather(dis_v, [hi, lo])
            for j in range(8):
                b = jnp.broadcast_to(drv[j], (L,))
                e = q * 8 + j

                def fbody(f, c3, _e=e, _b=b):
                    for ff in range(2):
                        sl = pl.ds((f * 2 + ff) * 16, 16)
                        attr_v[_e, sl] = (
                            attr_v[_e, sl] + hrows_v[_e, sl]
                        ) * _b
                    return c3

                lax.fori_loop(0, 4, fbody, 0)
            return carry2

        lax.fori_loop(0, 16, qloop, 0)
        pltpu.sync_copy(attr_v, s_sp.at[idx2_v.at[3 * si]], add=True)
        return carry

    lax.fori_loop(0, MCH, echunk, 0)
    wait_idx(MCH % 3)

    plsc.subcore_barrier()
    plsc.subcore_barrier()

    for k in range(5):
        r0 = sid * RPS + k * 128
        pltpu.async_copy(s_sp.at[pl.ds(r0, 128)], hrows_v, sem_g)
        pltpu.async_copy(hflat.at[pl.ds(cid * NP + r0, 128)], attr_v, sem_a)
        pltpu.make_async_copy(attr.at[pl.ds(0, 128)], hrows_v, sem_g).wait()
        pltpu.make_async_copy(attr.at[pl.ds(0, 128)], attr_v, sem_a).wait()

        def wrow(j, carry):
            node = r0 + j
            hi = jnp.broadcast_to(lax.shift_right_logical(node, 4), (L,))
            lo = jnp.broadcast_to(lax.bitwise_and(node, 15), (L,))
            dn = plsc.load_gather(dis_v, [hi, lo])
            for f in range(8):
                sl = pl.ds(f * 16, 16)
                hrows_v[j, sl] = hrows_v[j, sl] * dn + attr_v[j, sl]
            return carry

        lax.fori_loop(0, 128, wrow, 0)
        pltpu.sync_copy(hrows_v, out.at[pl.ds(cid * NP + r0, 128)])


def kernel(x, edge_index, edge_attr, W_mean, b_mean, W_std, b_std):
    x_pad = jnp.pad(x, ((0, NP - N), (0, 0)))
    W_all = jnp.stack([W_mean, W_std])
    b_all = jnp.stack([b_mean, b_std])[:, None, :]
    h_all = _linear(x_pad, W_all, b_all)
    h_flat = h_all.reshape(2 * NP, D)
    rowsc = edge_index[0].reshape(NCH, CH)
    colsc = edge_index[1].reshape(NCH, CH)
    cols64 = edge_index[1].reshape(NCC, 64)
    rpad = jnp.zeros((CPC - NCH, CH), jnp.int32)
    cpad = jnp.full((CPC - NCH, CH), NP - 1, jnp.int32)
    rowsp = jnp.concatenate([rowsc, rpad], axis=0)
    colsp = jnp.concatenate([colsc, cpad], axis=0)
    eidx = jnp.concatenate(
        [
            jnp.stack([colsp, rowsp, rowsp], axis=1),
            jnp.stack([colsp, rowsp + NP, rowsp], axis=1),
        ],
        axis=0,
    ).reshape(2 * CPC * 3, CH)
    zrows = jnp.zeros((128, D), jnp.float32)
    zdeg = jnp.zeros((DEGR, L), jnp.float32)
    idrows = jnp.arange(5 * 128, dtype=jnp.int32).reshape(5, 128)
    out_flat = _sc_kernel(cols64, eidx, edge_attr, h_flat, zrows, zdeg, idrows)
    out = out_flat.reshape(2, NP, D)
    return out[0, :N], out[1, :N]

# --- scband reference (transcript-rebuilt; emitter-appended) ---
"""Pipeline reference for scband-qnn-22574348108072 (READ-ONLY COPY).

The authoritative reference and input builder live on the scoring server;
editing this copy changes nothing except your own understanding.
"""

import jax, jax.numpy as jnp
import numpy as np

N = 10000
E = 320000
D_IN = 128
D_HID = 128


def gcn_forward(x, edge_index, edge_attr, W, b):
    # lin
    h = x @ W.T + b
    row = edge_index[0]
    col = edge_index[1]
    n = h.shape[0]
    # degree of target nodes (col)
    deg = jnp.zeros((n,), dtype=h.dtype).at[col].add(1.0)
    deg_safe = jnp.where(deg > 0, deg, 1.0)
    deg_inv_sqrt = jnp.where(deg > 0, 1.0 / jnp.sqrt(deg_safe), 0.0)
    norm = deg_inv_sqrt[row] * deg_inv_sqrt[col]
    # message: gather source features, scale, optionally add edge_attr
    x_j = jnp.take(h, row, axis=0)
    msg = norm[:, None] * (x_j + edge_attr)
    # aggregate (add) at target nodes
    agg = jnp.zeros_like(h).at[col].add(msg)
    return agg + h


def setup_inputs(seed: int = 0) -> dict:
    key = jax.random.key(seed)
    ks = jax.random.split(key, 8)
    x = jax.random.normal(ks[0], (N, D_IN), dtype=jnp.float32)
    edge_index = jax.random.randint(ks[1], (2, E), 0, N, dtype=jnp.int32)
    edge_attr = jax.random.normal(ks[2], (E, D_HID), dtype=jnp.float32)
    bound = 1.0 / np.sqrt(D_IN)
    W_mean = jax.random.uniform(ks[3], (D_HID, D_IN), minval=-bound, maxval=bound, dtype=jnp.float32)
    b_mean = jax.random.uniform(ks[4], (D_HID,), minval=-bound, maxval=bound, dtype=jnp.float32)
    W_std = jax.random.uniform(ks[5], (D_HID, D_IN), minval=-bound, maxval=bound, dtype=jnp.float32)
    b_std = jax.random.uniform(ks[6], (D_HID,), minval=-bound, maxval=bound, dtype=jnp.float32)
    return {"x": x, "edge_index": edge_index, "edge_attr": edge_attr,
            "W_mean": W_mean, "b_mean": b_mean, "W_std": W_std, "b_std": b_std}


def reference(x, edge_index, edge_attr, W_mean, b_mean, W_std, b_std):
    # QNN.forward returns (self.mean(...), self.std(...)); mean is assumed to be a
    # second GCN layer identical in structure to std (it is referenced in forward).
    out_mean = gcn_forward(x, edge_index, edge_attr, W_mean, b_mean)
    out_std = gcn_forward(x, edge_index, edge_attr, W_std, b_std)
    return (out_mean, out_std)

if __name__ == "__main__":
    import jax
    _d = setup_inputs()
    print(jax.jit(kernel)(*tuple(_d.values())))

</pallas_src>

<mosaic_0001>
#map = affine_map<(d0, d1) -> (0, 0)>
module attributes {stable_mosaic.version = 14 : i64} {
  func.func @_sc_kernel(%arg0: i32, %arg1: i32, %arg2: memref<5000x64xi32, #tpu.memory_space<hbm>>, %arg3: memref<15264x128xi32, #tpu.memory_space<hbm>>, %arg4: memref<320000x128xf32, #tpu.memory_space<hbm>>, %arg5: memref<20480x128xf32, #tpu.memory_space<hbm>>, %arg6: memref<128x128xf32, #tpu.memory_space<hbm>>, %arg7: memref<640x16xf32, #tpu.memory_space<hbm>>, %arg8: memref<5x128xi32, #tpu.memory_space<hbm>>, %arg9: memref<20480x128xf32, #tpu.memory_space<hbm>>, %arg10: memref<640x16xf32, #tpu.memory_space<vmem_shared>>, %arg11: memref<10240x128xf32, #tpu.memory_space<vmem_shared>>, %arg12: memref<640x16xf32, #tpu.memory_space<vmem>>, %arg13: memref<5x128xi32, #tpu.memory_space<vmem>>, %arg14: memref<26x64xi32, #tpu.memory_space<vmem>>, %arg15: memref<10x128xi32, #tpu.memory_space<vmem>>, %arg16: memref<128x128xf32, #tpu.memory_space<vmem>>, %arg17: memref<128x128xf32, #tpu.memory_space<vmem>>, %arg18: memref<!tpu.dma_semaphore, #tpu.memory_space<semaphore_mem>>, %arg19: memref<!tpu.dma_semaphore, #tpu.memory_space<semaphore_mem>>, %arg20: memref<!tpu.dma_semaphore, #tpu.memory_space<semaphore_mem>>) attributes {dimension_semantics = [#tpu.dimension_semantics<core_parallel>, #tpu.dimension_semantics<subcore_parallel>], iteration_bounds = array<i64: 2, 16>, scalar_prefetch = 0 : i64, scratch_operands = 11 : i64, tpu.core_type = #tpu.core_type<sc_vector_subcore>, window_params = [{transform_indices = #map}, {transform_indices = #map}, {transform_indices = #map}, {transform_indices = #map}, {transform_indices = #map}, {transform_indices = #map}, {transform_indices = #map}, {transform_indices = #map}]} {
    %broadcast_in_dim3A = arith.constant 1.000000e+00 : f32
    %broadcast_in_dim3A_0 = vector.broadcast %broadcast_in_dim3A : f32 to vector<16xf32>
    "tpu.region"() ({
      %run_scoped3A_254 = tpu.sem_alloc : memref<!tpu.dma_semaphore, #tpu.memory_space<semaphore_mem>>
      tpu.enqueue_dma source(%arg7 : memref<640x16xf32, #tpu.memory_space<hbm>>) target(%arg12 : memref<640x16xf32, #tpu.memory_space<vmem>>) target_semaphore(%run_scoped3A_254 : memref<!tpu.dma_semaphore, #tpu.memory_space<semaphore_mem>>)
      tpu.wait_dma2 semaphore(%run_scoped3A_254 : memref<!tpu.dma_semaphore, #tpu.memory_space<semaphore_mem>>) src(%arg7 : memref<640x16xf32, #tpu.memory_space<hbm>>) dst(%arg12 : memref<640x16xf32, #tpu.memory_space<vmem>>)
      tpu.yield
    }) : () -> ()
    "tpu.region"() ({
      %run_scoped3A_254 = tpu.sem_alloc : memref<!tpu.dma_semaphore, #tpu.memory_space<semaphore_mem>>
      tpu.enqueue_dma source(%arg8 : memref<5x128xi32, #tpu.memory_space<hbm>>) target(%arg13 : memref<5x128xi32, #tpu.memory_space<vmem>>) target_semaphore(%run_scoped3A_254 : memref<!tpu.dma_semaphore, #tpu.memory_space<semaphore_mem>>)
      tpu.wait_dma2 semaphore(%run_scoped3A_254 : memref<!tpu.dma_semaphore, #tpu.memory_space<semaphore_mem>>) src(%arg8 : memref<5x128xi32, #tpu.memory_space<hbm>>) dst(%arg13 : memref<5x128xi32, #tpu.memory_space<vmem>>)
      tpu.yield
    }) : () -> ()
    %mul3A = arith.constant 40 : i32
    %mul3A_1 = arith.muli %arg1, %mul3A : i32
    "tpu.region"() ({
      %run_scoped3A_254 = tpu.sem_alloc : memref<!tpu.dma_semaphore, #tpu.memory_space<semaphore_mem>>
      %dma_start3A_255 = arith.constant 0 : i32
      %dma_start3A_256 = tpu.memref_slice %arg10[%mul3A_1, %dma_start3A_255] : memref<640x16xf32, #tpu.memory_space<vmem_shared>> -> memref<40x16xf32, #tpu.memory_space<vmem_shared>>
      %dma_start3A_257 = arith.constant 0 : i32
      %dma_start3A_258 = arith.constant 0 : i32
      %dma_start3A_259 = tpu.memref_slice %arg7[%dma_start3A_257, %dma_start3A_258] : memref<640x16xf32, #tpu.memory_space<hbm>> -> memref<40x16xf32, #tpu.memory_space<hbm>>
      tpu.enqueue_dma source(%dma_start3A_259 : memref<40x16xf32, #tpu.memory_space<hbm>>) target(%dma_start3A_256 : memref<40x16xf32, #tpu.memory_space<vmem_shared>>) target_semaphore(%run_scoped3A_254 : memref<!tpu.dma_semaphore, #tpu.memory_space<semaphore_mem>>)
      %dma_wait3A_260 = arith.constant 0 : i32
      %dma_wait3A_261 = tpu.memref_slice %arg10[%mul3A_1, %dma_wait3A_260] : memref<640x16xf32, #tpu.memory_space<vmem_shared>> -> memref<40x16xf32, #tpu.memory_space<vmem_shared>>
      %dma_wait3A_262 = arith.constant 0 : i32
      %dma_wait3A_263 = arith.constant 0 : i32
      %dma_wait3A_264 = tpu.memref_slice %arg7[%dma_wait3A_262, %dma_wait3A_263] : memref<640x16xf32, #tpu.memory_space<hbm>> -> memref<40x16xf32, #tpu.memory_space<hbm>>
      tpu.wait_dma2 semaphore(%run_scoped3A_254 : memref<!tpu.dma_semaphore, #tpu.memory_space<semaphore_mem>>) src(%dma_wait3A_264 : memref<40x16xf32, #tpu.memory_space<hbm>>) dst(%dma_wait3A_261 : memref<40x16xf32, #tpu.memory_space<vmem_shared>>)
      tpu.yield
    }) : () -> ()
    %mul3A_2 = arith.constant 640 : i32
    %mul3A_3 = arith.muli %arg1, %mul3A_2 : i32
    %add3A = arith.constant 0 : i32
    %add3A_4 = arith.addi %mul3A_3, %add3A : i32
    "tpu.region"() ({
      %run_scoped3A_254 = tpu.sem_alloc : memref<!tpu.dma_semaphore, #tpu.memory_space<semaphore_mem>>
      %dma_start3A_255 = arith.constant 0 : i32
      %dma_start3A_256 = tpu.memref_slice %arg11[%add3A_4, %dma_start3A_255] : memref<10240x128xf32, #tpu.memory_space<vmem_shared>> -> memref<128x128xf32, #tpu.memory_space<vmem_shared>>
      tpu.enqueue_dma source(%arg6 : memref<128x128xf32, #tpu.memory_space<hbm>>) target(%dma_start3A_256 : memref<128x128xf32, #tpu.memory_space<vmem_shared>>) target_semaphore(%run_scoped3A_254 : memref<!tpu.dma_semaphore, #tpu.memory_space<semaphore_mem>>)
      %dma_wait3A_257 = arith.constant 0 : i32
      %dma_wait3A_258 = tpu.memref_slice %arg11[%add3A_4, %dma_wait3A_257] : memref<10240x128xf32, #tpu.memory_space<vmem_shared>> -> memref<128x128xf32, #tpu.memory_space<vmem_shared>>
      tpu.wait_dma2 semaphore(%run_scoped3A_254 : memref<!tpu.dma_semaphore, #tpu.memory_space<semaphore_mem>>) src(%arg6 : memref<128x128xf32, #tpu.memory_space<hbm>>) dst(%dma_wait3A_258 : memref<128x128xf32, #tpu.memory_space<vmem_shared>>)
      tpu.yield
    }) : () -> ()
    %mul3A_5 = arith.constant 640 : i32
    %mul3A_6 = arith.muli %arg1, %mul3A_5 : i32
    %add3A_7 = arith.constant 128 : i32
    %add3A_8 = arith.addi %mul3A_6, %add3A_7 : i32
    "tpu.region"() ({
      %run_scoped3A_254 = tpu.sem_alloc : memref<!tpu.dma_semaphore, #tpu.memory_space<semaphore_mem>>
      %dma_start3A_255 = arith.constant 0 : i32
      %dma_start3A_256 = tpu.memref_slice %arg11[%add3A_8, %dma_start3A_255] : memref<10240x128xf32, #tpu.memory_space<vmem_shared>> -> memref<128x128xf32, #tpu.memory_space<vmem_shared>>
      tpu.enqueue_dma source(%arg6 : memref<128x128xf32, #tpu.memory_space<hbm>>) target(%dma_start3A_256 : memref<128x128xf32, #tpu.memory_space<vmem_shared>>) target_semaphore(%run_scoped3A_254 : memref<!tpu.dma_semaphore, #tpu.memory_space<semaphore_mem>>)
      %dma_wait3A_257 = arith.constant 0 : i32
      %dma_wait3A_258 = tpu.memref_slice %arg11[%add3A_8, %dma_wait3A_257] : memref<10240x128xf32, #tpu.memory_space<vmem_shared>> -> memref<128x128xf32, #tpu.memory_space<vmem_shared>>
      tpu.wait_dma2 semaphore(%run_scoped3A_254 : memref<!tpu.dma_semaphore, #tpu.memory_space<semaphore_mem>>) src(%arg6 : memref<128x128xf32, #tpu.memory_space<hbm>>) dst(%dma_wait3A_258 : memref<128x128xf32, #tpu.memory_space<vmem_shared>>)
      tpu.yield
    }) : () -> ()
    %mul3A_9 = arith.constant 640 : i32
    %mul3A_10 = arith.muli %arg1, %mul3A_9 : i32
    %add3A_11 = arith.constant 256 : i32
    %add3A_12 = arith.addi %mul3A_10, %add3A_11 : i32
    "tpu.region"() ({
      %run_scoped3A_254 = tpu.sem_alloc : memref<!tpu.dma_semaphore, #tpu.memory_space<semaphore_mem>>
      %dma_start3A_255 = arith.constant 0 : i32
      %dma_start3A_256 = tpu.memref_slice %arg11[%add3A_12, %dma_start3A_255] : memref<10240x128xf32, #tpu.memory_space<vmem_shared>> -> memref<128x128xf32, #tpu.memory_space<vmem_shared>>
      tpu.enqueue_dma source(%arg6 : memref<128x128xf32, #tpu.memory_space<hbm>>) target(%dma_start3A_256 : memref<128x128xf32, #tpu.memory_space<vmem_shared>>) target_semaphore(%run_scoped3A_254 : memref<!tpu.dma_semaphore, #tpu.memory_space<semaphore_mem>>)
      %dma_wait3A_257 = arith.constant 0 : i32
      %dma_wait3A_258 = tpu.memref_slice %arg11[%add3A_12, %dma_wait3A_257] : memref<10240x128xf32, #tpu.memory_space<vmem_shared>> -> memref<128x128xf32, #tpu.memory_space<vmem_shared>>
      tpu.wait_dma2 semaphore(%run_scoped3A_254 : memref<!tpu.dma_semaphore, #tpu.memory_space<semaphore_mem>>) src(%arg6 : memref<128x128xf32, #tpu.memory_space<hbm>>) dst(%dma_wait3A_258 : memref<128x128xf32, #tpu.memory_space<vmem_shared>>)
      tpu.yield
    }) : () -> ()
    %mul3A_13 = arith.constant 640 : i32
    %mul3A_14 = arith.muli %arg1, %mul3A_13 : i32
    %add3A_15 = arith.constant 384 : i32
    %add3A_16 = arith.addi %mul3A_14, %add3A_15 : i32
    "tpu.region"() ({
      %run_scoped3A_254 = tpu.sem_alloc : memref<!tpu.dma_semaphore, #tpu.memory_space<semaphore_mem>>
      %dma_start3A_255 = arith.constant 0 : i32
      %dma_start3A_256 = tpu.memref_slice %arg11[%add3A_16, %dma_start3A_255] : memref<10240x128xf32, #tpu.memory_space<vmem_shared>> -> memref<128x128xf32, #tpu.memory_space<vmem_shared>>
      tpu.enqueue_dma source(%arg6 : memref<128x128xf32, #tpu.memory_space<hbm>>) target(%dma_start3A_256 : memref<128x128xf32, #tpu.memory_space<vmem_shared>>) target_semaphore(%run_scoped3A_254 : memref<!tpu.dma_semaphore, #tpu.memory_space<semaphore_mem>>)
      %dma_wait3A_257 = arith.constant 0 : i32
      %dma_wait3A_258 = tpu.memref_slice %arg11[%add3A_16, %dma_wait3A_257] : memref<10240x128xf32, #tpu.memory_space<vmem_shared>> -> memref<128x128xf32, #tpu.memory_space<vmem_shared>>
      tpu.wait_dma2 semaphore(%run_scoped3A_254 : memref<!tpu.dma_semaphore, #tpu.memory_space<semaphore_mem>>) src(%arg6 : memref<128x128xf32, #tpu.memory_space<hbm>>) dst(%dma_wait3A_258 : memref<128x128xf32, #tpu.memory_space<vmem_shared>>)
      tpu.yield
    }) : () -> ()
    %mul3A_17 = arith.constant 640 : i32
    %mul3A_18 = arith.muli %arg1, %mul3A_17 : i32
    %add3A_19 = arith.constant 512 : i32
    %add3A_20 = arith.addi %mul3A_18, %add3A_19 : i32
    "tpu.region"() ({
      %run_scoped3A_254 = tpu.sem_alloc : memref<!tpu.dma_semaphore, #tpu.memory_space<semaphore_mem>>
      %dma_start3A_255 = arith.constant 0 : i32
      %dma_start3A_256 = tpu.memref_slice %arg11[%add3A_20, %dma_start3A_255] : memref<10240x128xf32, #tpu.memory_space<vmem_shared>> -> memref<128x128xf32, #tpu.memory_space<vmem_shared>>
      tpu.enqueue_dma source(%arg6 : memref<128x128xf32, #tpu.memory_space<hbm>>) target(%dma_start3A_256 : memref<128x128xf32, #tpu.memory_space<vmem_shared>>) target_semaphore(%run_scoped3A_254 : memref<!tpu.dma_semaphore, #tpu.memory_space<semaphore_mem>>)
      %dma_wait3A_257 = arith.constant 0 : i32
      %dma_wait3A_258 = tpu.memref_slice %arg11[%add3A_20, %dma_wait3A_257] : memref<10240x128xf32, #tpu.memory_space<vmem_shared>> -> memref<128x128xf32, #tpu.memory_space<vmem_shared>>
      tpu.wait_dma2 semaphore(%run_scoped3A_254 : memref<!tpu.dma_semaphore, #tpu.memory_space<semaphore_mem>>) src(%arg6 : memref<128x128xf32, #tpu.memory_space<hbm>>) dst(%dma_wait3A_258 : memref<128x128xf32, #tpu.memory_space<vmem_shared>>)
      tpu.yield
    }) : () -> ()
    %barrier3A = arith.constant 0 : index
    tpu.barrier barrier_id(%barrier3A)
    %scan3A = arith.constant 0 : i32
    %scan3A_21 = arith.constant 0 : i32
    %scan3A_22 = arith.constant 12 : i32
    %scan3A_23 = arith.addi %scan3A_21, %scan3A_22 : i32
    %scan3A_24 = arith.constant 1 : i32
    scf.for %scan3A_254 = %scan3A_21 to %scan3A_23 step %scan3A_24  : i32 {
      %mul3A_255 = arith.constant 312 : i32
      %mul3A_256 = arith.muli %arg1, %mul3A_255 : i32
      %mul3A_257 = arith.constant 26 : i32
      %mul3A_258 = arith.muli %scan3A_254, %mul3A_257 : i32
      %add3A_259 = arith.addi %mul3A_256, %mul3A_258 : i32
      "tpu.region"() ({
        %run_scoped3A_266 = tpu.sem_alloc : memref<!tpu.dma_semaphore, #tpu.memory_space<semaphore_mem>>
        %dma_start3A_267 = arith.constant 0 : i32
        %dma_start3A_268 = tpu.memref_slice %arg2[%add3A_259, %dma_start3A_267] : memref<5000x64xi32, #tpu.memory_space<hbm>> -> memref<26x64xi32, #tpu.memory_space<hbm>>
        %dma_start3A_269 = arith.constant 0 : i32
        %dma_start3A_270 = tpu.memref_slice %arg2[%add3A_259, %dma_start3A_269] : memref<5000x64xi32, #tpu.memory_space<hbm>> -> memref<26x64xi32, #tpu.memory_space<hbm>>
        tpu.enqueue_dma source(%dma_start3A_270 : memref<26x64xi32, #tpu.memory_space<hbm>>) target(%arg14 : memref<26x64xi32, #tpu.memory_space<vmem>>) target_semaphore(%run_scoped3A_266 : memref<!tpu.dma_semaphore, #tpu.memory_space<semaphore_mem>>)
        %dma_wait3A_271 = arith.constant 0 : i32
        %dma_wait3A_272 = tpu.memref_slice %arg2[%add3A_259, %dma_wait3A_271] : memref<5000x64xi32, #tpu.memory_space<hbm>> -> memref<26x64xi32, #tpu.memory_space<hbm>>
        %dma_wait3A_273 = arith.constant 0 : i32
        %dma_wait3A_274 = tpu.memref_slice %arg2[%add3A_259, %dma_wait3A_273] : memref<5000x64xi32, #tpu.memory_space<hbm>> -> memref<26x64xi32, #tpu.memory_space<hbm>>
        tpu.wait_dma2 semaphore(%run_scoped3A_266 : memref<!tpu.dma_semaphore, #tpu.memory_space<semaphore_mem>>) src(%dma_wait3A_274 : memref<26x64xi32, #tpu.memory_space<hbm>>) dst(%arg14 : memref<26x64xi32, #tpu.memory_space<vmem>>)
        tpu.yield
      }) : () -> ()
      %scan3A_260 = arith.constant 0 : i32
      %scan3A_261 = arith.constant 0 : i32
      %scan3A_262 = arith.constant 26 : i32
      %scan3A_263 = arith.addi %scan3A_261, %scan3A_262 : i32
      %scan3A_264 = arith.constant 1 : i32
      scf.for %scan3A_266 = %scan3A_261 to %scan3A_263 step %scan3A_264  : i32 {
        %get3A = arith.index_cast %scan3A_266 : i32 to index
        %get3A_267 = arith.constant 0 : index
        %get3A_268 = tpu.vector_load %arg14[%get3A, %get3A_267] {strides = array<i32>} : memref<26x64xi32, #tpu.memory_space<vmem>>, vector<16xi32>,
        %shift_right_logical3A = arith.constant 4 : i32
        %shift_right_logical3A_269 = vector.broadcast %shift_right_logical3A : i32 to vector<16xi32>
        %shift_right_logical3A_270 = arith.shrui %get3A_268, %shift_right_logical3A_269 : vector<16xi32>
        %and3A = arith.constant 15 : i32
        %and3A_271 = vector.broadcast %and3A : i32 to vector<16xi32>
        %and3A_272 = arith.andi %get3A_268, %and3A_271 : vector<16xi32>
        tpu.vector_store_idx %arg12[%shift_right_logical3A_270, %and3A_272], %broadcast_in_dim3A_0 {add = true} : memref<640x16xf32, #tpu.memory_space<vmem>>[vector<16xi32>, vector<16xi32>], vector<16xf32>,
        %get3A_273 = arith.index_cast %scan3A_266 : i32 to index
        %get3A_274 = arith.constant 16 : index
        %get3A_275 = tpu.vector_load %arg14[%get3A_273, %get3A_274] {strides = array<i32>} : memref<26x64xi32, #tpu.memory_space<vmem>>, vector<16xi32>,
        %shift_right_logical3A_276 = arith.constant 4 : i32
        %shift_right_logical3A_277 = vector.broadcast %shift_right_logical3A_276 : i32 to vector<16xi32>
        %shift_right_logical3A_278 = arith.shrui %get3A_275, %shift_right_logical3A_277 : vector<16xi32>
        %and3A_279 = arith.constant 15 : i32
        %and3A_280 = vector.broadcast %and3A_279 : i32 to vector<16xi32>
        %and3A_281 = arith.andi %get3A_275, %and3A_280 : vector<16xi32>
        tpu.vector_store_idx %arg12[%shift_right_logical3A_278, %and3A_281], %broadcast_in_dim3A_0 {add = true} : memref<640x16xf32, #tpu.memory_space<vmem>>[vector<16xi32>, vector<16xi32>], vector<16xf32>,
        %get3A_282 = arith.index_cast %scan3A_266 : i32 to index
        %get3A_283 = arith.constant 32 : index
        %get3A_284 = tpu.vector_load %arg14[%get3A_282, %get3A_283] {strides = array<i32>} : memref<26x64xi32, #tpu.memory_space<vmem>>, vector<16xi32>,
        %shift_right_logical3A_285 = arith.constant 4 : i32
        %shift_right_logical3A_286 = vector.broadcast %shift_right_logical3A_285 : i32 to vector<16xi32>
        %shift_right_logical3A_287 = arith.shrui %get3A_284, %shift_right_logical3A_286 : vector<16xi32>
        %and3A_288 = arith.constant 15 : i32
        %and3A_289 = vector.broadcast %and3A_288 : i32 to vector<16xi32>
        %and3A_290 = arith.andi %get3A_284, %and3A_289 : vector<16xi32>
        tpu.vector_store_idx %arg12[%shift_right_logical3A_287, %and3A_290], %broadcast_in_dim3A_0 {add = true} : memref<640x16xf32, #tpu.memory_space<vmem>>[vector<16xi32>, vector<16xi32>], vector<16xf32>,
        %get3A_291 = arith.index_cast %scan3A_266 : i32 to index
        %get3A_292 = arith.constant 48 : index
        %get3A_293 = tpu.vector_load %arg14[%get3A_291, %get3A_292] {strides = array<i32>} : memref<26x64xi32, #tpu.memory_space<vmem>>, vector<16xi32>,
        %shift_right_logical3A_294 = arith.constant 4 : i32
        %shift_right_logical3A_295 = vector.broadcast %shift_right_logical3A_294 : i32 to vector<16xi32>
        %shift_right_logical3A_296 = arith.shrui %get3A_293, %shift_right_logical3A_295 : vector<16xi32>
        %and3A_297 = arith.constant 15 : i32
        %and3A_298 = vector.broadcast %and3A_297 : i32 to vector<16xi32>
        %and3A_299 = arith.andi %get3A_293, %and3A_298 : vector<16xi32>
        tpu.vector_store_idx %arg12[%shift_right_logical3A_296, %and3A_299], %broadcast_in_dim3A_0 {add = true} : memref<640x16xf32, #tpu.memory_space<vmem>>[vector<16xi32>, vector<16xi32>], vector<16xf32>,
      }
      %scan3A_265 = arith.constant 26 : i32
    }
    %scan3A_25 = arith.constant 12 : i32
    %eq3A = arith.constant 15 : i32
    %eq3A_26 = arith.cmpi eq, %arg1, %eq3A : i32
    %convert_element_type3A = arith.extui %eq3A_26 : i1 to i32
    %cond3A = arith.constant 0 : i32
    %cond3A_27 = arith.cmpi ne, %convert_element_type3A, %cond3A : i32
    scf.if %cond3A_27 {
      "tpu.region"() ({
        %run_scoped3A_260 = tpu.sem_alloc : memref<!tpu.dma_semaphore, #tpu.memory_space<semaphore_mem>>
        %dma_start3A_261 = arith.constant 0 : i32
        %dma_start3A_262 = arith.constant 0 : i32
        %dma_start3A_263 = tpu.memref_slice %arg14[%dma_start3A_261, %dma_start3A_262] : memref<26x64xi32, #tpu.memory_space<vmem>> -> memref<8x64xi32, #tpu.memory_space<vmem>>
        %dma_start3A_264 = arith.constant 4992 : i32
        %dma_start3A_265 = arith.constant 0 : i32
        %dma_start3A_266 = tpu.memref_slice %arg2[%dma_start3A_264, %dma_start3A_265] : memref<5000x64xi32, #tpu.memory_space<hbm>> -> memref<8x64xi32, #tpu.memory_space<hbm>>
        %dma_start3A_267 = arith.constant 0 : i32
        %dma_start3A_268 = arith.constant 0 : i32
        %dma_start3A_269 = tpu.memref_slice %arg14[%dma_start3A_267, %dma_start3A_268] : memref<26x64xi32, #tpu.memory_space<vmem>> -> memref<8x64xi32, #tpu.memory_space<vmem>>
        %dma_start3A_270 = arith.constant 4992 : i32
        %dma_start3A_271 = arith.constant 0 : i32
        %dma_start3A_272 = tpu.memref_slice %arg2[%dma_start3A_270, %dma_start3A_271] : memref<5000x64xi32, #tpu.memory_space<hbm>> -> memref<8x64xi32, #tpu.memory_space<hbm>>
        tpu.enqueue_dma source(%dma_start3A_272 : memref<8x64xi32, #tpu.memory_space<hbm>>) target(%dma_start3A_269 : memref<8x64xi32, #tpu.memory_space<vmem>>) target_semaphore(%run_scoped3A_260 : memref<!tpu.dma_semaphore, #tpu.memory_space<semaphore_mem>>)
        %dma_wait3A_273 = arith.constant 0 : i32
        %dma_wait3A_274 = arith.constant 0 : i32
        %dma_wait3A_275 = tpu.memref_slice %arg14[%dma_wait3A_273, %dma_wait3A_274] : memref<26x64xi32, #tpu.memory_space<vmem>> -> memref<8x64xi32, #tpu.memory_space<vmem>>
        %dma_wait3A_276 = arith.constant 4992 : i32
        %dma_wait3A_277 = arith.constant 0 : i32
        %dma_wait3A_278 = tpu.memref_slice %arg2[%dma_wait3A_276, %dma_wait3A_277] : memref<5000x64xi32, #tpu.memory_space<hbm>> -> memref<8x64xi32, #tpu.memory_space<hbm>>
        %dma_wait3A_279 = arith.constant 0 : i32
        %dma_wait3A_280 = arith.constant 0 : i32
        %dma_wait3A_281 = tpu.memref_slice %arg14[%dma_wait3A_279, %dma_wait3A_280] : memref<26x64xi32, #tpu.memory_space<vmem>> -> memref<8x64xi32, #tpu.memory_space<vmem>>
        %dma_wait3A_282 = arith.constant 4992 : i32
        %dma_wait3A_283 = arith.constant 0 : i32
        %dma_wait3A_284 = tpu.memref_slice %arg2[%dma_wait3A_282, %dma_wait3A_283] : memref<5000x64xi32, #tpu.memory_space<hbm>> -> memref<8x64xi32, #tpu.memory_space<hbm>>
        tpu.wait_dma2 semaphore(%run_scoped3A_260 : memref<!tpu.dma_semaphore, #tpu.memory_space<semaphore_mem>>) src(%dma_wait3A_284 : memref<8x64xi32, #tpu.memory_space<hbm>>) dst(%dma_wait3A_281 : memref<8x64xi32, #tpu.memory_space<vmem>>)
        tpu.yield
      }) : () -> ()
      %scan3A_254 = arith.constant 0 : i32
      %scan3A_255 = arith.constant 0 : i32
      %scan3A_256 = arith.constant 8 : i32
      %scan3A_257 = arith.addi %scan3A_255, %scan3A_256 : i32
      %scan3A_258 = arith.constant 1 : i32
      scf.for %scan3A_260 = %scan3A_255 to %scan3A_257 step %scan3A_258  : i32 {
        %get3A = arith.index_cast %scan3A_260 : i32 to index
        %get3A_261 = arith.constant 0 : index
        %get3A_262 = tpu.vector_load %arg14[%get3A, %get3A_261] {strides = array<i32>} : memref<26x64xi32, #tpu.memory_space<vmem>>, vector<16xi32>,
        %shift_right_logical3A = arith.constant 4 : i32
        %shift_right_logical3A_263 = vector.broadcast %shift_right_logical3A : i32 to vector<16xi32>
        %shift_right_logical3A_264 = arith.shrui %get3A_262, %shift_right_logical3A_263 : vector<16xi32>
        %and3A = arith.constant 15 : i32
        %and3A_265 = vector.broadcast %and3A : i32 to vector<16xi32>
        %and3A_266 = arith.andi %get3A_262, %and3A_265 : vector<16xi32>
        tpu.vector_store_idx %arg12[%shift_right_logical3A_264, %and3A_266], %broadcast_in_dim3A_0 {add = true} : memref<640x16xf32, #tpu.memory_space<vmem>>[vector<16xi32>, vector<16xi32>], vector<16xf32>,
        %get3A_267 = arith.index_cast %scan3A_260 : i32 to index
        %get3A_268 = arith.constant 16 : index
        %get3A_269 = tpu.vector_load %arg14[%get3A_267, %get3A_268] {strides = array<i32>} : memref<26x64xi32, #tpu.memory_space<vmem>>, vector<16xi32>,
        %shift_right_logical3A_270 = arith.constant 4 : i32
        %shift_right_logical3A_271 = vector.broadcast %shift_right_logical3A_270 : i32 to vector<16xi32>
        %shift_right_logical3A_272 = arith.shrui %get3A_269, %shift_right_logical3A_271 : vector<16xi32>
        %and3A_273 = arith.constant 15 : i32
        %and3A_274 = vector.broadcast %and3A_273 : i32 to vector<16xi32>
        %and3A_275 = arith.andi %get3A_269, %and3A_274 : vector<16xi32>
        tpu.vector_store_idx %arg12[%shift_right_logical3A_272, %and3A_275], %broadcast_in_dim3A_0 {add = true} : memref<640x16xf32, #tpu.memory_space<vmem>>[vector<16xi32>, vector<16xi32>], vector<16xf32>,
        %get3A_276 = arith.index_cast %scan3A_260 : i32 to index
        %get3A_277 = arith.constant 32 : index
        %get3A_278 = tpu.vector_load %arg14[%get3A_276, %get3A_277] {strides = array<i32>} : memref<26x64xi32, #tpu.memory_space<vmem>>, vector<16xi32>,
        %shift_right_logical3A_279 = arith.constant 4 : i32
        %shift_right_logical3A_280 = vector.broadcast %shift_right_logical3A_279 : i32 to vector<16xi32>
        %shift_right_logical3A_281 = arith.shrui %get3A_278, %shift_right_logical3A_280 : vector<16xi32>
        %and3A_282 = arith.constant 15 : i32
        %and3A_283 = vector.broadcast %and3A_282 : i32 to vector<16xi32>
        %and3A_284 = arith.andi %get3A_278, %and3A_283 : vector<16xi32>
        tpu.vector_store_idx %arg12[%shift_right_logical3A_281, %and3A_284], %broadcast_in_dim3A_0 {add = true} : memref<640x16xf32, #tpu.memory_space<vmem>>[vector<16xi32>, vector<16xi32>], vector<16xf32>,
        %get3A_285 = arith.index_cast %scan3A_260 : i32 to index
        %get3A_286 = arith.constant 48 : index
        %get3A_287 = tpu.vector_load %arg14[%get3A_285, %get3A_286] {strides = array<i32>} : memref<26x64xi32, #tpu.memory_space<vmem>>, vector<16xi32>,
        %shift_right_logical3A_288 = arith.constant 4 : i32
        %shift_right_logical3A_289 = vector.broadcast %shift_right_logical3A_288 : i32 to vector<16xi32>
        %shift_right_logical3A_290 = arith.shrui %get3A_287, %shift_right_logical3A_289 : vector<16xi32>
        %and3A_291 = arith.constant 15 : i32
        %and3A_292 = vector.broadcast %and3A_291 : i32 to vector<16xi32>
        %and3A_293 = arith.andi %get3A_287, %and3A_292 : vector<16xi32>
        tpu.vector_store_idx %arg12[%shift_right_logical3A_290, %and3A_293], %broadcast_in_dim3A_0 {add = true} : memref<640x16xf32, #tpu.memory_space<vmem>>[vector<16xi32>, vector<16xi32>], vector<16xf32>,
      }
      %scan3A_259 = arith.constant 8 : i32
    } else {
    }
    %run_scoped3A = arith.constant 0 : i32
    "tpu.region"() ({
      %run_scoped3A_254 = tpu.sem_alloc : memref<!tpu.dma_semaphore, #tpu.memory_space<semaphore_mem>>
      %dma_start3A_255 = arith.constant 0 : i32
      %dma_start3A_256 = arith.constant 0 : i32
      %dma_start3A_257 = tpu.memref_slice %arg12[%dma_start3A_255, %dma_start3A_256] : memref<640x16xf32, #tpu.memory_space<vmem>> -> memref<128x16xf32, #tpu.memory_space<vmem>>
      %dma_start3A_258 = arith.constant 0 : i32
      %dma_start3A_259 = tpu.memref_slice %arg13[%run_scoped3A, %dma_start3A_258] : memref<5x128xi32, #tpu.memory_space<vmem>> -> memref<1x128xi32, #tpu.memory_space<vmem>>
      %dma_start3A_260 = tpu.memref_squeeze %dma_start3A_259 : memref<1x128xi32, #tpu.memory_space<vmem>> -> memref<128xi32, #tpu.memory_space<vmem>>
      %dma_start3A_261 = arith.constant 0 : i32
      %dma_start3A_262 = arith.constant 0 : i32
      %dma_start3A_263 = tpu.memref_slice %arg10[%dma_start3A_261, %dma_start3A_262] : memref<640x16xf32, #tpu.memory_space<vmem_shared>> -> memref<640x16xf32, #tpu.memory_space<vmem_shared>>
      tpu.enqueue_indirect_dma source(%dma_start3A_257 : memref<128x16xf32, #tpu.memory_space<vmem>>) target(%dma_start3A_263 : memref<640x16xf32, #tpu.memory_space<vmem_shared>>) offsets(%dma_start3A_260 : memref<128xi32, #tpu.memory_space<vmem>>) semaphore(%run_scoped3A_254 : memref<!tpu.dma_semaphore, #tpu.memory_space<semaphore_mem>>) {add = true}
      %dma_wait3A_264 = arith.constant 0 : i32
      %dma_wait3A_265 = arith.constant 0 : i32
      %dma_wait3A_266 = tpu.memref_slice %arg12[%dma_wait3A_264, %dma_wait3A_265] : memref<640x16xf32, #tpu.memory_space<vmem>> -> memref<128x16xf32, #tpu.memory_space<vmem>>
      %dma_wait3A_267 = arith.constant 0 : i32
      %dma_wait3A_268 = tpu.memref_slice %arg13[%run_scoped3A, %dma_wait3A_267] : memref<5x128xi32, #tpu.memory_space<vmem>> -> memref<1x128xi32, #tpu.memory_space<vmem>>
      %dma_wait3A_269 = tpu.memref_squeeze %dma_wait3A_268 : memref<1x128xi32, #tpu.memory_space<vmem>> -> memref<128xi32, #tpu.memory_space<vmem>>
      %dma_wait3A_270 = arith.constant 0 : i32
      %dma_wait3A_271 = arith.constant 0 : i32
      %dma_wait3A_272 = tpu.memref_slice %arg10[%dma_wait3A_270, %dma_wait3A_271] : memref<640x16xf32, #tpu.memory_space<vmem_shared>> -> memref<640x16xf32, #tpu.memory_space<vmem_shared>>
      tpu.wait_indirect_dma semaphore(%run_scoped3A_254 : memref<!tpu.dma_semaphore, #tpu.memory_space<semaphore_mem>>) src(%dma_wait3A_266 : memref<128x16xf32, #tpu.memory_space<vmem>>) dst(%dma_wait3A_272 : memref<640x16xf32, #tpu.memory_space<vmem_shared>>)
      tpu.yield
    }) : () -> ()
    %run_scoped3A_28 = arith.constant 1 : i32
    "tpu.region"() ({
      %run_scoped3A_254 = tpu.sem_alloc : memref<!tpu.dma_semaphore, #tpu.memory_space<semaphore_mem>>
      %dma_start3A_255 = arith.constant 128 : i32
      %dma_start3A_256 = arith.constant 0 : i32
      %dma_start3A_257 = tpu.memref_slice %arg12[%dma_start3A_255, %dma_start3A_256] : memref<640x16xf32, #tpu.memory_space<vmem>> -> memref<128x16xf32, #tpu.memory_space<vmem>>
      %dma_start3A_258 = arith.constant 0 : i32
      %dma_start3A_259 = tpu.memref_slice %arg13[%run_scoped3A_28, %dma_start3A_258] : memref<5x128xi32, #tpu.memory_space<vmem>> -> memref<1x128xi32, #tpu.memory_space<vmem>>
      %dma_start3A_260 = tpu.memref_squeeze %dma_start3A_259 : memref<1x128xi32, #tpu.memory_space<vmem>> -> memref<128xi32, #tpu.memory_space<vmem>>
      %dma_start3A_261 = arith.constant 0 : i32
      %dma_start3A_262 = arith.constant 0 : i32
      %dma_start3A_263 = tpu.memref_slice %arg10[%dma_start3A_261, %dma_start3A_262] : memref<640x16xf32, #tpu.memory_space<vmem_shared>> -> memref<640x16xf32, #tpu.memory_space<vmem_shared>>
      tpu.enqueue_indirect_dma source(%dma_start3A_257 : memref<128x16xf32, #tpu.memory_space<vmem>>) target(%dma_start3A_263 : memref<640x16xf32, #tpu.memory_space<vmem_shared>>) offsets(%dma_start3A_260 : memref<128xi32, #tpu.memory_space<vmem>>) semaphore(%run_scoped3A_254 : memref<!tpu.dma_semaphore, #tpu.memory_space<semaphore_mem>>) {add = true}
      %dma_wait3A_264 = arith.constant 128 : i32
      %dma_wait3A_265 = arith.constant 0 : i32
      %dma_wait3A_266 = tpu.memref_slice %arg12[%dma_wait3A_264, %dma_wait3A_265] : memref<640x16xf32, #tpu.memory_space<vmem>> -> memref<128x16xf32, #tpu.memory_space<vmem>>
      %dma_wait3A_267 = arith.constant 0 : i32
      %dma_wait3A_268 = tpu.memref_slice %arg13[%run_scoped3A_28, %dma_wait3A_267] : memref<5x128xi32, #tpu.memory_space<vmem>> -> memref<1x128xi32, #tpu.memory_space<vmem>>
      %dma_wait3A_269 = tpu.memref_squeeze %dma_wait3A_268 : memref<1x128xi32, #tpu.memory_space<vmem>> -> memref<128xi32, #tpu.memory_space<vmem>>
      %dma_wait3A_270 = arith.constant 0 : i32
      %dma_wait3A_271 = arith.constant 0 : i32
      %dma_wait3A_272 = tpu.memref_slice %arg10[%dma_wait3A_270, %dma_wait3A_271] : memref<640x16xf32, #tpu.memory_space<vmem_shared>> -> memref<640x16xf32, #tpu.memory_space<vmem_shared>>
      tpu.wait_indirect_dma semaphore(%run_scoped3A_254 : memref<!tpu.dma_semaphore, #tpu.memory_space<semaphore_mem>>) src(%dma_wait3A_266 : memref<128x16xf32, #tpu.memory_space<vmem>>) dst(%dma_wait3A_272 : memref<640x16xf32, #tpu.memory_space<vmem_shared>>)
      tpu.yield
    }) : () -> ()
    %run_scoped3A_29 = arith.constant 2 : i32
    "tpu.region"() ({
      %run_scoped3A_254 = tpu.sem_alloc : memref<!tpu.dma_semaphore, #tpu.memory_space<semaphore_mem>>
      %dma_start3A_255 = arith.constant 256 : i32
      %dma_start3A_256 = arith.constant 0 : i32
      %dma_start3A_257 = tpu.memref_slice %arg12[%dma_start3A_255, %dma_start3A_256] : memref<640x16xf32, #tpu.memory_space<vmem>> -> memref<128x16xf32, #tpu.memory_space<vmem>>
      %dma_start3A_258 = arith.constant 0 : i32
      %dma_start3A_259 = tpu.memref_slice %arg13[%run_scoped3A_29, %dma_start3A_258] : memref<5x128xi32, #tpu.memory_space<vmem>> -> memref<1x128xi32, #tpu.memory_space<vmem>>
      %dma_start3A_260 = tpu.memref_squeeze %dma_start3A_259 : memref<1x128xi32, #tpu.memory_space<vmem>> -> memref<128xi32, #tpu.memory_space<vmem>>
      %dma_start3A_261 = arith.constant 0 : i32
      %dma_start3A_262 = arith.constant 0 : i32
      %dma_start3A_263 = tpu.memref_slice %arg10[%dma_start3A_261, %dma_start3A_262] : memref<640x16xf32, #tpu.memory_space<vmem_shared>> -> memref<640x16xf32, #tpu.memory_space<vmem_shared>>
      tpu.enqueue_indirect_dma source(%dma_start3A_257 : memref<128x16xf32, #tpu.memory_space<vmem>>) target(%dma_start3A_263 : memref<640x16xf32, #tpu.memory_space<vmem_shared>>) offsets(%dma_start3A_260 : memref<128xi32, #tpu.memory_space<vmem>>) semaphore(%run_scoped3A_254 : memref<!tpu.dma_semaphore, #tpu.memory_space<semaphore_mem>>) {add = true}
      %dma_wait3A_264 = arith.constant 256 : i32
      %dma_wait3A_265 = arith.constant 0 : i32
      %dma_wait3A_266 = tpu.memref_slice %arg12[%dma_wait3A_264, %dma_wait3A_265] : memref<640x16xf32, #tpu.memory_space<vmem>> -> memref<128x16xf32, #tpu.memory_space<vmem>>
      %dma_wait3A_267 = arith.constant 0 : i32
      %dma_wait3A_268 = tpu.memref_slice %arg13[%run_scoped3A_29, %dma_wait3A_267] : memref<5x128xi32, #tpu.memory_space<vmem>> -> memref<1x128xi32, #tpu.memory_space<vmem>>
      %dma_wait3A_269 = tpu.memref_squeeze %dma_wait3A_268 : memref<1x128xi32, #tpu.memory_space<vmem>> -> memref<128xi32, #tpu.memory_space<vmem>>
      %dma_wait3A_270 = arith.constant 0 : i32
      %dma_wait3A_271 = arith.constant 0 : i32
      %dma_wait3A_272 = tpu.memref_slice %arg10[%dma_wait3A_270, %dma_wait3A_271] : memref<640x16xf32, #tpu.memory_space<vmem_shared>> -> memref<640x16xf32, #tpu.memory_space<vmem_shared>>
      tpu.wait_indirect_dma semaphore(%run_scoped3A_254 : memref<!tpu.dma_semaphore, #tpu.memory_space<semaphore_mem>>) src(%dma_wait3A_266 : memref<128x16xf32, #tpu.memory_space<vmem>>) dst(%dma_wait3A_272 : memref<640x16xf32, #tpu.memory_space<vmem_shared>>)
      tpu.yield
    }) : () -> ()
    %run_scoped3A_30 = arith.constant 3 : i32
    "tpu.region"() ({
      %run_scoped3A_254 = tpu.sem_alloc : memref<!tpu.dma_semaphore, #tpu.memory_space<semaphore_mem>>
      %dma_start3A_255 = arith.constant 384 : i32
      %dma_start3A_256 = arith.constant 0 : i32
      %dma_start3A_257 = tpu.memref_slice %arg12[%dma_start3A_255, %dma_start3A_256] : memref<640x16xf32, #tpu.memory_space<vmem>> -> memref<128x16xf32, #tpu.memory_space<vmem>>
      %dma_start3A_258 = arith.constant 0 : i32
      %dma_start3A_259 = tpu.memref_slice %arg13[%run_scoped3A_30, %dma_start3A_258] : memref<5x128xi32, #tpu.memory_space<vmem>> -> memref<1x128xi32, #tpu.memory_space<vmem>>
      %dma_start3A_260 = tpu.memref_squeeze %dma_start3A_259 : memref<1x128xi32, #tpu.memory_space<vmem>> -> memref<128xi32, #tpu.memory_space<vmem>>
      %dma_start3A_261 = arith.constant 0 : i32
      %dma_start3A_262 = arith.constant 0 : i32
      %dma_start3A_263 = tpu.memref_slice %arg10[%dma_start3A_261, %dma_start3A_262] : memref<640x16xf32, #tpu.memory_space<vmem_shared>> -> memref<640x16xf32, #tpu.memory_space<vmem_shared>>
      tpu.enqueue_indirect_dma source(%dma_start3A_257 : memref<128x16xf32, #tpu.memory_space<vmem>>) target(%dma_start3A_263 : memref<640x16xf32, #tpu.memory_space<vmem_shared>>) offsets(%dma_start3A_260 : memref<128xi32, #tpu.memory_space<vmem>>) semaphore(%run_scoped3A_254 : memref<!tpu.dma_semaphore, #tpu.memory_space<semaphore_mem>>) {add = true}
      %dma_wait3A_264 = arith.constant 384 : i32
      %dma_wait3A_265 = arith.constant 0 : i32
      %dma_wait3A_266 = tpu.memref_slice %arg12[%dma_wait3A_264, %dma_wait3A_265] : memref<640x16xf32, #tpu.memory_space<vmem>> -> memref<128x16xf32, #tpu.memory_space<vmem>>
      %dma_wait3A_267 = arith.constant 0 : i32
      %dma_wait3A_268 = tpu.memref_slice %arg13[%run_scoped3A_30, %dma_wait3A_267] : memref<5x128xi32, #tpu.memory_space<vmem>> -> memref<1x128xi32, #tpu.memory_space<vmem>>
      %dma_wait3A_269 = tpu.memref_squeeze %dma_wait3A_268 : memref<1x128xi32, #tpu.memory_space<vmem>> -> memref<128xi32, #tpu.memory_space<vmem>>
      %dma_wait3A_270 = arith.constant 0 : i32
      %dma_wait3A_271 = arith.constant 0 : i32
      %dma_wait3A_272 = tpu.memref_slice %arg10[%dma_wait3A_270, %dma_wait3A_271] : memref<640x16xf32, #tpu.memory_space<vmem_shared>> -> memref<640x16xf32, #tpu.memory_space<vmem_shared>>
      tpu.wait_indirect_dma semaphore(%run_scoped3A_254 : memref<!tpu.dma_semaphore, #tpu.memory_space<semaphore_mem>>) src(%dma_wait3A_266 : memref<128x16xf32, #tpu.memory_space<vmem>>) dst(%dma_wait3A_272 : memref<640x16xf32, #tpu.memory_space<vmem_shared>>)
      tpu.yield
    }) : () -> ()
    %run_scoped3A_31 = arith.constant 4 : i32
    "tpu.region"() ({
      %run_scoped3A_254 = tpu.sem_alloc : memref<!tpu.dma_semaphore, #tpu.memory_space<semaphore_mem>>
      %dma_start3A_255 = arith.constant 512 : i32
      %dma_start3A_256 = arith.constant 0 : i32
      %dma_start3A_257 = tpu.memref_slice %arg12[%dma_start3A_255, %dma_start3A_256] : memref<640x16xf32, #tpu.memory_space<vmem>> -> memref<128x16xf32, #tpu.memory_space<vmem>>
      %dma_start3A_258 = arith.constant 0 : i32
      %dma_start3A_259 = tpu.memref_slice %arg13[%run_scoped3A_31, %dma_start3A_258] : memref<5x128xi32, #tpu.memory_space<vmem>> -> memref<1x128xi32, #tpu.memory_space<vmem>>
      %dma_start3A_260 = tpu.memref_squeeze %dma_start3A_259 : memref<1x128xi32, #tpu.memory_space<vmem>> -> memref<128xi32, #tpu.memory_space<vmem>>
      %dma_start3A_261 = arith.constant 0 : i32
      %dma_start3A_262 = arith.constant 0 : i32
      %dma_start3A_263 = tpu.memref_slice %arg10[%dma_start3A_261, %dma_start3A_262] : memref<640x16xf32, #tpu.memory_space<vmem_shared>> -> memref<640x16xf32, #tpu.memory_space<vmem_shared>>
      tpu.enqueue_indirect_dma source(%dma_start3A_257 : memref<128x16xf32, #tpu.memory_space<vmem>>) target(%dma_start3A_263 : memref<640x16xf32, #tpu.memory_space<vmem_shared>>) offsets(%dma_start3A_260 : memref<128xi32, #tpu.memory_space<vmem>>) semaphore(%run_scoped3A_254 : memref<!tpu.dma_semaphore, #tpu.memory_space<semaphore_mem>>) {add = true}
      %dma_wait3A_264 = arith.constant 512 : i32
      %dma_wait3A_265 = arith.constant 0 : i32
      %dma_wait3A_266 = tpu.memref_slice %arg12[%dma_wait3A_264, %dma_wait3A_265] : memref<640x16xf32, #tpu.memory_space<vmem>> -> memref<128x16xf32, #tpu.memory_space<vmem>>
      %dma_wait3A_267 = arith.constant 0 : i32
      %dma_wait3A_268 = tpu.memref_slice %arg13[%run_scoped3A_31, %dma_wait3A_267] : memref<5x128xi32, #tpu.memory_space<vmem>> -> memref<1x128xi32, #tpu.memory_space<vmem>>
      %dma_wait3A_269 = tpu.memref_squeeze %dma_wait3A_268 : memref<1x128xi32, #tpu.memory_space<vmem>> -> memref<128xi32, #tpu.memory_space<vmem>>
      %dma_wait3A_270 = arith.constant 0 : i32
      %dma_wait3A_271 = arith.constant 0 : i32
      %dma_wait3A_272 = tpu.memref_slice %arg10[%dma_wait3A_270, %dma_wait3A_271] : memref<640x16xf32, #tpu.memory_space<vmem_shared>> -> memref<640x16xf32, #tpu.memory_space<vmem_shared>>
      tpu.wait_indirect_dma semaphore(%run_scoped3A_254 : memref<!tpu.dma_semaphore, #tpu.memory_space<semaphore_mem>>) src(%dma_wait3A_266 : memref<128x16xf32, #tpu.memory_space<vmem>>) dst(%dma_wait3A_272 : memref<640x16xf32, #tpu.memory_space<vmem_shared>>)
      tpu.yield
    }) : () -> ()
    %barrier3A_32 = arith.constant 0 : index
    tpu.barrier barrier_id(%barrier3A_32)
    "tpu.region"() ({
      %run_scoped3A_254 = tpu.sem_alloc : memref<!tpu.dma_semaphore, #tpu.memory_space<semaphore_mem>>
      tpu.enqueue_dma source(%arg10 : memref<640x16xf32, #tpu.memory_space<vmem_shared>>) target(%arg12 : memref<640x16xf32, #tpu.memory_space<vmem>>) target_semaphore(%run_scoped3A_254 : memref<!tpu.dma_semaphore, #tpu.memory_space<semaphore_mem>>)
      tpu.wait_dma2 semaphore(%run_scoped3A_254 : memref<!tpu.dma_semaphore, #tpu.memory_space<semaphore_mem>>) src(%arg10 : memref<640x16xf32, #tpu.memory_space<vmem_shared>>) dst(%arg12 : memref<640x16xf32, #tpu.memory_space<vmem>>)
      tpu.yield
    }) : () -> ()
    %scan3A_33 = arith.constant 0 : i32
    %scan3A_34 = arith.constant 0 : i32
    %scan3A_35 = arith.constant 640 : i32
    %scan3A_36 = arith.addi %scan3A_34, %scan3A_35 : i32
    %scan3A_37 = arith.constant 1 : i32
    scf.for %scan3A_254 = %scan3A_34 to %scan3A_36 step %scan3A_37  : i32 {
      %get3A = arith.index_cast %scan3A_254 : i32 to index
      %get3A_255 = arith.constant 0 : index
      %get3A_256 = tpu.vector_load %arg12[%get3A, %get3A_255] {strides = array<i32>} : memref<640x16xf32, #tpu.memory_space<vmem>>, vector<16xf32>,
      %bitcast3A = vector.bitcast %get3A_256 : vector<16xf32> to vector<16xi32>
      %shift_right_logical3A = arith.constant 1 : i32
      %shift_right_logical3A_257 = vector.broadcast %shift_right_logical3A : i32 to vector<16xi32>
      %shift_right_logical3A_258 = arith.shrui %bitcast3A, %shift_right_logical3A_257 : vector<16xi32>
      %sub3A = arith.constant 1597463007 : i32
      %sub3A_259 = vector.broadcast %sub3A : i32 to vector<16xi32>
      %sub3A_260 = arith.subi %sub3A_259, %shift_right_logical3A_258 : vector<16xi32>
      %bitcast3A_261 = vector.bitcast %sub3A_260 : vector<16xi32> to vector<16xf32>
      %mul3A_262 = arith.constant 5.000000e-01 : f32
      %mul3A_263 = vector.broadcast %mul3A_262 : f32 to vector<16xf32>
      %mul3A_264 = arith.mulf %mul3A_263, %get3A_256 : vector<16xf32>
      %mul3A_265 = arith.mulf %mul3A_264, %bitcast3A_261 : vector<16xf32>
      %mul3A_266 = arith.mulf %mul3A_265, %bitcast3A_261 : vector<16xf32>
      %sub3A_267 = arith.constant 1.500000e+00 : f32
      %sub3A_268 = vector.broadcast %sub3A_267 : f32 to vector<16xf32>
      %sub3A_269 = arith.subf %sub3A_268, %mul3A_266 : vector<16xf32>
      %mul3A_270 = arith.mulf %bitcast3A_261, %sub3A_269 : vector<16xf32>
      %mul3A_271 = arith.constant 5.000000e-01 : f32
      %mul3A_272 = vector.broadcast %mul3A_271 : f32 to vector<16xf32>
      %mul3A_273 = arith.mulf %mul3A_272, %get3A_256 : vector<16xf32>
      %mul3A_274 = arith.mulf %mul3A_273, %mul3A_270 : vector<16xf32>
      %mul3A_275 = arith.mulf %mul3A_274, %mul3A_270 : vector<16xf32>
      %sub3A_276 = arith.constant 1.500000e+00 : f32
      %sub3A_277 = vector.broadcast %sub3A_276 : f32 to vector<16xf32>
      %sub3A_278 = arith.subf %sub3A_277, %mul3A_275 : vector<16xf32>
      %mul3A_279 = arith.mulf %mul3A_270, %sub3A_278 : vector<16xf32>
      %mul3A_280 = arith.constant 5.000000e-01 : f32
      %mul3A_281 = vector.broadcast %mul3A_280 : f32 to vector<16xf32>
      %mul3A_282 = arith.mulf %mul3A_281, %get3A_256 : vector<16xf32>
      %mul3A_283 = arith.mulf %mul3A_282, %mul3A_279 : vector<16xf32>
      %mul3A_284 = arith.mulf %mul3A_283, %mul3A_279 : vector<16xf32>
      %sub3A_285 = arith.constant 1.500000e+00 : f32
      %sub3A_286 = vector.broadcast %sub3A_285 : f32 to vector<16xf32>
      %sub3A_287 = arith.subf %sub3A_286, %mul3A_284 : vector<16xf32>
      %mul3A_288 = arith.mulf %mul3A_279, %sub3A_287 : vector<16xf32>
      %gt3A = arith.constant 5.000000e-01 : f32
      %gt3A_289 = vector.broadcast %gt3A : f32 to vector<16xf32>
      %gt3A_290 = arith.cmpf ogt, %get3A_256, %gt3A_289 : vector<16xf32>
      %jit3A = arith.constant 0.000000e+00 : f32
      %broadcast_in_dim3A_291 = vector.broadcast %jit3A : f32 to vector<16xf32>
      %select_n3A = arith.select %gt3A_290, %mul3A_288, %broadcast_in_dim3A_291 : vector<16xi1>, vector<16xf32>
      %swap3A = arith.index_cast %scan3A_254 : i32 to index
      %swap3A_292 = arith.constant 0 : index
      %swap3A_293 = tpu.vector_load %arg12[%swap3A, %swap3A_292] {strides = array<i32>} : memref<640x16xf32, #tpu.memory_space<vmem>>, vector<16xf32>,
      tpu.vector_store %arg12[%swap3A, %swap3A_292], %select_n3A {strides = array<i32>} : memref<640x16xf32, #tpu.memory_space<vmem>>, vector<16xf32>,
    }
    %scan3A_38 = arith.constant 640 : i32
    %mul3A_39 = arith.constant 2544 : i32
    %mul3A_40 = arith.muli %arg0, %mul3A_39 : i32
    %add3A_41 = arith.addi %mul3A_40, %arg1 : i32
    %add3A_42 = arith.constant 0 : i32
    %add3A_43 = arith.addi %add3A_41, %add3A_42 : i32
    %mul3A_44 = arith.constant 3 : i32
    %mul3A_45 = arith.muli %add3A_43, %mul3A_44 : i32
    %dma_start3A = arith.constant 0 : i32
    %dma_start3A_46 = arith.constant 0 : i32
    %dma_start3A_47 = tpu.memref_slice %arg15[%dma_start3A, %dma_start3A_46] : memref<10x128xi32, #tpu.memory_space<vmem>> -> memref<3x128xi32, #tpu.memory_space<vmem>>
    %dma_start3A_48 = arith.constant 0 : i32
    %dma_start3A_49 = tpu.memref_slice %arg3[%mul3A_45, %dma_start3A_48] : memref<15264x128xi32, #tpu.memory_space<hbm>> -> memref<3x128xi32, #tpu.memory_space<hbm>>
    %dma_start3A_50 = arith.constant 0 : i32
    %dma_start3A_51 = arith.constant 0 : i32
    %dma_start3A_52 = tpu.memref_slice %arg15[%dma_start3A_50, %dma_start3A_51] : memref<10x128xi32, #tpu.memory_space<vmem>> -> memref<3x128xi32, #tpu.memory_space<vmem>>
    %dma_start3A_53 = arith.constant 0 : i32
    %dma_start3A_54 = tpu.memref_slice %arg3[%mul3A_45, %dma_start3A_53] : memref<15264x128xi32, #tpu.memory_space<hbm>> -> memref<3x128xi32, #tpu.memory_space<hbm>>
    tpu.enqueue_dma source(%dma_start3A_54 : memref<3x128xi32, #tpu.memory_space<hbm>>) target(%dma_start3A_52 : memref<3x128xi32, #tpu.memory_space<vmem>>) target_semaphore(%arg18 : memref<!tpu.dma_semaphore, #tpu.memory_space<semaphore_mem>>)
    %scan3A_55 = arith.constant 0 : i32
    %scan3A_56 = arith.constant 0 : i32
    %scan3A_57 = arith.constant 157 : i32
    %scan3A_58 = arith.addi %scan3A_56, %scan3A_57 : i32
    %scan3A_59 = arith.constant 1 : i32
    scf.for %scan3A_254 = %scan3A_56 to %scan3A_58 step %scan3A_59  : i32 {
      %rem3A = arith.constant 3 : i32
      %rem3A_255 = arith.remsi %scan3A_254, %rem3A : i32
      %add3A_256 = arith.constant 1 : i32
      %add3A_257 = arith.addi %scan3A_254, %add3A_256 : i32
      %rem3A_258 = arith.constant 3 : i32
      %rem3A_259 = arith.remsi %add3A_257, %rem3A_258 : i32
      %mul3A_260 = arith.constant 3 : i32
      %mul3A_261 = arith.muli %mul3A_260, %rem3A_255 : i32
      %dma_wait3A_262 = arith.constant 0 : i32
      %dma_wait3A_263 = tpu.memref_slice %arg15[%mul3A_261, %dma_wait3A_262] : memref<10x128xi32, #tpu.memory_space<vmem>> -> memref<3x128xi32, #tpu.memory_space<vmem>>
      %dma_wait3A_264 = arith.constant 0 : i32
      %dma_wait3A_265 = arith.constant 0 : i32
      %dma_wait3A_266 = tpu.memref_slice %arg3[%dma_wait3A_264, %dma_wait3A_265] : memref<15264x128xi32, #tpu.memory_space<hbm>> -> memref<3x128xi32, #tpu.memory_space<hbm>>
      %dma_wait3A_267 = arith.constant 0 : i32
      %dma_wait3A_268 = tpu.memref_slice %arg15[%mul3A_261, %dma_wait3A_267] : memref<10x128xi32, #tpu.memory_space<vmem>> -> memref<3x128xi32, #tpu.memory_space<vmem>>
      %dma_wait3A_269 = arith.constant 0 : i32
      %dma_wait3A_270 = arith.constant 0 : i32
      %dma_wait3A_271 = tpu.memref_slice %arg3[%dma_wait3A_269, %dma_wait3A_270] : memref<15264x128xi32, #tpu.memory_space<hbm>> -> memref<3x128xi32, #tpu.memory_space<hbm>>
      tpu.wait_dma2 semaphore(%arg18 : memref<!tpu.dma_semaphore, #tpu.memory_space<semaphore_mem>>) src(%dma_wait3A_271 : memref<3x128xi32, #tpu.memory_space<hbm>>) dst(%dma_wait3A_268 : memref<3x128xi32, #tpu.memory_space<vmem>>)
      %add3A_272 = arith.constant 1 : i32
      %add3A_273 = arith.addi %scan3A_254, %add3A_272 : i32
      %mul3A_274 = arith.constant 2544 : i32
      %mul3A_275 = arith.muli %arg0, %mul3A_274 : i32
      %add3A_276 = arith.addi %mul3A_275, %arg1 : i32
      %mul3A_277 = arith.constant 16 : i32
      %mul3A_278 = arith.muli %mul3A_277, %add3A_273 : i32
      %add3A_279 = arith.addi %add3A_276, %mul3A_278 : i32
      %mul3A_280 = arith.constant 3 : i32
      %mul3A_281 = arith.muli %add3A_279, %mul3A_280 : i32
      %mul3A_282 = arith.constant 3 : i32
      %mul3A_283 = arith.muli %mul3A_282, %rem3A_259 : i32
      %dma_start3A_284 = arith.constant 0 : i32
      %dma_start3A_285 = tpu.memref_slice %arg15[%mul3A_283, %dma_start3A_284] : memref<10x128xi32, #tpu.memory_space<vmem>> -> memref<3x128xi32, #tpu.memory_space<vmem>>
      %dma_start3A_286 = arith.constant 0 : i32
      %dma_start3A_287 = tpu.memref_slice %arg3[%mul3A_281, %dma_start3A_286] : memref<15264x128xi32, #tpu.memory_space<hbm>> -> memref<3x128xi32, #tpu.memory_space<hbm>>
      %dma_start3A_288 = arith.constant 0 : i32
      %dma_start3A_289 = tpu.memref_slice %arg15[%mul3A_283, %dma_start3A_288] : memref<10x128xi32, #tpu.memory_space<vmem>> -> memref<3x128xi32, #tpu.memory_space<vmem>>
      %dma_start3A_290 = arith.constant 0 : i32
      %dma_start3A_291 = tpu.memref_slice %arg3[%mul3A_281, %dma_start3A_290] : memref<15264x128xi32, #tpu.memory_space<hbm>> -> memref<3x128xi32, #tpu.memory_space<hbm>>
      tpu.enqueue_dma source(%dma_start3A_291 : memref<3x128xi32, #tpu.memory_space<hbm>>) target(%dma_start3A_289 : memref<3x128xi32, #tpu.memory_space<vmem>>) target_semaphore(%arg18 : memref<!tpu.dma_semaphore, #tpu.memory_space<semaphore_mem>>)
      %mul3A_292 = arith.constant 16 : i32
      %mul3A_293 = arith.muli %mul3A_292, %scan3A_254 : i32
      %add3A_294 = arith.addi %arg1, %mul3A_293 : i32
      %min3A = arith.constant 2499 : i32
      %min3A_295 = arith.minsi %add3A_294, %min3A : i32
      %mul3A_296 = arith.constant 128 : i32
      %mul3A_297 = arith.muli %min3A_295, %mul3A_296 : i32
      %multiple_of3A = tpu.assume_multiple %mul3A_297, 128 : i32
      %mul3A_298 = arith.constant 3 : i32
      %mul3A_299 = arith.muli %mul3A_298, %rem3A_255 : i32
      %add3A_300 = arith.constant 1 : i32
      %add3A_301 = arith.addi %mul3A_299, %add3A_300 : i32
      %dma_start3A_302 = arith.constant 0 : i32
      %dma_start3A_303 = tpu.memref_slice %arg15[%add3A_301, %dma_start3A_302] : memref<10x128xi32, #tpu.memory_space<vmem>> -> memref<1x128xi32, #tpu.memory_space<vmem>>
      %dma_start3A_304 = tpu.memref_squeeze %dma_start3A_303 : memref<1x128xi32, #tpu.memory_space<vmem>> -> memref<128xi32, #tpu.memory_space<vmem>>
      %dma_start3A_305 = arith.constant 0 : i32
      %dma_start3A_306 = arith.constant 0 : i32
      %dma_start3A_307 = tpu.memref_slice %arg5[%dma_start3A_305, %dma_start3A_306] : memref<20480x128xf32, #tpu.memory_space<hbm>> -> memref<20480x128xf32, #tpu.memory_space<hbm>>
      tpu.enqueue_indirect_dma source(%dma_start3A_307 : memref<20480x128xf32, #tpu.memory_space<hbm>>) target(%arg16 : memref<128x128xf32, #tpu.memory_space<vmem>>) offsets(%dma_start3A_304 : memref<128xi32, #tpu.memory_space<vmem>>) semaphore(%arg19 : memref<!tpu.dma_semaphore, #tpu.memory_space<semaphore_mem>>)
      %dma_start3A_308 = arith.constant 0 : i32
      %dma_start3A_309 = tpu.memref_slice %arg4[%multiple_of3A, %dma_start3A_308] : memref<320000x128xf32, #tpu.memory_space<hbm>> -> memref<128x128xf32, #tpu.memory_space<hbm>>
      %dma_start3A_310 = arith.constant 0 : i32
      %dma_start3A_311 = tpu.memref_slice %arg4[%multiple_of3A, %dma_start3A_310] : memref<320000x128xf32, #tpu.memory_space<hbm>> -> memref<128x128xf32, #tpu.memory_space<hbm>>
      tpu.enqueue_dma source(%dma_start3A_311 : memref<128x128xf32, #tpu.memory_space<hbm>>) target(%arg17 : memref<128x128xf32, #tpu.memory_space<vmem>>) target_semaphore(%arg20 : memref<!tpu.dma_semaphore, #tpu.memory_space<semaphore_mem>>)
      %dma_wait3A_312 = arith.constant 0 : i32
      %dma_wait3A_313 = arith.constant 0 : i32
      %dma_wait3A_314 = tpu.memref_slice %arg4[%dma_wait3A_312, %dma_wait3A_313] : memref<320000x128xf32, #tpu.memory_space<hbm>> -> memref<128x128xf32, #tpu.memory_space<hbm>>
      %dma_wait3A_315 = arith.constant 0 : i32
      %dma_wait3A_316 = arith.constant 0 : i32
      %dma_wait3A_317 = tpu.memref_slice %arg4[%dma_wait3A_315, %dma_wait3A_316] : memref<320000x128xf32, #tpu.memory_space<hbm>> -> memref<128x128xf32, #tpu.memory_space<hbm>>
      tpu.wait_dma2 semaphore(%arg19 : memref<!tpu.dma_semaphore, #tpu.memory_space<semaphore_mem>>) src(%dma_wait3A_317 : memref<128x128xf32, #tpu.memory_space<hbm>>) dst(%arg16 : memref<128x128xf32, #tpu.memory_space<vmem>>)
      %dma_wait3A_318 = arith.constant 0 : i32
      %dma_wait3A_319 = arith.constant 0 : i32
      %dma_wait3A_320 = tpu.memref_slice %arg4[%dma_wait3A_318, %dma_wait3A_319] : memref<320000x128xf32, #tpu.memory_space<hbm>> -> memref<128x128xf32, #tpu.memory_space<hbm>>
      %dma_wait3A_321 = arith.constant 0 : i32
      %dma_wait3A_322 = arith.constant 0 : i32
      %dma_wait3A_323 = tpu.memref_slice %arg4[%dma_wait3A_321, %dma_wait3A_322] : memref<320000x128xf32, #tpu.memory_space<hbm>> -> memref<128x128xf32, #tpu.memory_space<hbm>>
      tpu.wait_dma2 semaphore(%arg20 : memref<!tpu.dma_semaphore, #tpu.memory_space<semaphore_mem>>) src(%dma_wait3A_323 : memref<128x128xf32, #tpu.memory_space<hbm>>) dst(%arg17 : memref<128x128xf32, #tpu.memory_space<vmem>>)
      %scan3A_324 = arith.constant 0 : i32
      %scan3A_325 = arith.constant 0 : i32
      %scan3A_326 = arith.constant 16 : i32
      %scan3A_327 = arith.addi %scan3A_325, %scan3A_326 : i32
      %scan3A_328 = arith.constant 1 : i32
      scf.for %scan3A_332 = %scan3A_325 to %scan3A_327 step %scan3A_328  : i32 {
        %mul3A_333 = arith.constant 3 : i32
        %mul3A_334 = arith.muli %mul3A_333, %rem3A_255 : i32
        %add3A_335 = arith.constant 2 : i32
        %add3A_336 = arith.addi %mul3A_334, %add3A_335 : i32
        %mul3A_337 = arith.constant 8 : i32
        %mul3A_338 = arith.muli %scan3A_332, %mul3A_337 : i32
        %get3A = arith.index_cast %add3A_336 : i32 to index
        %get3A_339 = arith.index_cast %mul3A_338 : i32 to index
        %get3A_340 = tpu.vector_load %arg15[%get3A, %get3A_339] {strides = array<i32>} : memref<10x128xi32, #tpu.memory_space<vmem>>, vector<16xi32>,
        %shift_right_logical3A = arith.constant 4 : i32
        %shift_right_logical3A_341 = vector.broadcast %shift_right_logical3A : i32 to vector<16xi32>
        %shift_right_logical3A_342 = arith.shrui %get3A_340, %shift_right_logical3A_341 : vector<16xi32>
        %and3A = arith.constant 1023 : i32
        %and3A_343 = vector.broadcast %and3A : i32 to vector<16xi32>
        %and3A_344 = arith.andi %shift_right_logical3A_342, %and3A_343 : vector<16xi32>
        %and3A_345 = arith.constant 15 : i32
        %and3A_346 = vector.broadcast %and3A_345 : i32 to vector<16xi32>
        %and3A_347 = arith.andi %get3A_340, %and3A_346 : vector<16xi32>
        %gather3A = tpu.vector_load_idx %arg12[%and3A_344, %and3A_347] : memref<640x16xf32, #tpu.memory_space<vmem>>[vector<16xi32>, vector<16xi32>], vector<16xf32>,
        %slice3A = vector.extract_strided_slice %gather3A {offsets = [0], sizes = [1], strides = [1]} : vector<16xf32> to vector<1xf32>
        %squeeze3A = vector.extract %slice3A[0] : f32 from vector<1xf32>
        %broadcast_in_dim3A_348 = vector.broadcast %squeeze3A : f32 to vector<16xf32>
        %mul3A_349 = arith.constant 8 : i32
        %mul3A_350 = arith.muli %scan3A_332, %mul3A_349 : i32
        %add3A_351 = arith.constant 0 : i32
        %add3A_352 = arith.addi %mul3A_350, %add3A_351 : i32
        %scan3A_353 = arith.constant 0 : i32
        %scan3A_354 = arith.constant 0 : i32
        %scan3A_355 = arith.constant 4 : i32
        %scan3A_356 = arith.addi %scan3A_354, %scan3A_355 : i32
        %scan3A_357 = arith.constant 1 : i32
        scf.for %scan3A_450 = %scan3A_354 to %scan3A_356 step %scan3A_357  : i32 {
          %mul3A_451 = arith.constant 2 : i32
          %mul3A_452 = arith.muli %scan3A_450, %mul3A_451 : i32
          %add3A_453 = arith.constant 0 : i32
          %add3A_454 = arith.addi %mul3A_452, %add3A_453 : i32
          %mul3A_455 = arith.constant 16 : i32
          %mul3A_456 = arith.muli %add3A_454, %mul3A_455 : i32
          %get3A_457 = arith.index_cast %add3A_352 : i32 to index
          %get3A_458 = arith.index_cast %mul3A_456 : i32 to index
          %get3A_459 = tpu.vector_load %arg17[%get3A_457, %get3A_458] {strides = array<i32>} : memref<128x128xf32, #tpu.memory_space<vmem>>, vector<16xf32>,
          %get3A_460 = arith.index_cast %add3A_352 : i32 to index
          %get3A_461 = arith.index_cast %mul3A_456 : i32 to index
          %get3A_462 = tpu.vector_load %arg16[%get3A_460, %get3A_461] {strides = array<i32>} : memref<128x128xf32, #tpu.memory_space<vmem>>, vector<16xf32>,
          %add3A_463 = arith.addf %get3A_459, %get3A_462 : vector<16xf32>
          %mul3A_464 = arith.mulf %add3A_463, %broadcast_in_dim3A_348 : vector<16xf32>
          %swap3A = arith.index_cast %add3A_352 : i32 to index
          %swap3A_465 = arith.index_cast %mul3A_456 : i32 to index
          %swap3A_466 = tpu.vector_load %arg17[%swap3A, %swap3A_465] {strides = array<i32>} : memref<128x128xf32, #tpu.memory_space<vmem>>, vector<16xf32>,
          tpu.vector_store %arg17[%swap3A, %swap3A_465], %mul3A_464 {strides = array<i32>} : memref<128x128xf32, #tpu.memory_space<vmem>>, vector<16xf32>,
          %mul3A_467 = arith.constant 2 : i32
          %mul3A_468 = arith.muli %scan3A_450, %mul3A_467 : i32
          %add3A_469 = arith.constant 1 : i32
          %add3A_470 = arith.addi %mul3A_468, %add3A_469 : i32
          %mul3A_471 = arith.constant 16 : i32
          %mul3A_472 = arith.muli %add3A_470, %mul3A_471 : i32
          %get3A_473 = arith.index_cast %add3A_352 : i32 to index
          %get3A_474 = arith.index_cast %mul3A_472 : i32 to index
          %get3A_475 = tpu.vector_load %arg17[%get3A_473, %get3A_474] {strides = array<i32>} : memref<128x128xf32, #tpu.memory_space<vmem>>, vector<16xf32>,
          %get3A_476 = arith.index_cast %add3A_352 : i32 to index
          %get3A_477 = arith.index_cast %mul3A_472 : i32 to index
          %get3A_478 = tpu.vector_load %arg16[%get3A_476, %get3A_477] {strides = array<i32>} : memref<128x128xf32, #tpu.memory_space<vmem>>, vector<16xf32>,
          %add3A_479 = arith.addf %get3A_475, %get3A_478 : vector<16xf32>
          %mul3A_480 = arith.mulf %add3A_479, %broadcast_in_dim3A_348 : vector<16xf32>
          %swap3A_481 = arith.index_cast %add3A_352 : i32 to index
          %swap3A_482 = arith.index_cast %mul3A_472 : i32 to index
          %swap3A_483 = tpu.vector_load %arg17[%swap3A_481, %swap3A_482] {strides = array<i32>} : memref<128x128xf32, #tpu.memory_space<vmem>>, vector<16xf32>,
          tpu.vector_store %arg17[%swap3A_481, %swap3A_482], %mul3A_480 {strides = array<i32>} : memref<128x128xf32, #tpu.memory_space<vmem>>, vector<16xf32>,
        }
        %scan3A_358 = arith.constant 4 : i32
        %slice3A_359 = vector.extract_strided_slice %gather3A {offsets = [1], sizes = [1], strides = [1]} : vector<16xf32> to vector<1xf32>
        %squeeze3A_360 = vector.extract %slice3A_359[0] : f32 from vector<1xf32>
        %broadcast_in_dim3A_361 = vector.broadcast %squeeze3A_360 : f32 to vector<16xf32>
        %mul3A_362 = arith.constant 8 : i32
        %mul3A_363 = arith.muli %scan3A_332, %mul3A_362 : i32
        %add3A_364 = arith.constant 1 : i32
        %add3A_365 = arith.addi %mul3A_363, %add3A_364 : i32
        %scan3A_366 = arith.constant 0 : i32
        %scan3A_367 = arith.constant 0 : i32
        %scan3A_368 = arith.constant 4 : i32
        %scan3A_369 = arith.addi %scan3A_367, %scan3A_368 : i32
        %scan3A_370 = arith.constant 1 : i32
        scf.for %scan3A_450 = %scan3A_367 to %scan3A_369 step %scan3A_370  : i32 {
          %mul3A_451 = arith.constant 2 : i32
          %mul3A_452 = arith.muli %scan3A_450, %mul3A_451 : i32
          %add3A_453 = arith.constant 0 : i32
          %add3A_454 = arith.addi %mul3A_452, %add3A_453 : i32
          %mul3A_455 = arith.constant 16 : i32
          %mul3A_456 = arith.muli %add3A_454, %mul3A_455 : i32
          %get3A_457 = arith.index_cast %add3A_365 : i32 to index
          %get3A_458 = arith.index_cast %mul3A_456 : i32 to index
          %get3A_459 = tpu.vector_load %arg17[%get3A_457, %get3A_458] {strides = array<i32>} : memref<128x128xf32, #tpu.memory_space<vmem>>, vector<16xf32>,
          %get3A_460 = arith.index_cast %add3A_365 : i32 to index
          %get3A_461 = arith.index_cast %mul3A_456 : i32 to index
          %get3A_462 = tpu.vector_load %arg16[%get3A_460, %get3A_461] {strides = array<i32>} : memref<128x128xf32, #tpu.memory_space<vmem>>, vector<16xf32>,
          %add3A_463 = arith.addf %get3A_459, %get3A_462 : vector<16xf32>
          %mul3A_464 = arith.mulf %add3A_463, %broadcast_in_dim3A_361 : vector<16xf32>
          %swap3A = arith.index_cast %add3A_365 : i32 to index
          %swap3A_465 = arith.index_cast %mul3A_456 : i32 to index
          %swap3A_466 = tpu.vector_load %arg17[%swap3A, %swap3A_465] {strides = array<i32>} : memref<128x128xf32, #tpu.memory_space<vmem>>, vector<16xf32>,
          tpu.vector_store %arg17[%swap3A, %swap3A_465], %mul3A_464 {strides = array<i32>} : memref<128x128xf32, #tpu.memory_space<vmem>>, vector<16xf32>,
          %mul3A_467 = arith.constant 2 : i32
          %mul3A_468 = arith.muli %scan3A_450, %mul3A_467 : i32
          %add3A_469 = arith.constant 1 : i32
          %add3A_470 = arith.addi %mul3A_468, %add3A_469 : i32
          %mul3A_471 = arith.constant 16 : i32
          %mul3A_472 = arith.muli %add3A_470, %mul3A_471 : i32
          %get3A_473 = arith.index_cast %add3A_365 : i32 to index
          %get3A_474 = arith.index_cast %mul3A_472 : i32 to index
          %get3A_475 = tpu.vector_load %arg17[%get3A_473, %get3A_474] {strides = array<i32>} : memref<128x128xf32, #tpu.memory_space<vmem>>, vector<16xf32>,
          %get3A_476 = arith.index_cast %add3A_365 : i32 to index
          %get3A_477 = arith.index_cast %mul3A_472 : i32 to index
          %get3A_478 = tpu.vector_load %arg16[%get3A_476, %get3A_477] {strides = array<i32>} : memref<128x128xf32, #tpu.memory_space<vmem>>, vector<16xf32>,
          %add3A_479 = arith.addf %get3A_475, %get3A_478 : vector<16xf32>
          %mul3A_480 = arith.mulf %add3A_479, %broadcast_in_dim3A_361 : vector<16xf32>
          %swap3A_481 = arith.index_cast %add3A_365 : i32 to index
          %swap3A_482 = arith.index_cast %mul3A_472 : i32 to index
          %swap3A_483 = tpu.vector_load %arg17[%swap3A_481, %swap3A_482] {strides = array<i32>} : memref<128x128xf32, #tpu.memory_space<vmem>>, vector<16xf32>,
          tpu.vector_store %arg17[%swap3A_481, %swap3A_482], %mul3A_480 {strides = array<i32>} : memref<128x128xf32, #tpu.memory_space<vmem>>, vector<16xf32>,
        }
        %scan3A_371 = arith.constant 4 : i32
        %slice3A_372 = vector.extract_strided_slice %gather3A {offsets = [2], sizes = [1], strides = [1]} : vector<16xf32> to vector<1xf32>
        %squeeze3A_373 = vector.extract %slice3A_372[0] : f32 from vector<1xf32>
        %broadcast_in_dim3A_374 = vector.broadcast %squeeze3A_373 : f32 to vector<16xf32>
        %mul3A_375 = arith.constant 8 : i32
        %mul3A_376 = arith.muli %scan3A_332, %mul3A_375 : i32
        %add3A_377 = arith.constant 2 : i32
        %add3A_378 = arith.addi %mul3A_376, %add3A_377 : i32
        %scan3A_379 = arith.constant 0 : i32
        %scan3A_380 = arith.constant 0 : i32
        %scan3A_381 = arith.constant 4 : i32
        %scan3A_382 = arith.addi %scan3A_380, %scan3A_381 : i32
        %scan3A_383 = arith.constant 1 : i32
        scf.for %scan3A_450 = %scan3A_380 to %scan3A_382 step %scan3A_383  : i32 {
          %mul3A_451 = arith.constant 2 : i32
          %mul3A_452 = arith.muli %scan3A_450, %mul3A_451 : i32
          %add3A_453 = arith.constant 0 : i32
          %add3A_454 = arith.addi %mul3A_452, %add3A_453 : i32
          %mul3A_455 = arith.constant 16 : i32
          %mul3A_456 = arith.muli %add3A_454, %mul3A_455 : i32
          %get3A_457 = arith.index_cast %add3A_378 : i32 to index
          %get3A_458 = arith.index_cast %mul3A_456 : i32 to index
          %get3A_459 = tpu.vector_load %arg17[%get3A_457, %get3A_458] {strides = array<i32>} : memref<128x128xf32, #tpu.memory_space<vmem>>, vector<16xf32>,
          %get3A_460 = arith.index_cast %add3A_378 : i32 to index
          %get3A_461 = arith.index_cast %mul3A_456 : i32 to index
          %get3A_462 = tpu.vector_load %arg16[%get3A_460, %get3A_461] {strides = array<i32>} : memref<128x128xf32, #tpu.memory_space<vmem>>, vector<16xf32>,
          %add3A_463 = arith.addf %get3A_459, %get3A_462 : vector<16xf32>
          %mul3A_464 = arith.mulf %add3A_463, %broadcast_in_dim3A_374 : vector<16xf32>
          %swap3A = arith.index_cast %add3A_378 : i32 to index
          %swap3A_465 = arith.index_cast %mul3A_456 : i32 to index
          %swap3A_466 = tpu.vector_load %arg17[%swap3A, %swap3A_465] {strides = array<i32>} : memref<128x128xf32, #tpu.memory_space<vmem>>, vector<16xf32>,
          tpu.vector_store %arg17[%swap3A, %swap3A_465], %mul3A_464 {strides = array<i32>} : memref<128x128xf32, #tpu.memory_space<vmem>>, vector<16xf32>,
          %mul3A_467 = arith.constant 2 : i32
          %mul3A_468 = arith.muli %scan3A_450, %mul3A_467 : i32
          %add3A_469 = arith.constant 1 : i32
          %add3A_470 = arith.addi %mul3A_468, %add3A_469 : i32
          %mul3A_471 = arith.constant 16 : i32
          %mul3A_472 = arith.muli %add3A_470, %mul3A_471 : i32
          %get3A_473 = arith.index_cast %add3A_378 : i32 to index
          %get3A_474 = arith.index_cast %mul3A_472 : i32 to index
          %get3A_475 = tpu.vector_load %arg17[%get3A_473, %get3A_474] {strides = array<i32>} : memref<128x128xf32, #tpu.memory_space<vmem>>, vector<16xf32>,
          %get3A_476 = arith.index_cast %add3A_378 : i32 to index
          %get3A_477 = arith.index_cast %mul3A_472 : i32 to index
          %get3A_478 = tpu.vector_load %arg16[%get3A_476, %get3A_477] {strides = array<i32>} : memref<128x128xf32, #tpu.memory_space<vmem>>, vector<16xf32>,
          %add3A_479 = arith.addf %get3A_475, %get3A_478 : vector<16xf32>
          %mul3A_480 = arith.mulf %add3A_479, %broadcast_in_dim3A_374 : vector<16xf32>
          %swap3A_481 = arith.index_cast %add3A_378 : i32 to index
          %swap3A_482 = arith.index_cast %mul3A_472 : i32 to index
          %swap3A_483 = tpu.vector_load %arg17[%swap3A_481, %swap3A_482] {strides = array<i32>} : memref<128x128xf32, #tpu.memory_space<vmem>>, vector<16xf32>,
          tpu.vector_store %arg17[%swap3A_481, %swap3A_482], %mul3A_480 {strides = array<i32>} : memref<128x128xf32, #tpu.memory_space<vmem>>, vector<16xf32>,
        }
        %scan3A_384 = arith.constant 4 : i32
        %slice3A_385 = vector.extract_strided_slice %gather3A {offsets = [3], sizes = [1], strides = [1]} : vector<16xf32> to vector<1xf32>
        %squeeze3A_386 = vector.extract %slice3A_385[0] : f32 from vector<1xf32>
        %broadcast_in_dim3A_387 = vector.broadcast %squeeze3A_386 : f32 to vector<16xf32>
        %mul3A_388 = arith.constant 8 : i32
        %mul3A_389 = arith.muli %scan3A_332, %mul3A_388 : i32
        %add3A_390 = arith.constant 3 : i32
        %add3A_391 = arith.addi %mul3A_389, %add3A_390 : i32
        %scan3A_392 = arith.constant 0 : i32
        %scan3A_393 = arith.constant 0 : i32
        %scan3A_394 = arith.constant 4 : i32
        %scan3A_395 = arith.addi %scan3A_393, %scan3A_394 : i32
        %scan3A_396 = arith.constant 1 : i32
        scf.for %scan3A_450 = %scan3A_393 to %scan3A_395 step %scan3A_396  : i32 {
          %mul3A_451 = arith.constant 2 : i32
          %mul3A_452 = arith.muli %scan3A_450, %mul3A_451 : i32
          %add3A_453 = arith.constant 0 : i32
          %add3A_454 = arith.addi %mul3A_452, %add3A_453 : i32
          %mul3A_455 = arith.constant 16 : i32
          %mul3A_456 = arith.muli %add3A_454, %mul3A_455 : i32
          %get3A_457 = arith.index_cast %add3A_391 : i32 to index
          %get3A_458 = arith.index_cast %mul3A_456 : i32 to index
          %get3A_459 = tpu.vector_load %arg17[%get3A_457, %get3A_458] {strides = array<i32>} : memref<128x128xf32, #tpu.memory_space<vmem>>, vector<16xf32>,
          %get3A_460 = arith.index_cast %add3A_391 : i32 to index
          %get3A_461 = arith.index_cast %mul3A_456 : i32 to index
          %get3A_462 = tpu.vector_load %arg16[%get3A_460, %get3A_461] {strides = array<i32>} : memref<128x128xf32, #tpu.memory_space<vmem>>, vector<16xf32>,
          %add3A_463 = arith.addf %get3A_459, %get3A_462 : vector<16xf32>
          %mul3A_464 = arith.mulf %add3A_463, %broadcast_in_dim3A_387 : vector<16xf32>
          %swap3A = arith.index_cast %add3A_391 : i32 to index
          %swap3A_465 = arith.index_cast %mul3A_456 : i32 to index
          %swap3A_466 = tpu.vector_load %arg17[%swap3A, %swap3A_465] {strides = array<i32>} : memref<128x128xf32, #tpu.memory_space<vmem>>, vector<16xf32>,
          tpu.vector_store %arg17[%swap3A, %swap3A_465], %mul3A_464 {strides = array<i32>} : memref<128x128xf32, #tpu.memory_space<vmem>>, vector<16xf32>,
          %mul3A_467 = arith.constant 2 : i32
          %mul3A_468 = arith.muli %scan3A_450, %mul3A_467 : i32
          %add3A_469 = arith.constant 1 : i32
          %add3A_470 = arith.addi %mul3A_468, %add3A_469 : i32
          %mul3A_471 = arith.constant 16 : i32
          %mul3A_472 = arith.muli %add3A_470, %mul3A_471 : i32
          %get3A_473 = arith.index_cast %add3A_391 : i32 to index
          %get3A_474 = arith.index_cast %mul3A_472 : i32 to index
          %get3A_475 = tpu.vector_load %arg17[%get3A_473, %get3A_474] {strides = array<i32>} : memref<128x128xf32, #tpu.memory_space<vmem>>, vector<16xf32>,
          %get3A_476 = arith.index_cast %add3A_391 : i32 to index
          %get3A_477 = arith.index_cast %mul3A_472 : i32 to index
          %get3A_478 = tpu.vector_load %arg16[%get3A_476, %get3A_477] {strides = array<i32>} : memref<128x128xf32, #tpu.memory_space<vmem>>, vector<16xf32>,
          %add3A_479 = arith.addf %get3A_475, %get3A_478 : vector<16xf32>
          %mul3A_480 = arith.mulf %add3A_479, %broadcast_in_dim3A_387 : vector<16xf32>
          %swap3A_481 = arith.index_cast %add3A_391 : i32 to index
          %swap3A_482 = arith.index_cast %mul3A_472 : i32 to index
          %swap3A_483 = tpu.vector_load %arg17[%swap3A_481, %swap3A_482] {strides = array<i32>} : memref<128x128xf32, #tpu.memory_space<vmem>>, vector<16xf32>,
          tpu.vector_store %arg17[%swap3A_481, %swap3A_482], %mul3A_480 {strides = array<i32>} : memref<128x128xf32, #tpu.memory_space<vmem>>, vector<16xf32>,
        }
        %scan3A_397 = arith.constant 4 : i32
        %slice3A_398 = vector.extract_strided_slice %gather3A {offsets = [4], sizes = [1], strides = [1]} : vector<16xf32> to vector<1xf32>
        %squeeze3A_399 = vector.extract %slice3A_398[0] : f32 from vector<1xf32>
        %broadcast_in_dim3A_400 = vector.broadcast %squeeze3A_399 : f32 to vector<16xf32>
        %mul3A_401 = arith.constant 8 : i32
        %mul3A_402 = arith.muli %scan3A_332, %mul3A_401 : i32
        %add3A_403 = arith.constant 4 : i32
        %add3A_404 = arith.addi %mul3A_402, %add3A_403 : i32
        %scan3A_405 = arith.constant 0 : i32
        %scan3A_406 = arith.constant 0 : i32
        %scan3A_407 = arith.constant 4 : i32
        %scan3A_408 = arith.addi %scan3A_406, %scan3A_407 : i32
        %scan3A_409 = arith.constant 1 : i32
        scf.for %scan3A_450 = %scan3A_406 to %scan3A_408 step %scan3A_409  : i32 {
          %mul3A_451 = arith.constant 2 : i32
          %mul3A_452 = arith.muli %scan3A_450, %mul3A_451 : i32
          %add3A_453 = arith.constant 0 : i32
          %add3A_454 = arith.addi %mul3A_452, %add3A_453 : i32
          %mul3A_455 = arith.constant 16 : i32
          %mul3A_456 = arith.muli %add3A_454, %mul3A_455 : i32
          %get3A_457 = arith.index_cast %add3A_404 : i32 to index
          %get3A_458 = arith.index_cast %mul3A_456 : i32 to index
          %get3A_459 = tpu.vector_load %arg17[%get3A_457, %get3A_458] {strides = array<i32>} : memref<128x128xf32, #tpu.memory_space<vmem>>, vector<16xf32>,
          %get3A_460 = arith.index_cast %add3A_404 : i32 to index
          %get3A_461 = arith.index_cast %mul3A_456 : i32 to index
          %get3A_462 = tpu.vector_load %arg16[%get3A_460, %get3A_461] {strides = array<i32>} : memref<128x128xf32, #tpu.memory_space<vmem>>, vector<16xf32>,
          %add3A_463 = arith.addf %get3A_459, %get3A_462 : vector<16xf32>
          %mul3A_464 = arith.mulf %add3A_463, %broadcast_in_dim3A_400 : vector<16xf32>
          %swap3A = arith.index_cast %add3A_404 : i32 to index
          %swap3A_465 = arith.index_cast %mul3A_456 : i32 to index
          %swap3A_466 = tpu.vector_load %arg17[%swap3A, %swap3A_465] {strides = array<i32>} : memref<128x128xf32, #tpu.memory_space<vmem>>, vector<16xf32>,
          tpu.vector_store %arg17[%swap3A, %swap3A_465], %mul3A_464 {strides = array<i32>} : memref<128x128xf32, #tpu.memory_space<vmem>>, vector<16xf32>,
          %mul3A_467 = arith.constant 2 : i32
          %mul3A_468 = arith.muli %scan3A_450, %mul3A_467 : i32
          %add3A_469 = arith.constant 1 : i32
          %add3A_470 = arith.addi %mul3A_468, %add3A_469 : i32
          %mul3A_471 = arith.constant 16 : i32
          %mul3A_472 = arith.muli %add3A_470, %mul3A_471 : i32
          %get3A_473 = arith.index_cast %add3A_404 : i32 to index
          %get3A_474 = arith.index_cast %mul3A_472 : i32 to index
          %get3A_475 = tpu.vector_load %arg17[%get3A_473, %get3A_474] {strides = array<i32>} : memref<128x128xf32, #tpu.memory_space<vmem>>, vector<16xf32>,
          %get3A_476 = arith.index_cast %add3A_404 : i32 to index
          %get3A_477 = arith.index_cast %mul3A_472 : i32 to index
          %get3A_478 = tpu.vector_load %arg16[%get3A_476, %get3A_477] {strides = array<i32>} : memref<128x128xf32, #tpu.memory_space<vmem>>, vector<16xf32>,
          %add3A_479 = arith.addf %get3A_475, %get3A_478 : vector<16xf32>
          %mul3A_480 = arith.mulf %add3A_479, %broadcast_in_dim3A_400 : vector<16xf32>
          %swap3A_481 = arith.index_cast %add3A_404 : i32 to index
          %swap3A_482 = arith.index_cast %mul3A_472 : i32 to index
          %swap3A_483 = tpu.vector_load %arg17[%swap3A_481, %swap3A_482] {strides = array<i32>} : memref<128x128xf32, #tpu.memory_space<vmem>>, vector<16xf32>,
          tpu.vector_store %arg17[%swap3A_481, %swap3A_482], %mul3A_480 {strides = array<i32>} : memref<128x128xf32, #tpu.memory_space<vmem>>, vector<16xf32>,
        }
        %scan3A_410 = arith.constant 4 : i32
        %slice3A_411 = vector.extract_strided_slice %gather3A {offsets = [5], sizes = [1], strides = [1]} : vector<16xf32> to vector<1xf32>
        %squeeze3A_412 = vector.extract %slice3A_411[0] : f32 from vector<1xf32>
        %broadcast_in_dim3A_413 = vector.broadcast %squeeze3A_412 : f32 to vector<16xf32>
        %mul3A_414 = arith.constant 8 : i32
        %mul3A_415 = arith.muli %scan3A_332, %mul3A_414 : i32
        %add3A_416 = arith.constant 5 : i32
        %add3A_417 = arith.addi %mul3A_415, %add3A_416 : i32
        %scan3A_418 = arith.constant 0 : i32
        %scan3A_419 = arith.constant 0 : i32
        %scan3A_420 = arith.constant 4 : i32
        %scan3A_421 = arith.addi %scan3A_419, %scan3A_420 : i32
        %scan3A_422 = arith.constant 1 : i32
        scf.for %scan3A_450 = %scan3A_419 to %scan3A_421 step %scan3A_422  : i32 {
          %mul3A_451 = arith.constant 2 : i32
          %mul3A_452 = arith.muli %scan3A_450, %mul3A_451 : i32
          %add3A_453 = arith.constant 0 : i32
          %add3A_454 = arith.addi %mul3A_452, %add3A_453 : i32
          %mul3A_455 = arith.constant 16 : i32
          %mul3A_456 = arith.muli %add3A_454, %mul3A_455 : i32
          %get3A_457 = arith.index_cast %add3A_417 : i32 to index
          %get3A_458 = arith.index_cast %mul3A_456 : i32 to index
          %get3A_459 = tpu.vector_load %arg17[%get3A_457, %get3A_458] {strides = array<i32>} : memref<128x128xf32, #tpu.memory_space<vmem>>, vector<16xf32>,
          %get3A_460 = arith.index_cast %add3A_417 : i32 to index
          %get3A_461 = arith.index_cast %mul3A_456 : i32 to index
          %get3A_462 = tpu.vector_load %arg16[%get3A_460, %get3A_461] {strides = array<i32>} : memref<128x128xf32, #tpu.memory_space<vmem>>, vector<16xf32>,
          %add3A_463 = arith.addf %get3A_459, %get3A_462 : vector<16xf32>
          %mul3A_464 = arith.mulf %add3A_463, %broadcast_in_dim3A_413 : vector<16xf32>
          %swap3A = arith.index_cast %add3A_417 : i32 to index
          %swap3A_465 = arith.index_cast %mul3A_456 : i32 to index
          %swap3A_466 = tpu.vector_load %arg17[%swap3A, %swap3A_465] {strides = array<i32>} : memref<128x128xf32, #tpu.memory_space<vmem>>, vector<16xf32>,
          tpu.vector_store %arg17[%swap3A, %swap3A_465], %mul3A_464 {strides = array<i32>} : memref<128x128xf32, #tpu.memory_space<vmem>>, vector<16xf32>,
          %mul3A_467 = arith.constant 2 : i32
          %mul3A_468 = arith.muli %scan3A_450, %mul3A_467 : i32
          %add3A_469 = arith.constant 1 : i32
          %add3A_470 = arith.addi %mul3A_468, %add3A_469 : i32
          %mul3A_471 = arith.constant 16 : i32
          %mul3A_472 = arith.muli %add3A_470, %mul3A_471 : i32
          %get3A_473 = arith.index_cast %add3A_417 : i32 to index
          %get3A_474 = arith.index_cast %mul3A_472 : i32 to index
          %get3A_475 = tpu.vector_load %arg17[%get3A_473, %get3A_474] {strides = array<i32>} : memref<128x128xf32, #tpu.memory_space<vmem>>, vector<16xf32>,
          %get3A_476 = arith.index_cast %add3A_417 : i32 to index
          %get3A_477 = arith.index_cast %mul3A_472 : i32 to index
          %get3A_478 = tpu.vector_load %arg16[%get3A_476, %get3A_477] {strides = array<i32>} : memref<128x128xf32, #tpu.memory_space<vmem>>, vector<16xf32>,
          %add3A_479 = arith.addf %get3A_475, %get3A_478 : vector<16xf32>
          %mul3A_480 = arith.mulf %add3A_479, %broadcast_in_dim3A_413 : vector<16xf32>
          %swap3A_481 = arith.index_cast %add3A_417 : i32 to index
          %swap3A_482 = arith.index_cast %mul3A_472 : i32 to index
          %swap3A_483 = tpu.vector_load %arg17[%swap3A_481, %swap3A_482] {strides = array<i32>} : memref<128x128xf32, #tpu.memory_space<vmem>>, vector<16xf32>,
          tpu.vector_store %arg17[%swap3A_481, %swap3A_482], %mul3A_480 {strides = array<i32>} : memref<128x128xf32, #tpu.memory_space<vmem>>, vector<16xf32>,
        }
        %scan3A_423 = arith.constant 4 : i32
        %slice3A_424 = vector.extract_strided_slice %gather3A {offsets = [6], sizes = [1], strides = [1]} : vector<16xf32> to vector<1xf32>
        %squeeze3A_425 = vector.extract %slice3A_424[0] : f32 from vector<1xf32>
        %broadcast_in_dim3A_426 = vector.broadcast %squeeze3A_425 : f32 to vector<16xf32>
        %mul3A_427 = arith.constant 8 : i32
        %mul3A_428 = arith.muli %scan3A_332, %mul3A_427 : i32
        %add3A_429 = arith.constant 6 : i32
        %add3A_430 = arith.addi %mul3A_428, %add3A_429 : i32
        %scan3A_431 = arith.constant 0 : i32
        %scan3A_432 = arith.constant 0 : i32
        %scan3A_433 = arith.constant 4 : i32
        %scan3A_434 = arith.addi %scan3A_432, %scan3A_433 : i32
        %scan3A_435 = arith.constant 1 : i32
        scf.for %scan3A_450 = %scan3A_432 to %scan3A_434 step %scan3A_435  : i32 {
          %mul3A_451 = arith.constant 2 : i32
          %mul3A_452 = arith.muli %scan3A_450, %mul3A_451 : i32
          %add3A_453 = arith.constant 0 : i32
          %add3A_454 = arith.addi %mul3A_452, %add3A_453 : i32
          %mul3A_455 = arith.constant 16 : i32
          %mul3A_456 = arith.muli %add3A_454, %mul3A_455 : i32
          %get3A_457 = arith.index_cast %add3A_430 : i32 to index
          %get3A_458 = arith.index_cast %mul3A_456 : i32 to index
          %get3A_459 = tpu.vector_load %arg17[%get3A_457, %get3A_458] {strides = array<i32>} : memref<128x128xf32, #tpu.memory_space<vmem>>, vector<16xf32>,
          %get3A_460 = arith.index_cast %add3A_430 : i32 to index
          %get3A_461 = arith.index_cast %mul3A_456 : i32 to index
          %get3A_462 = tpu.vector_load %arg16[%get3A_460, %get3A_461] {strides = array<i32>} : memref<128x128xf32, #tpu.memory_space<vmem>>, vector<16xf32>,
          %add3A_463 = arith.addf %get3A_459, %get3A_462 : vector<16xf32>
          %mul3A_464 = arith.mulf %add3A_463, %broadcast_in_dim3A_426 : vector<16xf32>
          %swap3A = arith.index_cast %add3A_430 : i32 to index
          %swap3A_465 = arith.index_cast %mul3A_456 : i32 to index
          %swap3A_466 = tpu.vector_load %arg17[%swap3A, %swap3A_465] {strides = array<i32>} : memref<128x128xf32, #tpu.memory_space<vmem>>, vector<16xf32>,
          tpu.vector_store %arg17[%swap3A, %swap3A_465], %mul3A_464 {strides = array<i32>} : memref<128x128xf32, #tpu.memory_space<vmem>>, vector<16xf32>,
          %mul3A_467 = arith.constant 2 : i32
          %mul3A_468 = arith.muli %scan3A_450, %mul3A_467 : i32
          %add3A_469 = arith.constant 1 : i32
          %add3A_470 = arith.addi %mul3A_468, %add3A_469 : i32
          %mul3A_471 = arith.constant 16 : i32
          %mul3A_472 = arith.muli %add3A_470, %mul3A_471 : i32
          %get3A_473 = arith.index_cast %add3A_430 : i32 to index
          %get3A_474 = arith.index_cast %mul3A_472 : i32 to index
          %get3A_475 = tpu.vector_load %arg17[%get3A_473, %get3A_474] {strides = array<i32>} : memref<128x128xf32, #tpu.memory_space<vmem>>, vector<16xf32>,
          %get3A_476 = arith.index_cast %add3A_430 : i32 to index
          %get3A_477 = arith.index_cast %mul3A_472 : i32 to index
          %get3A_478 = tpu.vector_load %arg16[%get3A_476, %get3A_477] {strides = array<i32>} : memref<128x128xf32, #tpu.memory_space<vmem>>, vector<16xf32>,
          %add3A_479 = arith.addf %get3A_475, %get3A_478 : vector<16xf32>
          %mul3A_480 = arith.mulf %add3A_479, %broadcast_in_dim3A_426 : vector<16xf32>
          %swap3A_481 = arith.index_cast %add3A_430 : i32 to index
          %swap3A_482 = arith.index_cast %mul3A_472 : i32 to index
          %swap3A_483 = tpu.vector_load %arg17[%swap3A_481, %swap3A_482] {strides = array<i32>} : memref<128x128xf32, #tpu.memory_space<vmem>>, vector<16xf32>,
          tpu.vector_store %arg17[%swap3A_481, %swap3A_482], %mul3A_480 {strides = array<i32>} : memref<128x128xf32, #tpu.memory_space<vmem>>, vector<16xf32>,
        }
        %scan3A_436 = arith.constant 4 : i32
        %slice3A_437 = vector.extract_strided_slice %gather3A {offsets = [7], sizes = [1], strides = [1]} : vector<16xf32> to vector<1xf32>
        %squeeze3A_438 = vector.extract %slice3A_437[0] : f32 from vector<1xf32>
        %broadcast_in_dim3A_439 = vector.broadcast %squeeze3A_438 : f32 to vector<16xf32>
        %mul3A_440 = arith.constant 8 : i32
        %mul3A_441 = arith.muli %scan3A_332, %mul3A_440 : i32
        %add3A_442 = arith.constant 7 : i32
        %add3A_443 = arith.addi %mul3A_441, %add3A_442 : i32
        %scan3A_444 = arith.constant 0 : i32
        %scan3A_445 = arith.constant 0 : i32
        %scan3A_446 = arith.constant 4 : i32
        %scan3A_447 = arith.addi %scan3A_445, %scan3A_446 : i32
        %scan3A_448 = arith.constant 1 : i32
        scf.for %scan3A_450 = %scan3A_445 to %scan3A_447 step %scan3A_448  : i32 {
          %mul3A_451 = arith.constant 2 : i32
          %mul3A_452 = arith.muli %scan3A_450, %mul3A_451 : i32
          %add3A_453 = arith.constant 0 : i32
          %add3A_454 = arith.addi %mul3A_452, %add3A_453 : i32
          %mul3A_455 = arith.constant 16 : i32
          %mul3A_456 = arith.muli %add3A_454, %mul3A_455 : i32
          %get3A_457 = arith.index_cast %add3A_443 : i32 to index
          %get3A_458 = arith.index_cast %mul3A_456 : i32 to index
          %get3A_459 = tpu.vector_load %arg17[%get3A_457, %get3A_458] {strides = array<i32>} : memref<128x128xf32, #tpu.memory_space<vmem>>, vector<16xf32>,
          %get3A_460 = arith.index_cast %add3A_443 : i32 to index
          %get3A_461 = arith.index_cast %mul3A_456 : i32 to index
          %get3A_462 = tpu.vector_load %arg16[%get3A_460, %get3A_461] {strides = array<i32>} : memref<128x128xf32, #tpu.memory_space<vmem>>, vector<16xf32>,
          %add3A_463 = arith.addf %get3A_459, %get3A_462 : vector<16xf32>
          %mul3A_464 = arith.mulf %add3A_463, %broadcast_in_dim3A_439 : vector<16xf32>
          %swap3A = arith.index_cast %add3A_443 : i32 to index
          %swap3A_465 = arith.index_cast %mul3A_456 : i32 to index
          %swap3A_466 = tpu.vector_load %arg17[%swap3A, %swap3A_465] {strides = array<i32>} : memref<128x128xf32, #tpu.memory_space<vmem>>, vector<16xf32>,
          tpu.vector_store %arg17[%swap3A, %swap3A_465], %mul3A_464 {strides = array<i32>} : memref<128x128xf32, #tpu.memory_space<vmem>>, vector<16xf32>,
          %mul3A_467 = arith.constant 2 : i32
          %mul3A_468 = arith.muli %scan3A_450, %mul3A_467 : i32
          %add3A_469 = arith.constant 1 : i32
          %add3A_470 = arith.addi %mul3A_468, %add3A_469 : i32
          %mul3A_471 = arith.constant 16 : i32
          %mul3A_472 = arith.muli %add3A_470, %mul3A_471 : i32
          %get3A_473 = arith.index_cast %add3A_443 : i32 to index
          %get3A_474 = arith.index_cast %mul3A_472 : i32 to index
          %get3A_475 = tpu.vector_load %arg17[%get3A_473, %get3A_474] {strides = array<i32>} : memref<128x128xf32, #tpu.memory_space<vmem>>, vector<16xf32>,
          %get3A_476 = arith.index_cast %add3A_443 : i32 to index
          %get3A_477 = arith.index_cast %mul3A_472 : i32 to index
          %get3A_478 = tpu.vector_load %arg16[%get3A_476, %get3A_477] {strides = array<i32>} : memref<128x128xf32, #tpu.memory_space<vmem>>, vector<16xf32>,
          %add3A_479 = arith.addf %get3A_475, %get3A_478 : vector<16xf32>
          %mul3A_480 = arith.mulf %add3A_479, %broadcast_in_dim3A_439 : vector<16xf32>
          %swap3A_481 = arith.index_cast %add3A_443 : i32 to index
          %swap3A_482 = arith.index_cast %mul3A_472 : i32 to index
          %swap3A_483 = tpu.vector_load %arg17[%swap3A_481, %swap3A_482] {strides = array<i32>} : memref<128x128xf32, #tpu.memory_space<vmem>>, vector<16xf32>,
          tpu.vector_store %arg17[%swap3A_481, %swap3A_482], %mul3A_480 {strides = array<i32>} : memref<128x128xf32, #tpu.memory_space<vmem>>, vector<16xf32>,
        }
        %scan3A_449 = arith.constant 4 : i32
      }
      %scan3A_329 = arith.constant 16 : i32
      %mul3A_330 = arith.constant 3 : i32
      %mul3A_331 = arith.muli %mul3A_330, %rem3A_255 : i32
      "tpu.region"() ({
        %run_scoped3A_332 = tpu.sem_alloc : memref<!tpu.dma_semaphore, #tpu.memory_space<semaphore_mem>>
        %dma_start3A_333 = arith.constant 0 : i32
        %dma_start3A_334 = tpu.memref_slice %arg15[%mul3A_331, %dma_start3A_333] : memref<10x128xi32, #tpu.memory_space<vmem>> -> memref<1x128xi32, #tpu.memory_space<vmem>>
        %dma_start3A_335 = tpu.memref_squeeze %dma_start3A_334 : memref<1x128xi32, #tpu.memory_space<vmem>> -> memref<128xi32, #tpu.memory_space<vmem>>
        %dma_start3A_336 = arith.constant 0 : i32
        %dma_start3A_337 = arith.constant 0 : i32
        %dma_start3A_338 = tpu.memref_slice %arg11[%dma_start3A_336, %dma_start3A_337] : memref<10240x128xf32, #tpu.memory_space<vmem_shared>> -> memref<10240x128xf32, #tpu.memory_space<vmem_shared>>
        tpu.enqueue_indirect_dma source(%arg17 : memref<128x128xf32, #tpu.memory_space<vmem>>) target(%dma_start3A_338 : memref<10240x128xf32, #tpu.memory_space<vmem_shared>>) offsets(%dma_start3A_335 : memref<128xi32, #tpu.memory_space<vmem>>) semaphore(%run_scoped3A_332 : memref<!tpu.dma_semaphore, #tpu.memory_space<semaphore_mem>>) {add = true}
        %dma_wait3A_339 = arith.constant 0 : i32
        %dma_wait3A_340 = tpu.memref_slice %arg15[%mul3A_331, %dma_wait3A_339] : memref<10x128xi32, #tpu.memory_space<vmem>> -> memref<1x128xi32, #tpu.memory_space<vmem>>
        %dma_wait3A_341 = tpu.memref_squeeze %dma_wait3A_340 : memref<1x128xi32, #tpu.memory_space<vmem>> -> memref<128xi32, #tpu.memory_space<vmem>>
        %dma_wait3A_342 = arith.constant 0 : i32
        %dma_wait3A_343 = arith.constant 0 : i32
        %dma_wait3A_344 = tpu.memref_slice %arg11[%dma_wait3A_342, %dma_wait3A_343] : memref<10240x128xf32, #tpu.memory_space<vmem_shared>> -> memref<10240x128xf32, #tpu.memory_space<vmem_shared>>
        tpu.wait_indirect_dma semaphore(%run_scoped3A_332 : memref<!tpu.dma_semaphore, #tpu.memory_space<semaphore_mem>>) src(%arg17 : memref<128x128xf32, #tpu.memory_space<vmem>>) dst(%dma_wait3A_344 : memref<10240x128xf32, #tpu.memory_space<vmem_shared>>)
        tpu.yield
      }) : () -> ()
    }
    %scan3A_60 = arith.constant 157 : i32
    %dma_wait3A = arith.constant 3 : i32
    %dma_wait3A_61 = arith.constant 0 : i32
    %dma_wait3A_62 = tpu.memref_slice %arg15[%dma_wait3A, %dma_wait3A_61] : memref<10x128xi32, #tpu.memory_space<vmem>> -> memref<3x128xi32, #tpu.memory_space<vmem>>
    %dma_wait3A_63 = arith.constant 0 : i32
    %dma_wait3A_64 = arith.constant 0 : i32
    %dma_wait3A_65 = tpu.memref_slice %arg3[%dma_wait3A_63, %dma_wait3A_64] : memref<15264x128xi32, #tpu.memory_space<hbm>> -> memref<3x128xi32, #tpu.memory_space<hbm>>
    %dma_wait3A_66 = arith.constant 3 : i32
    %dma_wait3A_67 = arith.constant 0 : i32
    %dma_wait3A_68 = tpu.memref_slice %arg15[%dma_wait3A_66, %dma_wait3A_67] : memref<10x128xi32, #tpu.memory_space<vmem>> -> memref<3x128xi32, #tpu.memory_space<vmem>>
    %dma_wait3A_69 = arith.constant 0 : i32
    %dma_wait3A_70 = arith.constant 0 : i32
    %dma_wait3A_71 = tpu.memref_slice %arg3[%dma_wait3A_69, %dma_wait3A_70] : memref<15264x128xi32, #tpu.memory_space<hbm>> -> memref<3x128xi32, #tpu.memory_space<hbm>>
    tpu.wait_dma2 semaphore(%arg18 : memref<!tpu.dma_semaphore, #tpu.memory_space<semaphore_mem>>) src(%dma_wait3A_71 : memref<3x128xi32, #tpu.memory_space<hbm>>) dst(%dma_wait3A_68 : memref<3x128xi32, #tpu.memory_space<vmem>>)
    %barrier3A_72 = arith.constant 0 : index
    tpu.barrier barrier_id(%barrier3A_72)
    %barrier3A_73 = arith.constant 0 : index
    tpu.barrier barrier_id(%barrier3A_73)
    %mul3A_74 = arith.constant 640 : i32
    %mul3A_75 = arith.muli %arg1, %mul3A_74 : i32
    %add3A_76 = arith.constant 0 : i32
    %add3A_77 = arith.addi %mul3A_75, %add3A_76 : i32
    %dma_start3A_78 = arith.constant 0 : i32
    %dma_start3A_79 = tpu.memref_slice %arg11[%add3A_77, %dma_start3A_78] : memref<10240x128xf32, #tpu.memory_space<vmem_shared>> -> memref<128x128xf32, #tpu.memory_space<vmem_shared>>
    %dma_start3A_80 = arith.constant 0 : i32
    %dma_start3A_81 = tpu.memref_slice %arg11[%add3A_77, %dma_start3A_80] : memref<10240x128xf32, #tpu.memory_space<vmem_shared>> -> memref<128x128xf32, #tpu.memory_space<vmem_shared>>
    tpu.enqueue_dma source(%dma_start3A_81 : memref<128x128xf32, #tpu.memory_space<vmem_shared>>) target(%arg16 : memref<128x128xf32, #tpu.memory_space<vmem>>) target_semaphore(%arg19 : memref<!tpu.dma_semaphore, #tpu.memory_space<semaphore_mem>>)
    %mul3A_82 = arith.constant 10240 : i32
    %mul3A_83 = arith.muli %arg0, %mul3A_82 : i32
    %add3A_84 = arith.addi %mul3A_83, %add3A_77 : i32
    %dma_start3A_85 = arith.constant 0 : i32
    %dma_start3A_86 = tpu.memref_slice %arg5[%add3A_84, %dma_start3A_85] : memref<20480x128xf32, #tpu.memory_space<hbm>> -> memref<128x128xf32, #tpu.memory_space<hbm>>
    %dma_start3A_87 = arith.constant 0 : i32
    %dma_start3A_88 = tpu.memref_slice %arg5[%add3A_84, %dma_start3A_87] : memref<20480x128xf32, #tpu.memory_space<hbm>> -> memref<128x128xf32, #tpu.memory_space<hbm>>
    tpu.enqueue_dma source(%dma_start3A_88 : memref<128x128xf32, #tpu.memory_space<hbm>>) target(%arg17 : memref<128x128xf32, #tpu.memory_space<vmem>>) target_semaphore(%arg20 : memref<!tpu.dma_semaphore, #tpu.memory_space<semaphore_mem>>)
    %dma_wait3A_89 = arith.constant 0 : i32
    %dma_wait3A_90 = arith.constant 0 : i32
    %dma_wait3A_91 = tpu.memref_slice %arg4[%dma_wait3A_89, %dma_wait3A_90] : memref<320000x128xf32, #tpu.memory_space<hbm>> -> memref<128x128xf32, #tpu.memory_space<hbm>>
    %dma_wait3A_92 = arith.constant 0 : i32
    %dma_wait3A_93 = arith.constant 0 : i32
    %dma_wait3A_94 = tpu.memref_slice %arg4[%dma_wait3A_92, %dma_wait3A_93] : memref<320000x128xf32, #tpu.memory_space<hbm>> -> memref<128x128xf32, #tpu.memory_space<hbm>>
    tpu.wait_dma2 semaphore(%arg19 : memref<!tpu.dma_semaphore, #tpu.memory_space<semaphore_mem>>) src(%dma_wait3A_94 : memref<128x128xf32, #tpu.memory_space<hbm>>) dst(%arg16 : memref<128x128xf32, #tpu.memory_space<vmem>>)
    %dma_wait3A_95 = arith.constant 0 : i32
    %dma_wait3A_96 = arith.constant 0 : i32
    %dma_wait3A_97 = tpu.memref_slice %arg4[%dma_wait3A_95, %dma_wait3A_96] : memref<320000x128xf32, #tpu.memory_space<hbm>> -> memref<128x128xf32, #tpu.memory_space<hbm>>
    %dma_wait3A_98 = arith.constant 0 : i32
    %dma_wait3A_99 = arith.constant 0 : i32
    %dma_wait3A_100 = tpu.memref_slice %arg4[%dma_wait3A_98, %dma_wait3A_99] : memref<320000x128xf32, #tpu.memory_space<hbm>> -> memref<128x128xf32, #tpu.memory_space<hbm>>
    tpu.wait_dma2 semaphore(%arg20 : memref<!tpu.dma_semaphore, #tpu.memory_space<semaphore_mem>>) src(%dma_wait3A_100 : memref<128x128xf32, #tpu.memory_space<hbm>>) dst(%arg17 : memref<128x128xf32, #tpu.memory_space<vmem>>)
    %scan3A_101 = arith.constant 0 : i32
    %scan3A_102 = arith.constant 0 : i32
    %scan3A_103 = arith.constant 128 : i32
    %scan3A_104 = arith.addi %scan3A_102, %scan3A_103 : i32
    %scan3A_105 = arith.constant 1 : i32
    scf.for %scan3A_254 = %scan3A_102 to %scan3A_104 step %scan3A_105  : i32 {
      %add3A_255 = arith.addi %add3A_77, %scan3A_254 : i32
      %shift_right_logical3A = arith.constant 4 : i32
      %shift_right_logical3A_256 = arith.shrui %add3A_255, %shift_right_logical3A : i32
      %broadcast_in_dim3A_257 = vector.broadcast %shift_right_logical3A_256 : i32 to vector<16xi32>
      %and3A = arith.constant 15 : i32
      %and3A_258 = arith.andi %add3A_255, %and3A : i32
      %broadcast_in_dim3A_259 = vector.broadcast %and3A_258 : i32 to vector<16xi32>
      %gather3A = tpu.vector_load_idx %arg12[%broadcast_in_dim3A_257, %broadcast_in_dim3A_259] : memref<640x16xf32, #tpu.memory_space<vmem>>[vector<16xi32>, vector<16xi32>], vector<16xf32>,
      %get3A = arith.index_cast %scan3A_254 : i32 to index
      %get3A_260 = arith.constant 0 : index
      %get3A_261 = tpu.vector_load %arg16[%get3A, %get3A_260] {strides = array<i32>} : memref<128x128xf32, #tpu.memory_space<vmem>>, vector<16xf32>,
      %mul3A_262 = arith.mulf %get3A_261, %gather3A : vector<16xf32>
      %get3A_263 = arith.index_cast %scan3A_254 : i32 to index
      %get3A_264 = arith.constant 0 : index
      %get3A_265 = tpu.vector_load %arg17[%get3A_263, %get3A_264] {strides = array<i32>} : memref<128x128xf32, #tpu.memory_space<vmem>>, vector<16xf32>,
      %add3A_266 = arith.addf %mul3A_262, %get3A_265 : vector<16xf32>
      %swap3A = arith.index_cast %scan3A_254 : i32 to index
      %swap3A_267 = arith.constant 0 : index
      %swap3A_268 = tpu.vector_load %arg16[%swap3A, %swap3A_267] {strides = array<i32>} : memref<128x128xf32, #tpu.memory_space<vmem>>, vector<16xf32>,
      tpu.vector_store %arg16[%swap3A, %swap3A_267], %add3A_266 {strides = array<i32>} : memref<128x128xf32, #tpu.memory_space<vmem>>, vector<16xf32>,
      %get3A_269 = arith.index_cast %scan3A_254 : i32 to index
      %get3A_270 = arith.constant 16 : index
      %get3A_271 = tpu.vector_load %arg16[%get3A_269, %get3A_270] {strides = array<i32>} : memref<128x128xf32, #tpu.memory_space<vmem>>, vector<16xf32>,
      %mul3A_272 = arith.mulf %get3A_271, %gather3A : vector<16xf32>
      %get3A_273 = arith.index_cast %scan3A_254 : i32 to index
      %get3A_274 = arith.constant 16 : index
      %get3A_275 = tpu.vector_load %arg17[%get3A_273, %get3A_274] {strides = array<i32>} : memref<128x128xf32, #tpu.memory_space<vmem>>, vector<16xf32>,
      %add3A_276 = arith.addf %mul3A_272, %get3A_275 : vector<16xf32>
      %swap3A_277 = arith.index_cast %scan3A_254 : i32 to index
      %swap3A_278 = arith.constant 16 : index
      %swap3A_279 = tpu.vector_load %arg16[%swap3A_277, %swap3A_278] {strides = array<i32>} : memref<128x128xf32, #tpu.memory_space<vmem>>, vector<16xf32>,
      tpu.vector_store %arg16[%swap3A_277, %swap3A_278], %add3A_276 {strides = array<i32>} : memref<128x128xf32, #tpu.memory_space<vmem>>, vector<16xf32>,
      %get3A_280 = arith.index_cast %scan3A_254 : i32 to index
      %get3A_281 = arith.constant 32 : index
      %get3A_282 = tpu.vector_load %arg16[%get3A_280, %get3A_281] {strides = array<i32>} : memref<128x128xf32, #tpu.memory_space<vmem>>, vector<16xf32>,
      %mul3A_283 = arith.mulf %get3A_282, %gather3A : vector<16xf32>
      %get3A_284 = arith.index_cast %scan3A_254 : i32 to index
      %get3A_285 = arith.constant 32 : index
      %get3A_286 = tpu.vector_load %arg17[%get3A_284, %get3A_285] {strides = array<i32>} : memref<128x128xf32, #tpu.memory_space<vmem>>, vector<16xf32>,
      %add3A_287 = arith.addf %mul3A_283, %get3A_286 : vector<16xf32>
      %swap3A_288 = arith.index_cast %scan3A_254 : i32 to index
      %swap3A_289 = arith.constant 32 : index
      %swap3A_290 = tpu.vector_load %arg16[%swap3A_288, %swap3A_289] {strides = array<i32>} : memref<128x128xf32, #tpu.memory_space<vmem>>, vector<16xf32>,
      tpu.vector_store %arg16[%swap3A_288, %swap3A_289], %add3A_287 {strides = array<i32>} : memref<128x128xf32, #tpu.memory_space<vmem>>, vector<16xf32>,
      %get3A_291 = arith.index_cast %scan3A_254 : i32 to index
      %get3A_292 = arith.constant 48 : index
      %get3A_293 = tpu.vector_load %arg16[%get3A_291, %get3A_292] {strides = array<i32>} : memref<128x128xf32, #tpu.memory_space<vmem>>, vector<16xf32>,
      %mul3A_294 = arith.mulf %get3A_293, %gather3A : vector<16xf32>
      %get3A_295 = arith.index_cast %scan3A_254 : i32 to index
      %get3A_296 = arith.constant 48 : index
      %get3A_297 = tpu.vector_load %arg17[%get3A_295, %get3A_296] {strides = array<i32>} : memref<128x128xf32, #tpu.memory_space<vmem>>, vector<16xf32>,
      %add3A_298 = arith.addf %mul3A_294, %get3A_297 : vector<16xf32>
      %swap3A_299 = arith.index_cast %scan3A_254 : i32 to index
      %swap3A_300 = arith.constant 48 : index
      %swap3A_301 = tpu.vector_load %arg16[%swap3A_299, %swap3A_300] {strides = array<i32>} : memref<128x128xf32, #tpu.memory_space<vmem>>, vector<16xf32>,
      tpu.vector_store %arg16[%swap3A_299, %swap3A_300], %add3A_298 {strides = array<i32>} : memref<128x128xf32, #tpu.memory_space<vmem>>, vector<16xf32>,
      %get3A_302 = arith.index_cast %scan3A_254 : i32 to index
      %get3A_303 = arith.constant 64 : index
      %get3A_304 = tpu.vector_load %arg16[%get3A_302, %get3A_303] {strides = array<i32>} : memref<128x128xf32, #tpu.memory_space<vmem>>, vector<16xf32>,
      %mul3A_305 = arith.mulf %get3A_304, %gather3A : vector<16xf32>
      %get3A_306 = arith.index_cast %scan3A_254 : i32 to index
      %get3A_307 = arith.constant 64 : index
      %get3A_308 = tpu.vector_load %arg17[%get3A_306, %get3A_307] {strides = array<i32>} : memref<128x128xf32, #tpu.memory_space<vmem>>, vector<16xf32>,
      %add3A_309 = arith.addf %mul3A_305, %get3A_308 : vector<16xf32>
      %swap3A_310 = arith.index_cast %scan3A_254 : i32 to index
      %swap3A_311 = arith.constant 64 : index
      %swap3A_312 = tpu.vector_load %arg16[%swap3A_310, %swap3A_311] {strides = array<i32>} : memref<128x128xf32, #tpu.memory_space<vmem>>, vector<16xf32>,
      tpu.vector_store %arg16[%swap3A_310, %swap3A_311], %add3A_309 {strides = array<i32>} : memref<128x128xf32, #tpu.memory_space<vmem>>, vector<16xf32>,
      %get3A_313 = arith.index_cast %scan3A_254 : i32 to index
      %get3A_314 = arith.constant 80 : index
      %get3A_315 = tpu.vector_load %arg16[%get3A_313, %get3A_314] {strides = array<i32>} : memref<128x128xf32, #tpu.memory_space<vmem>>, vector<16xf32>,
      %mul3A_316 = arith.mulf %get3A_315, %gather3A : vector<16xf32>
      %get3A_317 = arith.index_cast %scan3A_254 : i32 to index
      %get3A_318 = arith.constant 80 : index
      %get3A_319 = tpu.vector_load %arg17[%get3A_317, %get3A_318] {strides = array<i32>} : memref<128x128xf32, #tpu.memory_space<vmem>>, vector<16xf32>,
      %add3A_320 = arith.addf %mul3A_316, %get3A_319 : vector<16xf32>
      %swap3A_321 = arith.index_cast %scan3A_254 : i32 to index
      %swap3A_322 = arith.constant 80 : index
      %swap3A_323 = tpu.vector_load %arg16[%swap3A_321, %swap3A_322] {strides = array<i32>} : memref<128x128xf32, #tpu.memory_space<vmem>>, vector<16xf32>,
      tpu.vector_store %arg16[%swap3A_321, %swap3A_322], %add3A_320 {strides = array<i32>} : memref<128x128xf32, #tpu.memory_space<vmem>>, vector<16xf32>,
      %get3A_324 = arith.index_cast %scan3A_254 : i32 to index
      %get3A_325 = arith.constant 96 : index
      %get3A_326 = tpu.vector_load %arg16[%get3A_324, %get3A_325] {strides = array<i32>} : memref<128x128xf32, #tpu.memory_space<vmem>>, vector<16xf32>,
      %mul3A_327 = arith.mulf %get3A_326, %gather3A : vector<16xf32>
      %get3A_328 = arith.index_cast %scan3A_254 : i32 to index
      %get3A_329 = arith.constant 96 : index
      %get3A_330 = tpu.vector_load %arg17[%get3A_328, %get3A_329] {strides = array<i32>} : memref<128x128xf32, #tpu.memory_space<vmem>>, vector<16xf32>,
      %add3A_331 = arith.addf %mul3A_327, %get3A_330 : vector<16xf32>
      %swap3A_332 = arith.index_cast %scan3A_254 : i32 to index
      %swap3A_333 = arith.constant 96 : index
      %swap3A_334 = tpu.vector_load %arg16[%swap3A_332, %swap3A_333] {strides = array<i32>} : memref<128x128xf32, #tpu.memory_space<vmem>>, vector<16xf32>,
      tpu.vector_store %arg16[%swap3A_332, %swap3A_333], %add3A_331 {strides = array<i32>} : memref<128x128xf32, #tpu.memory_space<vmem>>, vector<16xf32>,
      %get3A_335 = arith.index_cast %scan3A_254 : i32 to index
      %get3A_336 = arith.constant 112 : index
      %get3A_337 = tpu.vector_load %arg16[%get3A_335, %get3A_336] {strides = array<i32>} : memref<128x128xf32, #tpu.memory_space<vmem>>, vector<16xf32>,
      %mul3A_338 = arith.mulf %get3A_337, %gather3A : vector<16xf32>
      %get3A_339 = arith.index_cast %scan3A_254 : i32 to index
      %get3A_340 = arith.constant 112 : index
      %get3A_341 = tpu.vector_load %arg17[%get3A_339, %get3A_340] {strides = array<i32>} : memref<128x128xf32, #tpu.memory_space<vmem>>, vector<16xf32>,
      %add3A_342 = arith.addf %mul3A_338, %get3A_341 : vector<16xf32>
      %swap3A_343 = arith.index_cast %scan3A_254 : i32 to index
      %swap3A_344 = arith.constant 112 : index
      %swap3A_345 = tpu.vector_load %arg16[%swap3A_343, %swap3A_344] {strides = array<i32>} : memref<128x128xf32, #tpu.memory_space<vmem>>, vector<16xf32>,
      tpu.vector_store %arg16[%swap3A_343, %swap3A_344], %add3A_342 {strides = array<i32>} : memref<128x128xf32, #tpu.memory_space<vmem>>, vector<16xf32>,
    }
    %scan3A_106 = arith.constant 128 : i32
    %mul3A_107 = arith.constant 10240 : i32
    %mul3A_108 = arith.muli %arg0, %mul3A_107 : i32
    %add3A_109 = arith.addi %mul3A_108, %add3A_77 : i32
    "tpu.region"() ({
      %run_scoped3A_254 = tpu.sem_alloc : memref<!tpu.dma_semaphore, #tpu.memory_space<semaphore_mem>>
      %dma_start3A_255 = arith.constant 0 : i32
      %dma_start3A_256 = tpu.memref_slice %arg9[%add3A_109, %dma_start3A_255] : memref<20480x128xf32, #tpu.memory_space<hbm>> -> memref<128x128xf32, #tpu.memory_space<hbm>>
      %dma_start3A_257 = arith.constant 0 : i32
      %dma_start3A_258 = tpu.memref_slice %arg9[%add3A_109, %dma_start3A_257] : memref<20480x128xf32, #tpu.memory_space<hbm>> -> memref<128x128xf32, #tpu.memory_space<hbm>>
      tpu.enqueue_dma source(%arg16 : memref<128x128xf32, #tpu.memory_space<vmem>>) target(%dma_start3A_258 : memref<128x128xf32, #tpu.memory_space<hbm>>) target_semaphore(%run_scoped3A_254 : memref<!tpu.dma_semaphore, #tpu.memory_space<semaphore_mem>>)
      %dma_wait3A_259 = arith.constant 0 : i32
      %dma_wait3A_260 = tpu.memref_slice %arg9[%add3A_109, %dma_wait3A_259] : memref<20480x128xf32, #tpu.memory_space<hbm>> -> memref<128x128xf32, #tpu.memory_space<hbm>>
      %dma_wait3A_261 = arith.constant 0 : i32
      %dma_wait3A_262 = tpu.memref_slice %arg9[%add3A_109, %dma_wait3A_261] : memref<20480x128xf32, #tpu.memory_space<hbm>> -> memref<128x128xf32, #tpu.memory_space<hbm>>
      tpu.wait_dma2 semaphore(%run_scoped3A_254 : memref<!tpu.dma_semaphore, #tpu.memory_space<semaphore_mem>>) src(%arg16 : memref<128x128xf32, #tpu.memory_space<vmem>>) dst(%dma_wait3A_262 : memref<128x128xf32, #tpu.memory_space<hbm>>)
      tpu.yield
    }) : () -> ()
    %mul3A_110 = arith.constant 640 : i32
    %mul3A_111 = arith.muli %arg1, %mul3A_110 : i32
    %add3A_112 = arith.constant 128 : i32
    %add3A_113 = arith.addi %mul3A_111, %add3A_112 : i32
    %dma_start3A_114 = arith.constant 0 : i32
    %dma_start3A_115 = tpu.memref_slice %arg11[%add3A_113, %dma_start3A_114] : memref<10240x128xf32, #tpu.memory_space<vmem_shared>> -> memref<128x128xf32, #tpu.memory_space<vmem_shared>>
    %dma_start3A_116 = arith.constant 0 : i32
    %dma_start3A_117 = tpu.memref_slice %arg11[%add3A_113, %dma_start3A_116] : memref<10240x128xf32, #tpu.memory_space<vmem_shared>> -> memref<128x128xf32, #tpu.memory_space<vmem_shared>>
    tpu.enqueue_dma source(%dma_start3A_117 : memref<128x128xf32, #tpu.memory_space<vmem_shared>>) target(%arg16 : memref<128x128xf32, #tpu.memory_space<vmem>>) target_semaphore(%arg19 : memref<!tpu.dma_semaphore, #tpu.memory_space<semaphore_mem>>)
    %mul3A_118 = arith.constant 10240 : i32
    %mul3A_119 = arith.muli %arg0, %mul3A_118 : i32
    %add3A_120 = arith.addi %mul3A_119, %add3A_113 : i32
    %dma_start3A_121 = arith.constant 0 : i32
    %dma_start3A_122 = tpu.memref_slice %arg5[%add3A_120, %dma_start3A_121] : memref<20480x128xf32, #tpu.memory_space<hbm>> -> memref<128x128xf32, #tpu.memory_space<hbm>>
    %dma_start3A_123 = arith.constant 0 : i32
    %dma_start3A_124 = tpu.memref_slice %arg5[%add3A_120, %dma_start3A_123] : memref<20480x128xf32, #tpu.memory_space<hbm>> -> memref<128x128xf32, #tpu.memory_space<hbm>>
    tpu.enqueue_dma source(%dma_start3A_124 : memref<128x128xf32, #tpu.memory_space<hbm>>) target(%arg17 : memref<128x128xf32, #tpu.memory_space<vmem>>) target_semaphore(%arg20 : memref<!tpu.dma_semaphore, #tpu.memory_space<semaphore_mem>>)
    %dma_wait3A_125 = arith.constant 0 : i32
    %dma_wait3A_126 = arith.constant 0 : i32
    %dma_wait3A_127 = tpu.memref_slice %arg4[%dma_wait3A_125, %dma_wait3A_126] : memref<320000x128xf32, #tpu.memory_space<hbm>> -> memref<128x128xf32, #tpu.memory_space<hbm>>
    %dma_wait3A_128 = arith.constant 0 : i32
    %dma_wait3A_129 = arith.constant 0 : i32
    %dma_wait3A_130 = tpu.memref_slice %arg4[%dma_wait3A_128, %dma_wait3A_129] : memref<320000x128xf32, #tpu.memory_space<hbm>> -> memref<128x128xf32, #tpu.memory_space<hbm>>
    tpu.wait_dma2 semaphore(%arg19 : memref<!tpu.dma_semaphore, #tpu.memory_space<semaphore_mem>>) src(%dma_wait3A_130 : memref<128x128xf32, #tpu.memory_space<hbm>>) dst(%arg16 : memref<128x128xf32, #tpu.memory_space<vmem>>)
    %dma_wait3A_131 = arith.constant 0 : i32
    %dma_wait3A_132 = arith.constant 0 : i32
    %dma_wait3A_133 = tpu.memref_slice %arg4[%dma_wait3A_131, %dma_wait3A_132] : memref<320000x128xf32, #tpu.memory_space<hbm>> -> memref<128x128xf32, #tpu.memory_space<hbm>>
    %dma_wait3A_134 = arith.constant 0 : i32
    %dma_wait3A_135 = arith.constant 0 : i32
    %dma_wait3A_136 = tpu.memref_slice %arg4[%dma_wait3A_134, %dma_wait3A_135] : memref<320000x128xf32, #tpu.memory_space<hbm>> -> memref<128x128xf32, #tpu.memory_space<hbm>>
    tpu.wait_dma2 semaphore(%arg20 : memref<!tpu.dma_semaphore, #tpu.memory_space<semaphore_mem>>) src(%dma_wait3A_136 : memref<128x128xf32, #tpu.memory_space<hbm>>) dst(%arg17 : memref<128x128xf32, #tpu.memory_space<vmem>>)
    %scan3A_137 = arith.constant 0 : i32
    %scan3A_138 = arith.constant 0 : i32
    %scan3A_139 = arith.constant 128 : i32
    %scan3A_140 = arith.addi %scan3A_138, %scan3A_139 : i32
    %scan3A_141 = arith.constant 1 : i32
    scf.for %scan3A_254 = %scan3A_138 to %scan3A_140 step %scan3A_141  : i32 {
      %add3A_255 = arith.addi %add3A_113, %scan3A_254 : i32
      %shift_right_logical3A = arith.constant 4 : i32
      %shift_right_logical3A_256 = arith.shrui %add3A_255, %shift_right_logical3A : i32
      %broadcast_in_dim3A_257 = vector.broadcast %shift_right_logical3A_256 : i32 to vector<16xi32>
      %and3A = arith.constant 15 : i32
      %and3A_258 = arith.andi %add3A_255, %and3A : i32
      %broadcast_in_dim3A_259 = vector.broadcast %and3A_258 : i32 to vector<16xi32>
      %gather3A = tpu.vector_load_idx %arg12[%broadcast_in_dim3A_257, %broadcast_in_dim3A_259] : memref<640x16xf32, #tpu.memory_space<vmem>>[vector<16xi32>, vector<16xi32>], vector<16xf32>,
      %get3A = arith.index_cast %scan3A_254 : i32 to index
      %get3A_260 = arith.constant 0 : index
      %get3A_261 = tpu.vector_load %arg16[%get3A, %get3A_260] {strides = array<i32>} : memref<128x128xf32, #tpu.memory_space<vmem>>, vector<16xf32>,
      %mul3A_262 = arith.mulf %get3A_261, %gather3A : vector<16xf32>
      %get3A_263 = arith.index_cast %scan3A_254 : i32 to index
      %get3A_264 = arith.constant 0 : index
      %get3A_265 = tpu.vector_load %arg17[%get3A_263, %get3A_264] {strides = array<i32>} : memref<128x128xf32, #tpu.memory_space<vmem>>, vector<16xf32>,
      %add3A_266 = arith.addf %mul3A_262, %get3A_265 : vector<16xf32>
      %swap3A = arith.index_cast %scan3A_254 : i32 to index
      %swap3A_267 = arith.constant 0 : index
      %swap3A_268 = tpu.vector_load %arg16[%swap3A, %swap3A_267] {strides = array<i32>} : memref<128x128xf32, #tpu.memory_space<vmem>>, vector<16xf32>,
      tpu.vector_store %arg16[%swap3A, %swap3A_267], %add3A_266 {strides = array<i32>} : memref<128x128xf32, #tpu.memory_space<vmem>>, vector<16xf32>,
      %get3A_269 = arith.index_cast %scan3A_254 : i32 to index
      %get3A_270 = arith.constant 16 : index
      %get3A_271 = tpu.vector_load %arg16[%get3A_269, %get3A_270] {strides = array<i32>} : memref<128x128xf32, #tpu.memory_space<vmem>>, vector<16xf32>,
      %mul3A_272 = arith.mulf %get3A_271, %gather3A : vector<16xf32>
      %get3A_273 = arith.index_cast %scan3A_254 : i32 to index
      %get3A_274 = arith.constant 16 : index
      %get3A_275 = tpu.vector_load %arg17[%get3A_273, %get3A_274] {strides = array<i32>} : memref<128x128xf32, #tpu.memory_space<vmem>>, vector<16xf32>,
      %add3A_276 = arith.addf %mul3A_272, %get3A_275 : vector<16xf32>
      %swap3A_277 = arith.index_cast %scan3A_254 : i32 to index
      %swap3A_278 = arith.constant 16 : index
      %swap3A_279 = tpu.vector_load %arg16[%swap3A_277, %swap3A_278] {strides = array<i32>} : memref<128x128xf32, #tpu.memory_space<vmem>>, vector<16xf32>,
      tpu.vector_store %arg16[%swap3A_277, %swap3A_278], %add3A_276 {strides = array<i32>} : memref<128x128xf32, #tpu.memory_space<vmem>>, vector<16xf32>,
      %get3A_280 = arith.index_cast %scan3A_254 : i32 to index
      %get3A_281 = arith.constant 32 : index
      %get3A_282 = tpu.vector_load %arg16[%get3A_280, %get3A_281] {strides = array<i32>} : memref<128x128xf32, #tpu.memory_space<vmem>>, vector<16xf32>,
      %mul3A_283 = arith.mulf %get3A_282, %gather3A : vector<16xf32>
      %get3A_284 = arith.index_cast %scan3A_254 : i32 to index
      %get3A_285 = arith.constant 32 : index
      %get3A_286 = tpu.vector_load %arg17[%get3A_284, %get3A_285] {strides = array<i32>} : memref<128x128xf32, #tpu.memory_space<vmem>>, vector<16xf32>,
      %add3A_287 = arith.addf %mul3A_283, %get3A_286 : vector<16xf32>
      %swap3A_288 = arith.index_cast %scan3A_254 : i32 to index
      %swap3A_289 = arith.constant 32 : index
      %swap3A_290 = tpu.vector_load %arg16[%swap3A_288, %swap3A_289] {strides = array<i32>} : memref<128x128xf32, #tpu.memory_space<vmem>>, vector<16xf32>,
      tpu.vector_store %arg16[%swap3A_288, %swap3A_289], %add3A_287 {strides = array<i32>} : memref<128x128xf32, #tpu.memory_space<vmem>>, vector<16xf32>,
      %get3A_291 = arith.index_cast %scan3A_254 : i32 to index
      %get3A_292 = arith.constant 48 : index
      %get3A_293 = tpu.vector_load %arg16[%get3A_291, %get3A_292] {strides = array<i32>} : memref<128x128xf32, #tpu.memory_space<vmem>>, vector<16xf32>,
      %mul3A_294 = arith.mulf %get3A_293, %gather3A : vector<16xf32>
      %get3A_295 = arith.index_cast %scan3A_254 : i32 to index
      %get3A_296 = arith.constant 48 : index
      %get3A_297 = tpu.vector_load %arg17[%get3A_295, %get3A_296] {strides = array<i32>} : memref<128x128xf32, #tpu.memory_space<vmem>>, vector<16xf32>,
      %add3A_298 = arith.addf %mul3A_294, %get3A_297 : vector<16xf32>
      %swap3A_299 = arith.index_cast %scan3A_254 : i32 to index
      %swap3A_300 = arith.constant 48 : index
      %swap3A_301 = tpu.vector_load %arg16[%swap3A_299, %swap3A_300] {strides = array<i32>} : memref<128x128xf32, #tpu.memory_space<vmem>>, vector<16xf32>,
      tpu.vector_store %arg16[%swap3A_299, %swap3A_300], %add3A_298 {strides = array<i32>} : memref<128x128xf32, #tpu.memory_space<vmem>>, vector<16xf32>,
      %get3A_302 = arith.index_cast %scan3A_254 : i32 to index
      %get3A_303 = arith.constant 64 : index
      %get3A_304 = tpu.vector_load %arg16[%get3A_302, %get3A_303] {strides = array<i32>} : memref<128x128xf32, #tpu.memory_space<vmem>>, vector<16xf32>,
      %mul3A_305 = arith.mulf %get3A_304, %gather3A : vector<16xf32>
      %get3A_306 = arith.index_cast %scan3A_254 : i32 to index
      %get3A_307 = arith.constant 64 : index
      %get3A_308 = tpu.vector_load %arg17[%get3A_306, %get3A_307] {strides = array<i32>} : memref<128x128xf32, #tpu.memory_space<vmem>>, vector<16xf32>,
      %add3A_309 = arith.addf %mul3A_305, %get3A_308 : vector<16xf32>
      %swap3A_310 = arith.index_cast %scan3A_254 : i32 to index
      %swap3A_311 = arith.constant 64 : index
      %swap3A_312 = tpu.vector_load %arg16[%swap3A_310, %swap3A_311] {strides = array<i32>} : memref<128x128xf32, #tpu.memory_space<vmem>>, vector<16xf32>,
      tpu.vector_store %arg16[%swap3A_310, %swap3A_311], %add3A_309 {strides = array<i32>} : memref<128x128xf32, #tpu.memory_space<vmem>>, vector<16xf32>,
      %get3A_313 = arith.index_cast %scan3A_254 : i32 to index
      %get3A_314 = arith.constant 80 : index
      %get3A_315 = tpu.vector_load %arg16[%get3A_313, %get3A_314] {strides = array<i32>} : memref<128x128xf32, #tpu.memory_space<vmem>>, vector<16xf32>,
      %mul3A_316 = arith.mulf %get3A_315, %gather3A : vector<16xf32>
      %get3A_317 = arith.index_cast %scan3A_254 : i32 to index
      %get3A_318 = arith.constant 80 : index
      %get3A_319 = tpu.vector_load %arg17[%get3A_317, %get3A_318] {strides = array<i32>} : memref<128x128xf32, #tpu.memory_space<vmem>>, vector<16xf32>,
      %add3A_320 = arith.addf %mul3A_316, %get3A_319 : vector<16xf32>
      %swap3A_321 = arith.index_cast %scan3A_254 : i32 to index
      %swap3A_322 = arith.constant 80 : index
      %swap3A_323 = tpu.vector_load %arg16[%swap3A_321, %swap3A_322] {strides = array<i32>} : memref<128x128xf32, #tpu.memory_space<vmem>>, vector<16xf32>,
      tpu.vector_store %arg16[%swap3A_321, %swap3A_322], %add3A_320 {strides = array<i32>} : memref<128x128xf32, #tpu.memory_space<vmem>>, vector<16xf32>,
      %get3A_324 = arith.index_cast %scan3A_254 : i32 to index
      %get3A_325 = arith.constant 96 : index
      %get3A_326 = tpu.vector_load %arg16[%get3A_324, %get3A_325] {strides = array<i32>} : memref<128x128xf32, #tpu.memory_space<vmem>>, vector<16xf32>,
      %mul3A_327 = arith.mulf %get3A_326, %gather3A : vector<16xf32>
      %get3A_328 = arith.index_cast %scan3A_254 : i32 to index
      %get3A_329 = arith.constant 96 : index
      %get3A_330 = tpu.vector_load %arg17[%get3A_328, %get3A_329] {strides = array<i32>} : memref<128x128xf32, #tpu.memory_space<vmem>>, vector<16xf32>,
      %add3A_331 = arith.addf %mul3A_327, %get3A_330 : vector<16xf32>
      %swap3A_332 = arith.index_cast %scan3A_254 : i32 to index
      %swap3A_333 = arith.constant 96 : index
      %swap3A_334 = tpu.vector_load %arg16[%swap3A_332, %swap3A_333] {strides = array<i32>} : memref<128x128xf32, #tpu.memory_space<vmem>>, vector<16xf32>,
      tpu.vector_store %arg16[%swap3A_332, %swap3A_333], %add3A_331 {strides = array<i32>} : memref<128x128xf32, #tpu.memory_space<vmem>>, vector<16xf32>,
      %get3A_335 = arith.index_cast %scan3A_254 : i32 to index
      %get3A_336 = arith.constant 112 : index
      %get3A_337 = tpu.vector_load %arg16[%get3A_335, %get3A_336] {strides = array<i32>} : memref<128x128xf32, #tpu.memory_space<vmem>>, vector<16xf32>,
      %mul3A_338 = arith.mulf %get3A_337, %gather3A : vector<16xf32>
      %get3A_339 = arith.index_cast %scan3A_254 : i32 to index
      %get3A_340 = arith.constant 112 : index
      %get3A_341 = tpu.vector_load %arg17[%get3A_339, %get3A_340] {strides = array<i32>} : memref<128x128xf32, #tpu.memory_space<vmem>>, vector<16xf32>,
      %add3A_342 = arith.addf %mul3A_338, %get3A_341 : vector<16xf32>
      %swap3A_343 = arith.index_cast %scan3A_254 : i32 to index
      %swap3A_344 = arith.constant 112 : index
      %swap3A_345 = tpu.vector_load %arg16[%swap3A_343, %swap3A_344] {strides = array<i32>} : memref<128x128xf32, #tpu.memory_space<vmem>>, vector<16xf32>,
      tpu.vector_store %arg16[%swap3A_343, %swap3A_344], %add3A_342 {strides = array<i32>} : memref<128x128xf32, #tpu.memory_space<vmem>>, vector<16xf32>,
    }
    %scan3A_142 = arith.constant 128 : i32
    %mul3A_143 = arith.constant 10240 : i32
    %mul3A_144 = arith.muli %arg0, %mul3A_143 : i32
    %add3A_145 = arith.addi %mul3A_144, %add3A_113 : i32
    "tpu.region"() ({
      %run_scoped3A_254 = tpu.sem_alloc : memref<!tpu.dma_semaphore, #tpu.memory_space<semaphore_mem>>
      %dma_start3A_255 = arith.constant 0 : i32
      %dma_start3A_256 = tpu.memref_slice %arg9[%add3A_145, %dma_start3A_255] : memref<20480x128xf32, #tpu.memory_space<hbm>> -> memref<128x128xf32, #tpu.memory_space<hbm>>
      %dma_start3A_257 = arith.constant 0 : i32
      %dma_start3A_258 = tpu.memref_slice %arg9[%add3A_145, %dma_start3A_257] : memref<20480x128xf32, #tpu.memory_space<hbm>> -> memref<128x128xf32, #tpu.memory_space<hbm>>
      tpu.enqueue_dma source(%arg16 : memref<128x128xf32, #tpu.memory_space<vmem>>) target(%dma_start3A_258 : memref<128x128xf32, #tpu.memory_space<hbm>>) target_semaphore(%run_scoped3A_254 : memref<!tpu.dma_semaphore, #tpu.memory_space<semaphore_mem>>)
      %dma_wait3A_259 = arith.constant 0 : i32
      %dma_wait3A_260 = tpu.memref_slice %arg9[%add3A_145, %dma_wait3A_259] : memref<20480x128xf32, #tpu.memory_space<hbm>> -> memref<128x128xf32, #tpu.memory_space<hbm>>
      %dma_wait3A_261 = arith.constant 0 : i32
      %dma_wait3A_262 = tpu.memref_slice %arg9[%add3A_145, %dma_wait3A_261] : memref<20480x128xf32, #tpu.memory_space<hbm>> -> memref<128x128xf32, #tpu.memory_space<hbm>>
      tpu.wait_dma2 semaphore(%run_scoped3A_254 : memref<!tpu.dma_semaphore, #tpu.memory_space<semaphore_mem>>) src(%arg16 : memref<128x128xf32, #tpu.memory_space<vmem>>) dst(%dma_wait3A_262 : memref<128x128xf32, #tpu.memory_space<hbm>>)
      tpu.yield
    }) : () -> ()
    %mul3A_146 = arith.constant 640 : i32
    %mul3A_147 = arith.muli %arg1, %mul3A_146 : i32
    %add3A_148 = arith.constant 256 : i32
    %add3A_149 = arith.addi %mul3A_147, %add3A_148 : i32
    %dma_start3A_150 = arith.constant 0 : i32
    %dma_start3A_151 = tpu.memref_slice %arg11[%add3A_149, %dma_start3A_150] : memref<10240x128xf32, #tpu.memory_space<vmem_shared>> -> memref<128x128xf32, #tpu.memory_space<vmem_shared>>
    %dma_start3A_152 = arith.constant 0 : i32
    %dma_start3A_153 = tpu.memref_slice %arg11[%add3A_149, %dma_start3A_152] : memref<10240x128xf32, #tpu.memory_space<vmem_shared>> -> memref<128x128xf32, #tpu.memory_space<vmem_shared>>
    tpu.enqueue_dma source(%dma_start3A_153 : memref<128x128xf32, #tpu.memory_space<vmem_shared>>) target(%arg16 : memref<128x128xf32, #tpu.memory_space<vmem>>) target_semaphore(%arg19 : memref<!tpu.dma_semaphore, #tpu.memory_space<semaphore_mem>>)
    %mul3A_154 = arith.constant 10240 : i32
    %mul3A_155 = arith.muli %arg0, %mul3A_154 : i32
    %add3A_156 = arith.addi %mul3A_155, %add3A_149 : i32
    %dma_start3A_157 = arith.constant 0 : i32
    %dma_start3A_158 = tpu.memref_slice %arg5[%add3A_156, %dma_start3A_157] : memref<20480x128xf32, #tpu.memory_space<hbm>> -> memref<128x128xf32, #tpu.memory_space<hbm>>
    %dma_start3A_159 = arith.constant 0 : i32
    %dma_start3A_160 = tpu.memref_slice %arg5[%add3A_156, %dma_start3A_159] : memref<20480x128xf32, #tpu.memory_space<hbm>> -> memref<128x128xf32, #tpu.memory_space<hbm>>
    tpu.enqueue_dma source(%dma_start3A_160 : memref<128x128xf32, #tpu.memory_space<hbm>>) target(%arg17 : memref<128x128xf32, #tpu.memory_space<vmem>>) target_semaphore(%arg20 : memref<!tpu.dma_semaphore, #tpu.memory_space<semaphore_mem>>)
    %dma_wait3A_161 = arith.constant 0 : i32
    %dma_wait3A_162 = arith.constant 0 : i32
    %dma_wait3A_163 = tpu.memref_slice %arg4[%dma_wait3A_161, %dma_wait3A_162] : memref<320000x128xf32, #tpu.memory_space<hbm>> -> memref<128x128xf32, #tpu.memory_space<hbm>>
    %dma_wait3A_164 = arith.constant 0 : i32
    %dma_wait3A_165 = arith.constant 0 : i32
    %dma_wait3A_166 = tpu.memref_slice %arg4[%dma_wait3A_164, %dma_wait3A_165] : memref<320000x128xf32, #tpu.memory_space<hbm>> -> memref<128x128xf32, #tpu.memory_space<hbm>>
    tpu.wait_dma2 semaphore(%arg19 : memref<!tpu.dma_semaphore, #tpu.memory_space<semaphore_mem>>) src(%dma_wait3A_166 : memref<128x128xf32, #tpu.memory_space<hbm>>) dst(%arg16 : memref<128x128xf32, #tpu.memory_space<vmem>>)
    %dma_wait3A_167 = arith.constant 0 : i32
    %dma_wait3A_168 = arith.constant 0 : i32
    %dma_wait3A_169 = tpu.memref_slice %arg4[%dma_wait3A_167, %dma_wait3A_168] : memref<320000x128xf32, #tpu.memory_space<hbm>> -> memref<128x128xf32, #tpu.memory_space<hbm>>
    %dma_wait3A_170 = arith.constant 0 : i32
    %dma_wait3A_171 = arith.constant 0 : i32
    %dma_wait3A_172 = tpu.memref_slice %arg4[%dma_wait3A_170, %dma_wait3A_171] : memref<320000x128xf32, #tpu.memory_space<hbm>> -> memref<128x128xf32, #tpu.memory_space<hbm>>
    tpu.wait_dma2 semaphore(%arg20 : memref<!tpu.dma_semaphore, #tpu.memory_space<semaphore_mem>>) src(%dma_wait3A_172 : memref<128x128xf32, #tpu.memory_space<hbm>>) dst(%arg17 : memref<128x128xf32, #tpu.memory_space<vmem>>)
    %scan3A_173 = arith.constant 0 : i32
    %scan3A_174 = arith.constant 0 : i32
    %scan3A_175 = arith.constant 128 : i32
    %scan3A_176 = arith.addi %scan3A_174, %scan3A_175 : i32
    %scan3A_177 = arith.constant 1 : i32
    scf.for %scan3A_254 = %scan3A_174 to %scan3A_176 step %scan3A_177  : i32 {
      %add3A_255 = arith.addi %add3A_149, %scan3A_254 : i32
      %shift_right_logical3A = arith.constant 4 : i32
      %shift_right_logical3A_256 = arith.shrui %add3A_255, %shift_right_logical3A : i32
      %broadcast_in_dim3A_257 = vector.broadcast %shift_right_logical3A_256 : i32 to vector<16xi32>
      %and3A = arith.constant 15 : i32
      %and3A_258 = arith.andi %add3A_255, %and3A : i32
      %broadcast_in_dim3A_259 = vector.broadcast %and3A_258 : i32 to vector<16xi32>
      %gather3A = tpu.vector_load_idx %arg12[%broadcast_in_dim3A_257, %broadcast_in_dim3A_259] : memref<640x16xf32, #tpu.memory_space<vmem>>[vector<16xi32>, vector<16xi32>], vector<16xf32>,
      %get3A = arith.index_cast %scan3A_254 : i32 to index
      %get3A_260 = arith.constant 0 : index
      %get3A_261 = tpu.vector_load %arg16[%get3A, %get3A_260] {strides = array<i32>} : memref<128x128xf32, #tpu.memory_space<vmem>>, vector<16xf32>,
      %mul3A_262 = arith.mulf %get3A_261, %gather3A : vector<16xf32>
      %get3A_263 = arith.index_cast %scan3A_254 : i32 to index
      %get3A_264 = arith.constant 0 : index
      %get3A_265 = tpu.vector_load %arg17[%get3A_263, %get3A_264] {strides = array<i32>} : memref<128x128xf32, #tpu.memory_space<vmem>>, vector<16xf32>,
      %add3A_266 = arith.addf %mul3A_262, %get3A_265 : vector<16xf32>
      %swap3A = arith.index_cast %scan3A_254 : i32 to index
      %swap3A_267 = arith.constant 0 : index
      %swap3A_268 = tpu.vector_load %arg16[%swap3A, %swap3A_267] {strides = array<i32>} : memref<128x128xf32, #tpu.memory_space<vmem>>, vector<16xf32>,
      tpu.vector_store %arg16[%swap3A, %swap3A_267], %add3A_266 {strides = array<i32>} : memref<128x128xf32, #tpu.memory_space<vmem>>, vector<16xf32>,
      %get3A_269 = arith.index_cast %scan3A_254 : i32 to index
      %get3A_270 = arith.constant 16 : index
      %get3A_271 = tpu.vector_load %arg16[%get3A_269, %get3A_270] {strides = array<i32>} : memref<128x128xf32, #tpu.memory_space<vmem>>, vector<16xf32>,
      %mul3A_272 = arith.mulf %get3A_271, %gather3A : vector<16xf32>
      %get3A_273 = arith.index_cast %scan3A_254 : i32 to index
      %get3A_274 = arith.constant 16 : index
      %get3A_275 = tpu.vector_load %arg17[%get3A_273, %get3A_274] {strides = array<i32>} : memref<128x128xf32, #tpu.memory_space<vmem>>, vector<16xf32>,
      %add3A_276 = arith.addf %mul3A_272, %get3A_275 : vector<16xf32>
      %swap3A_277 = arith.index_cast %scan3A_254 : i32 to index
      %swap3A_278 = arith.constant 16 : index
      %swap3A_279 = tpu.vector_load %arg16[%swap3A_277, %swap3A_278] {strides = array<i32>} : memref<128x128xf32, #tpu.memory_space<vmem>>, vector<16xf32>,
      tpu.vector_store %arg16[%swap3A_277, %swap3A_278], %add3A_276 {strides = array<i32>} : memref<128x128xf32, #tpu.memory_space<vmem>>, vector<16xf32>,
      %get3A_280 = arith.index_cast %scan3A_254 : i32 to index
      %get3A_281 = arith.constant 32 : index
      %get3A_282 = tpu.vector_load %arg16[%get3A_280, %get3A_281] {strides = array<i32>} : memref<128x128xf32, #tpu.memory_space<vmem>>, vector<16xf32>,
      %mul3A_283 = arith.mulf %get3A_282, %gather3A : vector<16xf32>
      %get3A_284 = arith.index_cast %scan3A_254 : i32 to index
      %get3A_285 = arith.constant 32 : index
      %get3A_286 = tpu.vector_load %arg17[%get3A_284, %get3A_285] {strides = array<i32>} : memref<128x128xf32, #tpu.memory_space<vmem>>, vector<16xf32>,
      %add3A_287 = arith.addf %mul3A_283, %get3A_286 : vector<16xf32>
      %swap3A_288 = arith.index_cast %scan3A_254 : i32 to index
      %swap3A_289 = arith.constant 32 : index
      %swap3A_290 = tpu.vector_load %arg16[%swap3A_288, %swap3A_289] {strides = array<i32>} : memref<128x128xf32, #tpu.memory_space<vmem>>, vector<16xf32>,
      tpu.vector_store %arg16[%swap3A_288, %swap3A_289], %add3A_287 {strides = array<i32>} : memref<128x128xf32, #tpu.memory_space<vmem>>, vector<16xf32>,
      %get3A_291 = arith.index_cast %scan3A_254 : i32 to index
      %get3A_292 = arith.constant 48 : index
      %get3A_293 = tpu.vector_load %arg16[%get3A_291, %get3A_292] {strides = array<i32>} : memref<128x128xf32, #tpu.memory_space<vmem>>, vector<16xf32>,
      %mul3A_294 = arith.mulf %get3A_293, %gather3A : vector<16xf32>
      %get3A_295 = arith.index_cast %scan3A_254 : i32 to index
      %get3A_296 = arith.constant 48 : index
      %get3A_297 = tpu.vector_load %arg17[%get3A_295, %get3A_296] {strides = array<i32>} : memref<128x128xf32, #tpu.memory_space<vmem>>, vector<16xf32>,
      %add3A_298 = arith.addf %mul3A_294, %get3A_297 : vector<16xf32>
      %swap3A_299 = arith.index_cast %scan3A_254 : i32 to index
      %swap3A_300 = arith.constant 48 : index
      %swap3A_301 = tpu.vector_load %arg16[%swap3A_299, %swap3A_300] {strides = array<i32>} : memref<128x128xf32, #tpu.memory_space<vmem>>, vector<16xf32>,
      tpu.vector_store %arg16[%swap3A_299, %swap3A_300], %add3A_298 {strides = array<i32>} : memref<128x128xf32, #tpu.memory_space<vmem>>, vector<16xf32>,
      %get3A_302 = arith.index_cast %scan3A_254 : i32 to index
      %get3A_303 = arith.constant 64 : index
      %get3A_304 = tpu.vector_load %arg16[%get3A_302, %get3A_303] {strides = array<i32>} : memref<128x128xf32, #tpu.memory_space<vmem>>, vector<16xf32>,
      %mul3A_305 = arith.mulf %get3A_304, %gather3A : vector<16xf32>
      %get3A_306 = arith.index_cast %scan3A_254 : i32 to index
      %get3A_307 = arith.constant 64 : index
      %get3A_308 = tpu.vector_load %arg17[%get3A_306, %get3A_307] {strides = array<i32>} : memref<128x128xf32, #tpu.memory_space<vmem>>, vector<16xf32>,
      %add3A_309 = arith.addf %mul3A_305, %get3A_308 : vector<16xf32>
      %swap3A_310 = arith.index_cast %scan3A_254 : i32 to index
      %swap3A_311 = arith.constant 64 : index
      %swap3A_312 = tpu.vector_load %arg16[%swap3A_310, %swap3A_311] {strides = array<i32>} : memref<128x128xf32, #tpu.memory_space<vmem>>, vector<16xf32>,
      tpu.vector_store %arg16[%swap3A_310, %swap3A_311], %add3A_309 {strides = array<i32>} : memref<128x128xf32, #tpu.memory_space<vmem>>, vector<16xf32>,
      %get3A_313 = arith.index_cast %scan3A_254 : i32 to index
      %get3A_314 = arith.constant 80 : index
      %get3A_315 = tpu.vector_load %arg16[%get3A_313, %get3A_314] {strides = array<i32>} : memref<128x128xf32, #tpu.memory_space<vmem>>, vector<16xf32>,
      %mul3A_316 = arith.mulf %get3A_315, %gather3A : vector<16xf32>
      %get3A_317 = arith.index_cast %scan3A_254 : i32 to index
      %get3A_318 = arith.constant 80 : index
      %get3A_319 = tpu.vector_load %arg17[%get3A_317, %get3A_318] {strides = array<i32>} : memref<128x128xf32, #tpu.memory_space<vmem>>, vector<16xf32>,
      %add3A_320 = arith.addf %mul3A_316, %get3A_319 : vector<16xf32>
      %swap3A_321 = arith.index_cast %scan3A_254 : i32 to index
      %swap3A_322 = arith.constant 80 : index
      %swap3A_323 = tpu.vector_load %arg16[%swap3A_321, %swap3A_322] {strides = array<i32>} : memref<128x128xf32, #tpu.memory_space<vmem>>, vector<16xf32>,
      tpu.vector_store %arg16[%swap3A_321, %swap3A_322], %add3A_320 {strides = array<i32>} : memref<128x128xf32, #tpu.memory_space<vmem>>, vector<16xf32>,
      %get3A_324 = arith.index_cast %scan3A_254 : i32 to index
      %get3A_325 = arith.constant 96 : index
      %get3A_326 = tpu.vector_load %arg16[%get3A_324, %get3A_325] {strides = array<i32>} : memref<128x128xf32, #tpu.memory_space<vmem>>, vector<16xf32>,
      %mul3A_327 = arith.mulf %get3A_326, %gather3A : vector<16xf32>
      %get3A_328 = arith.index_cast %scan3A_254 : i32 to index
      %get3A_329 = arith.constant 96 : index
      %get3A_330 = tpu.vector_load %arg17[%get3A_328, %get3A_329] {strides = array<i32>} : memref<128x128xf32, #tpu.memory_space<vmem>>, vector<16xf32>,
      %add3A_331 = arith.addf %mul3A_327, %get3A_330 : vector<16xf32>
      %swap3A_332 = arith.index_cast %scan3A_254 : i32 to index
      %swap3A_333 = arith.constant 96 : index
      %swap3A_334 = tpu.vector_load %arg16[%swap3A_332, %swap3A_333] {strides = array<i32>} : memref<128x128xf32, #tpu.memory_space<vmem>>, vector<16xf32>,
      tpu.vector_store %arg16[%swap3A_332, %swap3A_333], %add3A_331 {strides = array<i32>} : memref<128x128xf32, #tpu.memory_space<vmem>>, vector<16xf32>,
      %get3A_335 = arith.index_cast %scan3A_254 : i32 to index
      %get3A_336 = arith.constant 112 : index
      %get3A_337 = tpu.vector_load %arg16[%get3A_335, %get3A_336] {strides = array<i32>} : memref<128x128xf32, #tpu.memory_space<vmem>>, vector<16xf32>,
      %mul3A_338 = arith.mulf %get3A_337, %gather3A : vector<16xf32>
      %get3A_339 = arith.index_cast %scan3A_254 : i32 to index
      %get3A_340 = arith.constant 112 : index
      %get3A_341 = tpu.vector_load %arg17[%get3A_339, %get3A_340] {strides = array<i32>} : memref<128x128xf32, #tpu.memory_space<vmem>>, vector<16xf32>,
      %add3A_342 = arith.addf %mul3A_338, %get3A_341 : vector<16xf32>
      %swap3A_343 = arith.index_cast %scan3A_254 : i32 to index
      %swap3A_344 = arith.constant 112 : index
      %swap3A_345 = tpu.vector_load %arg16[%swap3A_343, %swap3A_344] {strides = array<i32>} : memref<128x128xf32, #tpu.memory_space<vmem>>, vector<16xf32>,
      tpu.vector_store %arg16[%swap3A_343, %swap3A_344], %add3A_342 {strides = array<i32>} : memref<128x128xf32, #tpu.memory_space<vmem>>, vector<16xf32>,
    }
    %scan3A_178 = arith.constant 128 : i32
    %mul3A_179 = arith.constant 10240 : i32
    %mul3A_180 = arith.muli %arg0, %mul3A_179 : i32
    %add3A_181 = arith.addi %mul3A_180, %add3A_149 : i32
    "tpu.region"() ({
      %run_scoped3A_254 = tpu.sem_alloc : memref<!tpu.dma_semaphore, #tpu.memory_space<semaphore_mem>>
      %dma_start3A_255 = arith.constant 0 : i32
      %dma_start3A_256 = tpu.memref_slice %arg9[%add3A_181, %dma_start3A_255] : memref<20480x128xf32, #tpu.memory_space<hbm>> -> memref<128x128xf32, #tpu.memory_space<hbm>>
      %dma_start3A_257 = arith.constant 0 : i32
      %dma_start3A_258 = tpu.memref_slice %arg9[%add3A_181, %dma_start3A_257] : memref<20480x128xf32, #tpu.memory_space<hbm>> -> memref<128x128xf32, #tpu.memory_space<hbm>>
      tpu.enqueue_dma source(%arg16 : memref<128x128xf32, #tpu.memory_space<vmem>>) target(%dma_start3A_258 : memref<128x128xf32, #tpu.memory_space<hbm>>) target_semaphore(%run_scoped3A_254 : memref<!tpu.dma_semaphore, #tpu.memory_space<semaphore_mem>>)
      %dma_wait3A_259 = arith.constant 0 : i32
      %dma_wait3A_260 = tpu.memref_slice %arg9[%add3A_181, %dma_wait3A_259] : memref<20480x128xf32, #tpu.memory_space<hbm>> -> memref<128x128xf32, #tpu.memory_space<hbm>>
      %dma_wait3A_261 = arith.constant 0 : i32
      %dma_wait3A_262 = tpu.memref_slice %arg9[%add3A_181, %dma_wait3A_261] : memref<20480x128xf32, #tpu.memory_space<hbm>> -> memref<128x128xf32, #tpu.memory_space<hbm>>
      tpu.wait_dma2 semaphore(%run_scoped3A_254 : memref<!tpu.dma_semaphore, #tpu.memory_space<semaphore_mem>>) src(%arg16 : memref<128x128xf32, #tpu.memory_space<vmem>>) dst(%dma_wait3A_262 : memref<128x128xf32, #tpu.memory_space<hbm>>)
      tpu.yield
    }) : () -> ()
    %mul3A_182 = arith.constant 640 : i32
    %mul3A_183 = arith.muli %arg1, %mul3A_182 : i32
    %add3A_184 = arith.constant 384 : i32
    %add3A_185 = arith.addi %mul3A_183, %add3A_184 : i32
    %dma_start3A_186 = arith.constant 0 : i32
    %dma_start3A_187 = tpu.memref_slice %arg11[%add3A_185, %dma_start3A_186] : memref<10240x128xf32, #tpu.memory_space<vmem_shared>> -> memref<128x128xf32, #tpu.memory_space<vmem_shared>>
    %dma_start3A_188 = arith.constant 0 : i32
    %dma_start3A_189 = tpu.memref_slice %arg11[%add3A_185, %dma_start3A_188] : memref<10240x128xf32, #tpu.memory_space<vmem_shared>> -> memref<128x128xf32, #tpu.memory_space<vmem_shared>>
    tpu.enqueue_dma source(%dma_start3A_189 : memref<128x128xf32, #tpu.memory_space<vmem_shared>>) target(%arg16 : memref<128x128xf32, #tpu.memory_space<vmem>>) target_semaphore(%arg19 : memref<!tpu.dma_semaphore, #tpu.memory_space<semaphore_mem>>)
    %mul3A_190 = arith.constant 10240 : i32
    %mul3A_191 = arith.muli %arg0, %mul3A_190 : i32
    %add3A_192 = arith.addi %mul3A_191, %add3A_185 : i32
    %dma_start3A_193 = arith.constant 0 : i32
    %dma_start3A_194 = tpu.memref_slice %arg5[%add3A_192, %dma_start3A_193] : memref<20480x128xf32, #tpu.memory_space<hbm>> -> memref<128x128xf32, #tpu.memory_space<hbm>>
    %dma_start3A_195 = arith.constant 0 : i32
    %dma_start3A_196 = tpu.memref_slice %arg5[%add3A_192, %dma_start3A_195] : memref<20480x128xf32, #tpu.memory_space<hbm>> -> memref<128x128xf32, #tpu.memory_space<hbm>>
    tpu.enqueue_dma source(%dma_start3A_196 : memref<128x128xf32, #tpu.memory_space<hbm>>) target(%arg17 : memref<128x128xf32, #tpu.memory_space<vmem>>) target_semaphore(%arg20 : memref<!tpu.dma_semaphore, #tpu.memory_space<semaphore_mem>>)
    %dma_wait3A_197 = arith.constant 0 : i32
    %dma_wait3A_198 = arith.constant 0 : i32
    %dma_wait3A_199 = tpu.memref_slice %arg4[%dma_wait3A_197, %dma_wait3A_198] : memref<320000x128xf32, #tpu.memory_space<hbm>> -> memref<128x128xf32, #tpu.memory_space<hbm>>
    %dma_wait3A_200 = arith.constant 0 : i32
    %dma_wait3A_201 = arith.constant 0 : i32
    %dma_wait3A_202 = tpu.memref_slice %arg4[%dma_wait3A_200, %dma_wait3A_201] : memref<320000x128xf32, #tpu.memory_space<hbm>> -> memref<128x128xf32, #tpu.memory_space<hbm>>
    tpu.wait_dma2 semaphore(%arg19 : memref<!tpu.dma_semaphore, #tpu.memory_space<semaphore_mem>>) src(%dma_wait3A_202 : memref<128x128xf32, #tpu.memory_space<hbm>>) dst(%arg16 : memref<128x128xf32, #tpu.memory_space<vmem>>)
    %dma_wait3A_203 = arith.constant 0 : i32
    %dma_wait3A_204 = arith.constant 0 : i32
    %dma_wait3A_205 = tpu.memref_slice %arg4[%dma_wait3A_203, %dma_wait3A_204] : memref<320000x128xf32, #tpu.memory_space<hbm>> -> memref<128x128xf32, #tpu.memory_space<hbm>>
    %dma_wait3A_206 = arith.constant 0 : i32
    %dma_wait3A_207 = arith.constant 0 : i32
    %dma_wait3A_208 = tpu.memref_slice %arg4[%dma_wait3A_206, %dma_wait3A_207] : memref<320000x128xf32, #tpu.memory_space<hbm>> -> memref<128x128xf32, #tpu.memory_space<hbm>>
    tpu.wait_dma2 semaphore(%arg20 : memref<!tpu.dma_semaphore, #tpu.memory_space<semaphore_mem>>) src(%dma_wait3A_208 : memref<128x128xf32, #tpu.memory_space<hbm>>) dst(%arg17 : memref<128x128xf32, #tpu.memory_space<vmem>>)
    %scan3A_209 = arith.constant 0 : i32
    %scan3A_210 = arith.constant 0 : i32
    %scan3A_211 = arith.constant 128 : i32
    %scan3A_212 = arith.addi %scan3A_210, %scan3A_211 : i32
    %scan3A_213 = arith.constant 1 : i32
    scf.for %scan3A_254 = %scan3A_210 to %scan3A_212 step %scan3A_213  : i32 {
      %add3A_255 = arith.addi %add3A_185, %scan3A_254 : i32
      %shift_right_logical3A = arith.constant 4 : i32
      %shift_right_logical3A_256 = arith.shrui %add3A_255, %shift_right_logical3A : i32
      %broadcast_in_dim3A_257 = vector.broadcast %shift_right_logical3A_256 : i32 to vector<16xi32>
      %and3A = arith.constant 15 : i32
      %and3A_258 = arith.andi %add3A_255, %and3A : i32
      %broadcast_in_dim3A_259 = vector.broadcast %and3A_258 : i32 to vector<16xi32>
      %gather3A = tpu.vector_load_idx %arg12[%broadcast_in_dim3A_257, %broadcast_in_dim3A_259] : memref<640x16xf32, #tpu.memory_space<vmem>>[vector<16xi32>, vector<16xi32>], vector<16xf32>,
      %get3A = arith.index_cast %scan3A_254 : i32 to index
      %get3A_260 = arith.constant 0 : index
      %get3A_261 = tpu.vector_load %arg16[%get3A, %get3A_260] {strides = array<i32>} : memref<128x128xf32, #tpu.memory_space<vmem>>, vector<16xf32>,
      %mul3A_262 = arith.mulf %get3A_261, %gather3A : vector<16xf32>
      %get3A_263 = arith.index_cast %scan3A_254 : i32 to index
      %get3A_264 = arith.constant 0 : index
      %get3A_265 = tpu.vector_load %arg17[%get3A_263, %get3A_264] {strides = array<i32>} : memref<128x128xf32, #tpu.memory_space<vmem>>, vector<16xf32>,
      %add3A_266 = arith.addf %mul3A_262, %get3A_265 : vector<16xf32>
      %swap3A = arith.index_cast %scan3A_254 : i32 to index
      %swap3A_267 = arith.constant 0 : index
      %swap3A_268 = tpu.vector_load %arg16[%swap3A, %swap3A_267] {strides = array<i32>} : memref<128x128xf32, #tpu.memory_space<vmem>>, vector<16xf32>,
      tpu.vector_store %arg16[%swap3A, %swap3A_267], %add3A_266 {strides = array<i32>} : memref<128x128xf32, #tpu.memory_space<vmem>>, vector<16xf32>,
      %get3A_269 = arith.index_cast %scan3A_254 : i32 to index
      %get3A_270 = arith.constant 16 : index
      %get3A_271 = tpu.vector_load %arg16[%get3A_269, %get3A_270] {strides = array<i32>} : memref<128x128xf32, #tpu.memory_space<vmem>>, vector<16xf32>,
      %mul3A_272 = arith.mulf %get3A_271, %gather3A : vector<16xf32>
      %get3A_273 = arith.index_cast %scan3A_254 : i32 to index
      %get3A_274 = arith.constant 16 : index
      %get3A_275 = tpu.vector_load %arg17[%get3A_273, %get3A_274] {strides = array<i32>} : memref<128x128xf32, #tpu.memory_space<vmem>>, vector<16xf32>,
      %add3A_276 = arith.addf %mul3A_272, %get3A_275 : vector<16xf32>
      %swap3A_277 = arith.index_cast %scan3A_254 : i32 to index
      %swap3A_278 = arith.constant 16 : index
      %swap3A_279 = tpu.vector_load %arg16[%swap3A_277, %swap3A_278] {strides = array<i32>} : memref<128x128xf32, #tpu.memory_space<vmem>>, vector<16xf32>,
      tpu.vector_store %arg16[%swap3A_277, %swap3A_278], %add3A_276 {strides = array<i32>} : memref<128x128xf32, #tpu.memory_space<vmem>>, vector<16xf32>,
      %get3A_280 = arith.index_cast %scan3A_254 : i32 to index
      %get3A_281 = arith.constant 32 : index
      %get3A_282 = tpu.vector_load %arg16[%get3A_280, %get3A_281] {strides = array<i32>} : memref<128x128xf32, #tpu.memory_space<vmem>>, vector<16xf32>,
      %mul3A_283 = arith.mulf %get3A_282, %gather3A : vector<16xf32>
      %get3A_284 = arith.index_cast %scan3A_254 : i32 to index
      %get3A_285 = arith.constant 32 : index
      %get3A_286 = tpu.vector_load %arg17[%get3A_284, %get3A_285] {strides = array<i32>} : memref<128x128xf32, #tpu.memory_space<vmem>>, vector<16xf32>,
      %add3A_287 = arith.addf %mul3A_283, %get3A_286 : vector<16xf32>
      %swap3A_288 = arith.index_cast %scan3A_254 : i32 to index
      %swap3A_289 = arith.constant 32 : index
      %swap3A_290 = tpu.vector_load %arg16[%swap3A_288, %swap3A_289] {strides = array<i32>} : memref<128x128xf32, #tpu.memory_space<vmem>>, vector<16xf32>,
      tpu.vector_store %arg16[%swap3A_288, %swap3A_289], %add3A_287 {strides = array<i32>} : memref<128x128xf32, #tpu.memory_space<vmem>>, vector<16xf32>,
      %get3A_291 = arith.index_cast %scan3A_254 : i32 to index
      %get3A_292 = arith.constant 48 : index
      %get3A_293 = tpu.vector_load %arg16[%get3A_291, %get3A_292] {strides = array<i32>} : memref<128x128xf32, #tpu.memory_space<vmem>>, vector<16xf32>,
      %mul3A_294 = arith.mulf %get3A_293, %gather3A : vector<16xf32>
      %get3A_295 = arith.index_cast %scan3A_254 : i32 to index
      %get3A_296 = arith.constant 48 : index
      %get3A_297 = tpu.vector_load %arg17[%get3A_295, %get3A_296] {strides = array<i32>} : memref<128x128xf32, #tpu.memory_space<vmem>>, vector<16xf32>,
      %add3A_298 = arith.addf %mul3A_294, %get3A_297 : vector<16xf32>
      %swap3A_299 = arith.index_cast %scan3A_254 : i32 to index
      %swap3A_300 = arith.constant 48 : index
      %swap3A_301 = tpu.vector_load %arg16[%swap3A_299, %swap3A_300] {strides = array<i32>} : memref<128x128xf32, #tpu.memory_space<vmem>>, vector<16xf32>,
      tpu.vector_store %arg16[%swap3A_299, %swap3A_300], %add3A_298 {strides = array<i32>} : memref<128x128xf32, #tpu.memory_space<vmem>>, vector<16xf32>,
      %get3A_302 = arith.index_cast %scan3A_254 : i32 to index
      %get3A_303 = arith.constant 64 : index
      %get3A_304 = tpu.vector_load %arg16[%get3A_302, %get3A_303] {strides = array<i32>} : memref<128x128xf32, #tpu.memory_space<vmem>>, vector<16xf32>,
      %mul3A_305 = arith.mulf %get3A_304, %gather3A : vector<16xf32>
      %get3A_306 = arith.index_cast %scan3A_254 : i32 to index
      %get3A_307 = arith.constant 64 : index
      %get3A_308 = tpu.vector_load %arg17[%get3A_306, %get3A_307] {strides = array<i32>} : memref<128x128xf32, #tpu.memory_space<vmem>>, vector<16xf32>,
      %add3A_309 = arith.addf %mul3A_305, %get3A_308 : vector<16xf32>
      %swap3A_310 = arith.index_cast %scan3A_254 : i32 to index
      %swap3A_311 = arith.constant 64 : index
      %swap3A_312 = tpu.vector_load %arg16[%swap3A_310, %swap3A_311] {strides = array<i32>} : memref<128x128xf32, #tpu.memory_space<vmem>>, vector<16xf32>,
      tpu.vector_store %arg16[%swap3A_310, %swap3A_311], %add3A_309 {strides = array<i32>} : memref<128x128xf32, #tpu.memory_space<vmem>>, vector<16xf32>,
      %get3A_313 = arith.index_cast %scan3A_254 : i32 to index
      %get3A_314 = arith.constant 80 : index
      %get3A_315 = tpu.vector_load %arg16[%get3A_313, %get3A_314] {strides = array<i32>} : memref<128x128xf32, #tpu.memory_space<vmem>>, vector<16xf32>,
      %mul3A_316 = arith.mulf %get3A_315, %gather3A : vector<16xf32>
      %get3A_317 = arith.index_cast %scan3A_254 : i32 to index
      %get3A_318 = arith.constant 80 : index
      %get3A_319 = tpu.vector_load %arg17[%get3A_317, %get3A_318] {strides = array<i32>} : memref<128x128xf32, #tpu.memory_space<vmem>>, vector<16xf32>,
      %add3A_320 = arith.addf %mul3A_316, %get3A_319 : vector<16xf32>
      %swap3A_321 = arith.index_cast %scan3A_254 : i32 to index
      %swap3A_322 = arith.constant 80 : index
      %swap3A_323 = tpu.vector_load %arg16[%swap3A_321, %swap3A_322] {strides = array<i32>} : memref<128x128xf32, #tpu.memory_space<vmem>>, vector<16xf32>,
      tpu.vector_store %arg16[%swap3A_321, %swap3A_322], %add3A_320 {strides = array<i32>} : memref<128x128xf32, #tpu.memory_space<vmem>>, vector<16xf32>,
      %get3A_324 = arith.index_cast %scan3A_254 : i32 to index
      %get3A_325 = arith.constant 96 : index
      %get3A_326 = tpu.vector_load %arg16[%get3A_324, %get3A_325] {strides = array<i32>} : memref<128x128xf32, #tpu.memory_space<vmem>>, vector<16xf32>,
      %mul3A_327 = arith.mulf %get3A_326, %gather3A : vector<16xf32>
      %get3A_328 = arith.index_cast %scan3A_254 : i32 to index
      %get3A_329 = arith.constant 96 : index
      %get3A_330 = tpu.vector_load %arg17[%get3A_328, %get3A_329] {strides = array<i32>} : memref<128x128xf32, #tpu.memory_space<vmem>>, vector<16xf32>,
      %add3A_331 = arith.addf %mul3A_327, %get3A_330 : vector<16xf32>
      %swap3A_332 = arith.index_cast %scan3A_254 : i32 to index
      %swap3A_333 = arith.constant 96 : index
      %swap3A_334 = tpu.vector_load %arg16[%swap3A_332, %swap3A_333] {strides = array<i32>} : memref<128x128xf32, #tpu.memory_space<vmem>>, vector<16xf32>,
      tpu.vector_store %arg16[%swap3A_332, %swap3A_333], %add3A_331 {strides = array<i32>} : memref<128x128xf32, #tpu.memory_space<vmem>>, vector<16xf32>,
      %get3A_335 = arith.index_cast %scan3A_254 : i32 to index
      %get3A_336 = arith.constant 112 : index
      %get3A_337 = tpu.vector_load %arg16[%get3A_335, %get3A_336] {strides = array<i32>} : memref<128x128xf32, #tpu.memory_space<vmem>>, vector<16xf32>,
      %mul3A_338 = arith.mulf %get3A_337, %gather3A : vector<16xf32>
      %get3A_339 = arith.index_cast %scan3A_254 : i32 to index
      %get3A_340 = arith.constant 112 : index
      %get3A_341 = tpu.vector_load %arg17[%get3A_339, %get3A_340] {strides = array<i32>} : memref<128x128xf32, #tpu.memory_space<vmem>>, vector<16xf32>,
      %add3A_342 = arith.addf %mul3A_338, %get3A_341 : vector<16xf32>
      %swap3A_343 = arith.index_cast %scan3A_254 : i32 to index
      %swap3A_344 = arith.constant 112 : index
      %swap3A_345 = tpu.vector_load %arg16[%swap3A_343, %swap3A_344] {strides = array<i32>} : memref<128x128xf32, #tpu.memory_space<vmem>>, vector<16xf32>,
      tpu.vector_store %arg16[%swap3A_343, %swap3A_344], %add3A_342 {strides = array<i32>} : memref<128x128xf32, #tpu.memory_space<vmem>>, vector<16xf32>,
    }
    %scan3A_214 = arith.constant 128 : i32
    %mul3A_215 = arith.constant 10240 : i32
    %mul3A_216 = arith.muli %arg0, %mul3A_215 : i32
    %add3A_217 = arith.addi %mul3A_216, %add3A_185 : i32
    "tpu.region"() ({
      %run_scoped3A_254 = tpu.sem_alloc : memref<!tpu.dma_semaphore, #tpu.memory_space<semaphore_mem>>
      %dma_start3A_255 = arith.constant 0 : i32
      %dma_start3A_256 = tpu.memref_slice %arg9[%add3A_217, %dma_start3A_255] : memref<20480x128xf32, #tpu.memory_space<hbm>> -> memref<128x128xf32, #tpu.memory_space<hbm>>
      %dma_start3A_257 = arith.constant 0 : i32
      %dma_start3A_258 = tpu.memref_slice %arg9[%add3A_217, %dma_start3A_257] : memref<20480x128xf32, #tpu.memory_space<hbm>> -> memref<128x128xf32, #tpu.memory_space<hbm>>
      tpu.enqueue_dma source(%arg16 : memref<128x128xf32, #tpu.memory_space<vmem>>) target(%dma_start3A_258 : memref<128x128xf32, #tpu.memory_space<hbm>>) target_semaphore(%run_scoped3A_254 : memref<!tpu.dma_semaphore, #tpu.memory_space<semaphore_mem>>)
      %dma_wait3A_259 = arith.constant 0 : i32
      %dma_wait3A_260 = tpu.memref_slice %arg9[%add3A_217, %dma_wait3A_259] : memref<20480x128xf32, #tpu.memory_space<hbm>> -> memref<128x128xf32, #tpu.memory_space<hbm>>
      %dma_wait3A_261 = arith.constant 0 : i32
      %dma_wait3A_262 = tpu.memref_slice %arg9[%add3A_217, %dma_wait3A_261] : memref<20480x128xf32, #tpu.memory_space<hbm>> -> memref<128x128xf32, #tpu.memory_space<hbm>>
      tpu.wait_dma2 semaphore(%run_scoped3A_254 : memref<!tpu.dma_semaphore, #tpu.memory_space<semaphore_mem>>) src(%arg16 : memref<128x128xf32, #tpu.memory_space<vmem>>) dst(%dma_wait3A_262 : memref<128x128xf32, #tpu.memory_space<hbm>>)
      tpu.yield
    }) : () -> ()
    %mul3A_218 = arith.constant 640 : i32
    %mul3A_219 = arith.muli %arg1, %mul3A_218 : i32
    %add3A_220 = arith.constant 512 : i32
    %add3A_221 = arith.addi %mul3A_219, %add3A_220 : i32
    %dma_start3A_222 = arith.constant 0 : i32
    %dma_start3A_223 = tpu.memref_slice %arg11[%add3A_221, %dma_start3A_222] : memref<10240x128xf32, #tpu.memory_space<vmem_shared>> -> memref<128x128xf32, #tpu.memory_space<vmem_shared>>
    %dma_start3A_224 = arith.constant 0 : i32
    %dma_start3A_225 = tpu.memref_slice %arg11[%add3A_221, %dma_start3A_224] : memref<10240x128xf32, #tpu.memory_space<vmem_shared>> -> memref<128x128xf32, #tpu.memory_space<vmem_shared>>
    tpu.enqueue_dma source(%dma_start3A_225 : memref<128x128xf32, #tpu.memory_space<vmem_shared>>) target(%arg16 : memref<128x128xf32, #tpu.memory_space<vmem>>) target_semaphore(%arg19 : memref<!tpu.dma_semaphore, #tpu.memory_space<semaphore_mem>>)
    %mul3A_226 = arith.constant 10240 : i32
    %mul3A_227 = arith.muli %arg0, %mul3A_226 : i32
    %add3A_228 = arith.addi %mul3A_227, %add3A_221 : i32
    %dma_start3A_229 = arith.constant 0 : i32
    %dma_start3A_230 = tpu.memref_slice %arg5[%add3A_228, %dma_start3A_229] : memref<20480x128xf32, #tpu.memory_space<hbm>> -> memref<128x128xf32, #tpu.memory_space<hbm>>
    %dma_start3A_231 = arith.constant 0 : i32
    %dma_start3A_232 = tpu.memref_slice %arg5[%add3A_228, %dma_start3A_231] : memref<20480x128xf32, #tpu.memory_space<hbm>> -> memref<128x128xf32, #tpu.memory_space<hbm>>
    tpu.enqueue_dma source(%dma_start3A_232 : memref<128x128xf32, #tpu.memory_space<hbm>>) target(%arg17 : memref<128x128xf32, #tpu.memory_space<vmem>>) target_semaphore(%arg20 : memref<!tpu.dma_semaphore, #tpu.memory_space<semaphore_mem>>)
    %dma_wait3A_233 = arith.constant 0 : i32
    %dma_wait3A_234 = arith.constant 0 : i32
    %dma_wait3A_235 = tpu.memref_slice %arg4[%dma_wait3A_233, %dma_wait3A_234] : memref<320000x128xf32, #tpu.memory_space<hbm>> -> memref<128x128xf32, #tpu.memory_space<hbm>>
    %dma_wait3A_236 = arith.constant 0 : i32
    %dma_wait3A_237 = arith.constant 0 : i32
    %dma_wait3A_238 = tpu.memref_slice %arg4[%dma_wait3A_236, %dma_wait3A_237] : memref<320000x128xf32, #tpu.memory_space<hbm>> -> memref<128x128xf32, #tpu.memory_space<hbm>>
    tpu.wait_dma2 semaphore(%arg19 : memref<!tpu.dma_semaphore, #tpu.memory_space<semaphore_mem>>) src(%dma_wait3A_238 : memref<128x128xf32, #tpu.memory_space<hbm>>) dst(%arg16 : memref<128x128xf32, #tpu.memory_space<vmem>>)
    %dma_wait3A_239 = arith.constant 0 : i32
    %dma_wait3A_240 = arith.constant 0 : i32
    %dma_wait3A_241 = tpu.memref_slice %arg4[%dma_wait3A_239, %dma_wait3A_240] : memref<320000x128xf32, #tpu.memory_space<hbm>> -> memref<128x128xf32, #tpu.memory_space<hbm>>
    %dma_wait3A_242 = arith.constant 0 : i32
    %dma_wait3A_243 = arith.constant 0 : i32
    %dma_wait3A_244 = tpu.memref_slice %arg4[%dma_wait3A_242, %dma_wait3A_243] : memref<320000x128xf32, #tpu.memory_space<hbm>> -> memref<128x128xf32, #tpu.memory_space<hbm>>
    tpu.wait_dma2 semaphore(%arg20 : memref<!tpu.dma_semaphore, #tpu.memory_space<semaphore_mem>>) src(%dma_wait3A_244 : memref<128x128xf32, #tpu.memory_space<hbm>>) dst(%arg17 : memref<128x128xf32, #tpu.memory_space<vmem>>)
    %scan3A_245 = arith.constant 0 : i32
    %scan3A_246 = arith.constant 0 : i32
    %scan3A_247 = arith.constant 128 : i32
    %scan3A_248 = arith.addi %scan3A_246, %scan3A_247 : i32
    %scan3A_249 = arith.constant 1 : i32
    scf.for %scan3A_254 = %scan3A_246 to %scan3A_248 step %scan3A_249  : i32 {
      %add3A_255 = arith.addi %add3A_221, %scan3A_254 : i32
      %shift_right_logical3A = arith.constant 4 : i32
      %shift_right_logical3A_256 = arith.shrui %add3A_255, %shift_right_logical3A : i32
      %broadcast_in_dim3A_257 = vector.broadcast %shift_right_logical3A_256 : i32 to vector<16xi32>
      %and3A = arith.constant 15 : i32
      %and3A_258 = arith.andi %add3A_255, %and3A : i32
      %broadcast_in_dim3A_259 = vector.broadcast %and3A_258 : i32 to vector<16xi32>
      %gather3A = tpu.vector_load_idx %arg12[%broadcast_in_dim3A_257, %broadcast_in_dim3A_259] : memref<640x16xf32, #tpu.memory_space<vmem>>[vector<16xi32>, vector<16xi32>], vector<16xf32>,
      %get3A = arith.index_cast %scan3A_254 : i32 to index
      %get3A_260 = arith.constant 0 : index
      %get3A_261 = tpu.vector_load %arg16[%get3A, %get3A_260] {strides = array<i32>} : memref<128x128xf32, #tpu.memory_space<vmem>>, vector<16xf32>,
      %mul3A_262 = arith.mulf %get3A_261, %gather3A : vector<16xf32>
      %get3A_263 = arith.index_cast %scan3A_254 : i32 to index
      %get3A_264 = arith.constant 0 : index
      %get3A_265 = tpu.vector_load %arg17[%get3A_263, %get3A_264] {strides = array<i32>} : memref<128x128xf32, #tpu.memory_space<vmem>>, vector<16xf32>,
      %add3A_266 = arith.addf %mul3A_262, %get3A_265 : vector<16xf32>
      %swap3A = arith.index_cast %scan3A_254 : i32 to index
      %swap3A_267 = arith.constant 0 : index
      %swap3A_268 = tpu.vector_load %arg16[%swap3A, %swap3A_267] {strides = array<i32>} : memref<128x128xf32, #tpu.memory_space<vmem>>, vector<16xf32>,
      tpu.vector_store %arg16[%swap3A, %swap3A_267], %add3A_266 {strides = array<i32>} : memref<128x128xf32, #tpu.memory_space<vmem>>, vector<16xf32>,
      %get3A_269 = arith.index_cast %scan3A_254 : i32 to index
      %get3A_270 = arith.constant 16 : index
      %get3A_271 = tpu.vector_load %arg16[%get3A_269, %get3A_270] {strides = array<i32>} : memref<128x128xf32, #tpu.memory_space<vmem>>, vector<16xf32>,
      %mul3A_272 = arith.mulf %get3A_271, %gather3A : vector<16xf32>
      %get3A_273 = arith.index_cast %scan3A_254 : i32 to index
      %get3A_274 = arith.constant 16 : index
      %get3A_275 = tpu.vector_load %arg17[%get3A_273, %get3A_274] {strides = array<i32>} : memref<128x128xf32, #tpu.memory_space<vmem>>, vector<16xf32>,
      %add3A_276 = arith.addf %mul3A_272, %get3A_275 : vector<16xf32>
      %swap3A_277 = arith.index_cast %scan3A_254 : i32 to index
      %swap3A_278 = arith.constant 16 : index
      %swap3A_279 = tpu.vector_load %arg16[%swap3A_277, %swap3A_278] {strides = array<i32>} : memref<128x128xf32, #tpu.memory_space<vmem>>, vector<16xf32>,
      tpu.vector_store %arg16[%swap3A_277, %swap3A_278], %add3A_276 {strides = array<i32>} : memref<128x128xf32, #tpu.memory_space<vmem>>, vector<16xf32>,
      %get3A_280 = arith.index_cast %scan3A_254 : i32 to index
      %get3A_281 = arith.constant 32 : index
      %get3A_282 = tpu.vector_load %arg16[%get3A_280, %get3A_281] {strides = array<i32>} : memref<128x128xf32, #tpu.memory_space<vmem>>, vector<16xf32>,
      %mul3A_283 = arith.mulf %get3A_282, %gather3A : vector<16xf32>
      %get3A_284 = arith.index_cast %scan3A_254 : i32 to index
      %get3A_285 = arith.constant 32 : index
      %get3A_286 = tpu.vector_load %arg17[%get3A_284, %get3A_285] {strides = array<i32>} : memref<128x128xf32, #tpu.memory_space<vmem>>, vector<16xf32>,
      %add3A_287 = arith.addf %mul3A_283, %get3A_286 : vector<16xf32>
      %swap3A_288 = arith.index_cast %scan3A_254 : i32 to index
      %swap3A_289 = arith.constant 32 : index
      %swap3A_290 = tpu.vector_load %arg16[%swap3A_288, %swap3A_289] {strides = array<i32>} : memref<128x128xf32, #tpu.memory_space<vmem>>, vector<16xf32>,
      tpu.vector_store %arg16[%swap3A_288, %swap3A_289], %add3A_287 {strides = array<i32>} : memref<128x128xf32, #tpu.memory_space<vmem>>, vector<16xf32>,
      %get3A_291 = arith.index_cast %scan3A_254 : i32 to index
      %get3A_292 = arith.constant 48 : index
      %get3A_293 = tpu.vector_load %arg16[%get3A_291, %get3A_292] {strides = array<i32>} : memref<128x128xf32, #tpu.memory_space<vmem>>, vector<16xf32>,
      %mul3A_294 = arith.mulf %get3A_293, %gather3A : vector<16xf32>
      %get3A_295 = arith.index_cast %scan3A_254 : i32 to index
      %get3A_296 = arith.constant 48 : index
      %get3A_297 = tpu.vector_load %arg17[%get3A_295, %get3A_296] {strides = array<i32>} : memref<128x128xf32, #tpu.memory_space<vmem>>, vector<16xf32>,
      %add3A_298 = arith.addf %mul3A_294, %get3A_297 : vector<16xf32>
      %swap3A_299 = arith.index_cast %scan3A_254 : i32 to index
      %swap3A_300 = arith.constant 48 : index
      %swap3A_301 = tpu.vector_load %arg16[%swap3A_299, %swap3A_300] {strides = array<i32>} : memref<128x128xf32, #tpu.memory_space<vmem>>, vector<16xf32>,
      tpu.vector_store %arg16[%swap3A_299, %swap3A_300], %add3A_298 {strides = array<i32>} : memref<128x128xf32, #tpu.memory_space<vmem>>, vector<16xf32>,
      %get3A_302 = arith.index_cast %scan3A_254 : i32 to index
      %get3A_303 = arith.constant 64 : index
      %get3A_304 = tpu.vector_load %arg16[%get3A_302, %get3A_303] {strides = array<i32>} : memref<128x128xf32, #tpu.memory_space<vmem>>, vector<16xf32>,
      %mul3A_305 = arith.mulf %get3A_304, %gather3A : vector<16xf32>
      %get3A_306 = arith.index_cast %scan3A_254 : i32 to index
      %get3A_307 = arith.constant 64 : index
      %get3A_308 = tpu.vector_load %arg17[%get3A_306, %get3A_307] {strides = array<i32>} : memref<128x128xf32, #tpu.memory_space<vmem>>, vector<16xf32>,
      %add3A_309 = arith.addf %mul3A_305, %get3A_308 : vector<16xf32>
      %swap3A_310 = arith.index_cast %scan3A_254 : i32 to index
      %swap3A_311 = arith.constant 64 : index
      %swap3A_312 = tpu.vector_load %arg16[%swap3A_310, %swap3A_311] {strides = array<i32>} : memref<128x128xf32, #tpu.memory_space<vmem>>, vector<16xf32>,
      tpu.vector_store %arg16[%swap3A_310, %swap3A_311], %add3A_309 {strides = array<i32>} : memref<128x128xf32, #tpu.memory_space<vmem>>, vector<16xf32>,
      %get3A_313 = arith.index_cast %scan3A_254 : i32 to index
      %get3A_314 = arith.constant 80 : index
      %get3A_315 = tpu.vector_load %arg16[%get3A_313, %get3A_314] {strides = array<i32>} : memref<128x128xf32, #tpu.memory_space<vmem>>, vector<16xf32>,
      %mul3A_316 = arith.mulf %get3A_315, %gather3A : vector<16xf32>
      %get3A_317 = arith.index_cast %scan3A_254 : i32 to index
      %get3A_318 = arith.constant 80 : index
      %get3A_319 = tpu.vector_load %arg17[%get3A_317, %get3A_318] {strides = array<i32>} : memref<128x128xf32, #tpu.memory_space<vmem>>, vector<16xf32>,
      %add3A_320 = arith.addf %mul3A_316, %get3A_319 : vector<16xf32>
      %swap3A_321 = arith.index_cast %scan3A_254 : i32 to index
      %swap3A_322 = arith.constant 80 : index
      %swap3A_323 = tpu.vector_load %arg16[%swap3A_321, %swap3A_322] {strides = array<i32>} : memref<128x128xf32, #tpu.memory_space<vmem>>, vector<16xf32>,
      tpu.vector_store %arg16[%swap3A_321, %swap3A_322], %add3A_320 {strides = array<i32>} : memref<128x128xf32, #tpu.memory_space<vmem>>, vector<16xf32>,
      %get3A_324 = arith.index_cast %scan3A_254 : i32 to index
      %get3A_325 = arith.constant 96 : index
      %get3A_326 = tpu.vector_load %arg16[%get3A_324, %get3A_325] {strides = array<i32>} : memref<128x128xf32, #tpu.memory_space<vmem>>, vector<16xf32>,
      %mul3A_327 = arith.mulf %get3A_326, %gather3A : vector<16xf32>
      %get3A_328 = arith.index_cast %scan3A_254 : i32 to index
      %get3A_329 = arith.constant 96 : index
      %get3A_330 = tpu.vector_load %arg17[%get3A_328, %get3A_329] {strides = array<i32>} : memref<128x128xf32, #tpu.memory_space<vmem>>, vector<16xf32>,
      %add3A_331 = arith.addf %mul3A_327, %get3A_330 : vector<16xf32>
      %swap3A_332 = arith.index_cast %scan3A_254 : i32 to index
      %swap3A_333 = arith.constant 96 : index
      %swap3A_334 = tpu.vector_load %arg16[%swap3A_332, %swap3A_333] {strides = array<i32>} : memref<128x128xf32, #tpu.memory_space<vmem>>, vector<16xf32>,
      tpu.vector_store %arg16[%swap3A_332, %swap3A_333], %add3A_331 {strides = array<i32>} : memref<128x128xf32, #tpu.memory_space<vmem>>, vector<16xf32>,
      %get3A_335 = arith.index_cast %scan3A_254 : i32 to index
      %get3A_336 = arith.constant 112 : index
      %get3A_337 = tpu.vector_load %arg16[%get3A_335, %get3A_336] {strides = array<i32>} : memref<128x128xf32, #tpu.memory_space<vmem>>, vector<16xf32>,
      %mul3A_338 = arith.mulf %get3A_337, %gather3A : vector<16xf32>
      %get3A_339 = arith.index_cast %scan3A_254 : i32 to index
      %get3A_340 = arith.constant 112 : index
      %get3A_341 = tpu.vector_load %arg17[%get3A_339, %get3A_340] {strides = array<i32>} : memref<128x128xf32, #tpu.memory_space<vmem>>, vector<16xf32>,
      %add3A_342 = arith.addf %mul3A_338, %get3A_341 : vector<16xf32>
      %swap3A_343 = arith.index_cast %scan3A_254 : i32 to index
      %swap3A_344 = arith.constant 112 : index
      %swap3A_345 = tpu.vector_load %arg16[%swap3A_343, %swap3A_344] {strides = array<i32>} : memref<128x128xf32, #tpu.memory_space<vmem>>, vector<16xf32>,
      tpu.vector_store %arg16[%swap3A_343, %swap3A_344], %add3A_342 {strides = array<i32>} : memref<128x128xf32, #tpu.memory_space<vmem>>, vector<16xf32>,
    }
    %scan3A_250 = arith.constant 128 : i32
    %mul3A_251 = arith.constant 10240 : i32
    %mul3A_252 = arith.muli %arg0, %mul3A_251 : i32
    %add3A_253 = arith.addi %mul3A_252, %add3A_221 : i32
    "tpu.region"() ({
      %run_scoped3A_254 = tpu.sem_alloc : memref<!tpu.dma_semaphore, #tpu.memory_space<semaphore_mem>>
      %dma_start3A_255 = arith.constant 0 : i32
      %dma_start3A_256 = tpu.memref_slice %arg9[%add3A_253, %dma_start3A_255] : memref<20480x128xf32, #tpu.memory_space<hbm>> -> memref<128x128xf32, #tpu.memory_space<hbm>>
      %dma_start3A_257 = arith.constant 0 : i32
      %dma_start3A_258 = tpu.memref_slice %arg9[%add3A_253, %dma_start3A_257] : memref<20480x128xf32, #tpu.memory_space<hbm>> -> memref<128x128xf32, #tpu.memory_space<hbm>>
      tpu.enqueue_dma source(%arg16 : memref<128x128xf32, #tpu.memory_space<vmem>>) target(%dma_start3A_258 : memref<128x128xf32, #tpu.memory_space<hbm>>) target_semaphore(%run_scoped3A_254 : memref<!tpu.dma_semaphore, #tpu.memory_space<semaphore_mem>>)
      %dma_wait3A_259 = arith.constant 0 : i32
      %dma_wait3A_260 = tpu.memref_slice %arg9[%add3A_253, %dma_wait3A_259] : memref<20480x128xf32, #tpu.memory_space<hbm>> -> memref<128x128xf32, #tpu.memory_space<hbm>>
      %dma_wait3A_261 = arith.constant 0 : i32
      %dma_wait3A_262 = tpu.memref_slice %arg9[%add3A_253, %dma_wait3A_261] : memref<20480x128xf32, #tpu.memory_space<hbm>> -> memref<128x128xf32, #tpu.memory_space<hbm>>
      tpu.wait_dma2 semaphore(%run_scoped3A_254 : memref<!tpu.dma_semaphore, #tpu.memory_space<semaphore_mem>>) src(%arg16 : memref<128x128xf32, #tpu.memory_space<vmem>>) dst(%dma_wait3A_262 : memref<128x128xf32, #tpu.memory_space<hbm>>)
      tpu.yield
    }) : () -> ()
    return
  }
}

module attributes {stable_mosaic.version = 14 : i64} {
  func.func @_lin_body(%arg0: i32, %arg1: i32, %arg2: memref<2048x128xf32, #tpu.memory_space<vmem>>, %arg3: memref<1x128x128xf32, #tpu.memory_space<vmem>>, %arg4: memref<1x1x128xf32, #tpu.memory_space<vmem>>, %arg5: memref<1x2048x128xf32, #tpu.memory_space<vmem>>) attributes {dimension_semantics = [#tpu.dimension_semantics<arbitrary>, #tpu.dimension_semantics<arbitrary>], iteration_bounds = array<i64: 2, 5>, scalar_prefetch = 0 : i64, scratch_operands = 0 : i64, tpu.core_type = #tpu.core_type<tc>, window_params = [{transform_indices = @transform_0, window_bounds = array<i64: 2048, 128>}, {transform_indices = @transform_1, window_bounds = array<i64: 1, 128, 128>}, {transform_indices = @transform_2, window_bounds = array<i64: 1, 1, 128>}, {transform_indices = @transform_3, window_bounds = array<i64: 1, 2048, 128>}]} {
    %get3A = arith.constant 0 : index
    %get3A_0 = arith.constant 0 : index
    %get3A_1 = vector.load %arg2[%get3A, %get3A_0] : memref<2048x128xf32, #tpu.memory_space<vmem>>, vector<2048x128xf32>
    %get3A_2 = arith.constant 0 : index
    %get3A_3 = arith.constant 0 : index
    %get3A_4 = arith.constant 0 : index
    %get3A_5 = vector.load %arg3[%get3A_2, %get3A_3, %get3A_4] : memref<1x128x128xf32, #tpu.memory_space<vmem>>, vector<1x128x128xf32>
    %get3A_6 = vector.shape_cast %get3A_5 : vector<1x128x128xf32> to vector<128x128xf32>
    %dot_general3A = arith.constant dense<0.000000e+00> : vector<2048x128xf32>
    %dot_general3A_7 = tpu.matmul %get3A_1, %get3A_6, %dot_general3A {dimension_numbers = #tpu.dot_dimension_numbers<[1], [1], [0], [0], [0, 0, 1, 0], [], []>, transpose_lhs_hint = false} : vector<2048x128xf32>, vector<128x128xf32>, vector<2048x128xf32> -> vector<2048x128xf32>
    %get3A_8 = arith.constant 0 : index
    %get3A_9 = arith.constant 0 : index
    %get3A_10 = arith.constant 0 : index
    %get3A_11 = vector.load %arg4[%get3A_8, %get3A_9, %get3A_10] : memref<1x1x128xf32, #tpu.memory_space<vmem>>, vector<1x1x128xf32>
    %get3A_12 = vector.shape_cast %get3A_11 : vector<1x1x128xf32> to vector<1x128xf32>
    %add3A = vector.broadcast %get3A_12 : vector<1x128xf32> to vector<2048x128xf32>
    %add3A_13 = arith.addf %dot_general3A_7, %add3A : vector<2048x128xf32>
    %swap3A = arith.constant 0 : index
    %swap3A_14 = arith.constant 0 : index
    %swap3A_15 = arith.constant 0 : index
    %swap3A_16 = vector.load %arg5[%swap3A, %swap3A_14, %swap3A_15] : memref<1x2048x128xf32, #tpu.memory_space<vmem>>, vector<1x2048x128xf32>
    %swap3A_17 = vector.shape_cast %swap3A_16 : vector<1x2048x128xf32> to vector<2048x128xf32>
    %swap3A_18 = vector.shape_cast %add3A_13 : vector<2048x128xf32> to vector<1x2048x128xf32>
    tpu.vector_store %arg5[%swap3A, %swap3A_14, %swap3A_15], %swap3A_18 {strides = array<i32>} : memref<1x2048x128xf32, #tpu.memory_space<vmem>>, vector<1x2048x128xf32>,
    return
  }
  func.func @transform_0(%arg0: i32, %arg1: i32) -> (i32, i32) {
    %c0_i32 = arith.constant 0 : i32
    %c0_i32_0 = arith.constant 0 : i32
    return %arg1, %c0_i32 : i32, i32
  }
  func.func @transform_1(%arg0: i32, %arg1: i32) -> (i32, i32, i32) {
    %c0_i32 = arith.constant 0 : i32
    %c0_i32_0 = arith.constant 0 : i32
    %c0_i32_1 = arith.constant 0 : i32
    return %arg0, %c0_i32, %c0_i32_0 : i32, i32, i32
  }
  func.func @transform_2(%arg0: i32, %arg1: i32) -> (i32, i32, i32) {
    %c0_i32 = arith.constant 0 : i32
    %c0_i32_0 = arith.constant 0 : i32
    %c0_i32_1 = arith.constant 0 : i32
    return %arg0, %c0_i32, %c0_i32_0 : i32, i32, i32
  }
  func.func @transform_3(%arg0: i32, %arg1: i32) -> (i32, i32, i32) {
    %c0_i32 = arith.constant 0 : i32
    %c0_i32_0 = arith.constant 0 : i32
    return %arg0, %arg1, %c0_i32 : i32, i32, i32
  }
}

</mosaic_0001>

<sc_bundles>
// kernel: kernel.4.cloned.1.call-start
scs
__scs_entry_jumppad:
0x0: {  	(pc) =	sbr.rel $0x88, $3  }
0x1: {  	(tag) =	ssettag $0x0;
	lr =	simm.s32 $0x1  }
0x2: {  	[smem:$0x3F9A] =	sst lr;
	_ =	strace $0xD0000000  }
0x3: {  	_ = 	snop  }
0x4: {  	_ = 	snop  }
0x5: {  	_ = 	snop  }
0x6: {  	_ = 	snop  }
0x7: {  	_ = 	snop  }
__scs_overlays_trampoline_lowered:
0x8: {  	[smem:$0x3FA9] =	sst s0  }
0x9: {  	[smem:$0x3FAA] =	sst s1  }
0xa: {  	[smem:$0x3FAB] =	sst s2  }
0xb: {  	[smem:$0x3FAC] =	sst s3  }
0xc: {  	[smem:$0x3FAD] =	sst s4  }
0xd: {  	[smem:$0x3FAE] =	sst s5  }
0xe: {  	[smem:$0x3FAF] =	sst s6  }
0xf: {  	[smem:$0x3FB0] =	sst s7  }
0x10: {  	[smem:$0x3FB1] =	sst s8  }
0x11: {  	[smem:$0x3FB2] =	sst s9;
	s0 =	simm.s32 @!p0 $0x0  }
0x12: {  	s1 =	sld [smem:$0x3F98];
	s0 =	simm.s32 @p0 $0x1  }
0x13: {  	[smem:$0x3FB3] =	sst s0;
	s0 =	simm.s32 @!p1 $0x0  }
0x14: {  	s2 =	sld [smem:$0x3F97];
	s0 =	simm.s32 @p1 $0x1  }
0x15: {  	[smem:$0x3FB4] =	sst s0;
	s0 =	simm.s32 @!p2 $0x0  }
0x16: {  	s3 =	sld [smem:$0x3FDB];
	s0 =	simm.s32 @p2 $0x1  }
0x17: {  	s4 =	simm.s32 $0x1BF5;
	[smem:$0x3FB6] =	sst s0  }
0x18: {  	s0 =	sld [smem:$0x3F99];
	_ =	swait.ge [sflag:s4], $0x0  }
0x19: {  	s7 =	sld [smem:$0x3F9A]  }
0x1a: {  	s8 =	sadd.s32 $0xFFFFE003, lr  }
0x1b: {  	s9 =	sadd.s32 $0xFFFFFEF7, lr;
	s5 =	simm.s32 $0xFFFFFFFF;
	p2 =	slt.u32 s8, $0xFFFFF086  }
0x1c: {  	p1 =	slt.u32 s9, $0xF7A;
	s5 =	simm.s32 @!p2 $0x0  }
0x1d: {  	s5 =	simm.s32 @p1 $0x1;
	p0 =	seq.s32 s7, s2  }
0x1e: {  	s7 =	smul.u32 @!p0 $0xF7A, s2;
	p2 =	seq.s32 @!p0 s5, $0x0  }
0x1f: {  	s9 =	smul.u32 $0xF7A, s1;
	s8 =	simm.s32 @!p0 $0x1BF5;
	p2 =	por !p2, p0  }
0x20: {  	[sflag:s8] =	ssyncset.s32 @!p0 $0xFFFFF086;
	s6 =	sadd.s32 @!p0 s3, s7;
	s7 =	simm.s32 @!p0 $0x108  }
0x21: {  	s3 =	sadd.s32 s3, s9;
	s6 =	sadd.s32 @!p0 $0x88, s6;
	s7 =	simm.s32 @p2 $0x1082  }
0x22: {  	[simem:s7], [sflag:s8] =	dma.local @!p0 [hbm:s6], $0xF7A  }
0x23: {  	s9 =	sor.u32 $0xD0000000, s2;
	s6 =	simm.s32 $0x108;
	_ =	swait.ge @!p0 [sflag:s8], $0x0  }
0x24: {  	s3 =	sadd.s32 $0x88, s3;
	s6 =	simm.s32 @!p1 $0x1082;
	[sflag:s4] =	ssyncset.s32 $0xFFFFF086  }
0x25: {  	[simem:s6], [sflag:s4] =	dma.local [hbm:s3], $0xF7A  }
0x26: {  	[smem:$0x3F9A] =	sst s1;
	(tag) =	ssettag s2;
	_ =	strace s9  }
0x27: {  	s1 =	sld [smem:$0x3FAA]  }
0x28: {  	s2 =	sld [smem:$0x3FAB]  }
0x29: {  	s4 =	sld [smem:$0x3FAD]  }
0x2a: {  	p0 =	seq.s32 s5, $0x0;
	s5 =	sld [smem:$0x3FAE]  }
0x2b: {  	s6 =	sld [smem:$0x3FAF]  }
0x2c: {  	s7 =	sld [smem:$0x3FB0]  }
0x2d: {  	s3 =	simm.s32 $0x108;
	s8 =	sld [smem:$0x3FB1]  }
0x2e: {  	s3 =	simm.s32 @!p0 $0x1082;
	s9 =	sld [smem:$0x3FB2]  }
0x2f: {  	lr =	sadd.s32 s0, s3;
	s0 =	sld [smem:$0x3FA9]  }
0x30: {  	s3 =	sld [smem:$0x3FAC]  }
0x31: {  	[smem:$0x3FB5] =	sst s10  }
0x32: {  	s10 =	sld [smem:$0x3FB3];
	_ =	sdelay $0x3  }
0x33: {  	p0 =	seq.s32 s10, $0x1;
	s10 =	sld [smem:$0x3FB5];
	_ =	sdelay $0x3  }
0x34: {  	[smem:$0x3FB5] =	sst s10  }
0x35: {  	s10 =	sld [smem:$0x3FB4];
	_ =	sdelay $0x3  }
0x36: {  	p1 =	seq.s32 s10, $0x1;
	s10 =	sld [smem:$0x3FB5];
	_ =	sdelay $0x3  }
0x37: {  	[smem:$0x3FB5] =	sst s10  }
0x38: {  	s10 =	sld [smem:$0x3FB6]  }
0x39: {  	_ = 	snop;
	(pc) =	sbr.ind lr, $3  }
0x3a: {  	_ = 	snop  }
0x3b: {  	_ = 	snop  }
0x3c: {  	p2 =	seq.s32 s10, $0x1;
	s10 =	sld [smem:$0x3FB5]  }
0x3d: {  	_ =	shalt  }
0x3e: {  	_ =	shalt  }
0x3f: {  	_ =	shalt  }
0x40: {  	_ =	shalt  }
0x41: {  	_ =	shalt  }
0x42: {  	_ =	shalt  }
0x43: {  	_ =	shalt  }
0x44: {  	_ =	shalt  }
0x45: {  	_ =	shalt  }
0x46: {  	_ =	shalt  }
0x47: {  	_ =	shalt  }
0x48: {  	_ =	shalt  }
0x49: {  	_ =	shalt  }
0x4a: {  	_ =	shalt  }
0x4b: {  	_ =	shalt  }
0x4c: {  	_ =	shalt  }
0x4d: {  	_ =	shalt  }
0x4e: {  	_ =	shalt  }
0x4f: {  	_ =	shalt  }
0x50: {  	_ =	shalt  }
0x51: {  	_ =	shalt  }
0x52: {  	_ =	shalt  }
0x53: {  	_ =	shalt  }
0x54: {  	_ =	shalt  }
0x55: {  	_ =	shalt  }
0x56: {  	_ =	shalt  }
0x57: {  	_ =	shalt  }
0x58: {  	_ =	shalt  }
0x59: {  	_ =	shalt  }
0x5a: {  	_ =	shalt  }
0x5b: {  	_ =	shalt  }
0x5c: {  	_ =	shalt  }
0x5d: {  	_ =	shalt  }
0x5e: {  	_ =	shalt  }
0x5f: {  	_ =	shalt  }
0x60: {  	_ =	shalt  }
0x61: {  	_ =	shalt  }
0x62: {  	_ =	shalt  }
0x63: {  	_ =	shalt  }
0x64: {  	_ =	shalt  }
0x65: {  	_ =	shalt  }
0x66: {  	_ =	shalt  }
0x67: {  	_ =	shalt  }
0x68: {  	_ =	shalt  }
0x69: {  	_ =	shalt  }
0x6a: {  	_ =	shalt  }
0x6b: {  	_ =	shalt  }
0x6c: {  	_ =	shalt  }
0x6d: {  	_ =	shalt  }
0x6e: {  	_ =	shalt  }
0x6f: {  	_ =	shalt  }
0x70: {  	_ =	shalt  }
0x71: {  	_ =	shalt  }
0x72: {  	_ =	shalt  }
0x73: {  	_ =	shalt  }
0x74: {  	_ =	shalt  }
0x75: {  	_ =	shalt  }
0x76: {  	_ =	shalt  }
0x77: {  	_ =	shalt  }
0x78: {  	_ =	shalt  }
0x79: {  	_ =	shalt  }
0x7a: {  	_ =	shalt  }
0x7b: {  	_ =	shalt  }
0x7c: {  	_ =	shalt  }
0x7d: {  	_ =	shalt  }
0x7e: {  	_ =	shalt  }
0x7f: {  	_ =	shalt  }
0x80: {  	_ =	shalt  }
0x81: {  	_ =	shalt  }
0x82: {  	_ =	shalt  }
0x83: {  	_ =	shalt  }
0x84: {  	_ =	shalt  }
0x85: {  	_ =	shalt  }
0x86: {  	_ =	shalt  }
0x87: {  	_ =	shalt  }
.Lfunc_end0:
.L_simem_size_0:
called_computation_lowered:
.L_overlay_start_0:
0x88: {  	s2 =	sld [smem:$0x3FD9]  }
0x89: {  	s3 =	sld [smem:$0x3FFE];
	_ =	sdelay $0x1  }
0x8a: {  	s1 =	srdreg.scid  }
0x8b: {  	s0 =	sand.u32 $0x1, s1  }
0x8c: {  	s14 =	sshll.u32 s0, $0xA;
	s2 =	sadd.s32 s3, s2  }
0x8d: {  	s2 =	sadd.s32 s2, s14  }
0x8e: {  	[smem:$0x3FC1] =	sst s2  }
0x8f: {  	_ = 	snop  }
0x90: {  	s2 =	sld [smem:$0x3FD0];
	_ =	sdelay $0x2  }
0x91: {  	s4 =	simm.s32 $0xA;
	s5 =	simm.s32 $0x10;
	s15 =	sld [smem:$0x3FC7]  }
0x92: {  	[smem:s5], [sflag:s4] =	dma.local [hbm:s2], $0x1  }
0x93: {  	_ =	swait.eq [sflag:s4], $0x1  }
0x94: {  	[sflag:s4] =	ssyncset.done $0x0  }
0x95: {  	s16 =	sld [smem:$0x10];
	[sflag:s4] =	ssyncadd.s32 $0xFFFFFFFF  }
0x96: {  	s17 =	sld [smem:$0x11];
	(tm) =	ssettm $0x1  }
0x97: {  	s18 =	sld [smem:$0x3FFB];
	_ =	sdelay $0x3  }
0x98: {  	_ =	strace s18  }
0x99: {  	s5 =	sld [smem:$0x3FFC];
	_ =	sdelay $0x3  }
0x9a: {  	_ =	strace s5  }
0x9b: {  	s5 =	sld [smem:$0x3FFD];
	_ =	sdelay $0x3  }
0x9c: {  	_ =	strace s5  }
0x9d: {  	_ =	strace $0x8FFFFFFF  }
0x9e: {  	s19 =	sld [smem:$0x3FDB];
	_ =	sdelay $0x1  }
0x9f: {  	s6 =	simm.s32 $_scs_section_size  }
0xa0: {  	s7 =	simm.s32 $_size__tile_overlayer_lowered;
	s8 =	simm.s32 $_tile_overlayer_lowered  }
0xa1: {  	s22 =	simm.s32 $0x1BFF;
	s21 =	sshll.u32 s8, $0x1;
	s5 =	sadd.s32 s6, s19  }
0xa2: {  	s9 =	simm.s32 $0x0;
	s20 =	sshll.u32 s7, $0x1;
	s7 =	sadd.s32 s21, s5  }
0xa3: {  	[timem:s9], [sflag:s22] =	dma.local [hbm:s7], s20  }
0xa4: {  	_ =	swait.ge [sflag:s22], s20  }
0xa5: {  	s6 =	ssub.s32 $0x0, s20;
	[sflag:s22] =	ssyncset.done $0x0  }
0xa6: {  	[sflag:s22] =	ssyncadd.s32 s6;
	_ =	sdelay $0x1  }
0xa7: {  	s23 =	simm.s32 $0x1B8B  }
0xa8: {  	_ =	swait.ge [sflag:s23], $0x1  }
0xa9: {  	[sflag:s23] =	ssyncset.done $0x0  }
0xaa: {  	s25 =	simm.s32 $0x1B8E;
	s24 =	sld [smem:$0x3FFE];
	[sflag:s23] =	ssyncadd.s32 $0xFFFFFFFF  }
0xab: {  	s26 =	simm.s32 $execute0_lowered;
	[smem:$0x3FD2] =	sst s25  }
0xac: {  	s7 =	sshll.u32 s26, $0x1;
	_ =	strace $0x80000046;
	[dreg:$0x1] =	wrdreg $0xFFFFFFFF  }
0xad: {  	s28 =	simm.s32 $_size_execute0_lowered;
	s5 =	sadd.s32 s5, s7;
	[dreg:$0x0] =	wrdreg $0x0  }
0xae: {  	s7 =	sshll.u32 s28, $0x1;
	[dreg:$0x2] =	wrdreg s5  }
0xaf: {  	[dreg:$0x3] =	wrdreg s7  }
0xb0: {  	[dreg:$0x4] =	wrdreg $0xC0  }
0xb1: {  	_ =	task [dreg:s9], $0x5FFFF  }
0xb2: {  	[dreg:$0x1] =	wrdreg $0xFFFFFFFF  }
0xb3: {  	[dreg:$0x0] =	wrdreg $0x60  }
0xb4: {  	[dreg:$0x2] =	wrdreg s16  }
0xb5: {  	[dreg:$0x3] =	wrdreg s24  }
0xb6: {  	[dreg:$0x4] =	wrdreg s15  }
0xb7: {  	[dreg:$0x5] =	wrdreg s17  }
0xb8: {  	[dreg:$0x6] =	wrdreg $0x0  }
0xb9: {  	[dreg:$0x7] =	wrdreg $0x2800  }
0xba: {  	[dreg:$0x8] =	wrdreg $0x9  }
0xbb: {  	_ =	task.clear_ibuf [dreg:s9], $0x9FFFF;
	_ =	strace $0x90000046  }
0xbc: {  	s29 =	simm.s32 $0x9;
	_ =	strace $0x80000048  }
0xbd: {  	_ =	swait.ge [sflag:s29], $0x1  }
0xbe: {  	[sflag:s29] =	ssyncadd.s32 $0xFFFFFFFF  }
0xbf: {  	_ =	strace $0x90000048  }
0xc0: {  	_ =	sfence  }
0xc1: {  	s30 =	sld [smem:$0x0];
	_ =	sdelay $0x2  }
0xc2: {  	s31 =	sshll.u32 s1, $0xD;
	s1 =	sshrl.u32 s1, $0x2  }
0xc3: {  	s3 =	sand.u32 $0x4000, s31;
	s1 =	sadd.s32 s1, s30  }
0xc4: {  	s0 =	sor.u32 s3, s0;
	s1 =	sshll.u32 s1, $0x11  }
0xc5: {  	s0 =	sor.u32 s1, s0  }
0xc6: {  	s0 =	sadd.s32 $0x8F2B, s0  }
0xc7: {  	[sflag:s0] =	ssyncadd.remote.s32 $0x1  }
0xc8: {  	_ =	sfence.sel $0xFFFF  }
0xc9: {  	[dreg:$0x0] =	wrdreg $0xFFFFFFFF;
	(pc) =	sbr.abs _section_cstart, $3  }
0xca: {  	[dreg:$0x1] =	wrdreg $0xFFFFFFFF  }
0xcb: {  	_ =	task.clear_ibuf [dreg:s9], $0x2FFFF;
	_ =	strace $0x9FFFFFFF  }
0xcc: {  	(tm) =	ssettm $0x7FFFFFFF  }
0xcd: {  	_ =	shalt  }
tec
execute0_lowered:
.L_overlay_start_1:
0x0: {  	(tag) =	ssettag $0x1  }
0x1: {  	s1 =	rddreg [dreg:$0x0]  }
0x2: {  	s0 =	rddreg [dreg:$0x1]  }
0x3: {  	s2 =	rddreg [dreg:$0x2]  }
0x4: {  	s13 =	rddreg [dreg:$0x4]  }
0x5: {  	s5 =	rddreg [dreg:$0x5];
	s16 =	simm.s32 $0x0;
	s15 =	srdreg.scid  }
0x6: {  	s7 =	stileid.u32;
	s28 =	simm.s32 $0x14280;
	s29 =	simm.s32 $0x4  }
0x7: {  	s30 =	simm.s32 $0x16D00;
	[smem:$0x7FF] =	sst s16;
	s8 =	sadd.s32 $0x1600, s0  }
0x8: {  	s9 =	sadd.s32 $0x3D000, s0;
	s3 =	sadd.s32 $0x8D000, s0;
	s17 =	smul.u32 $0xA00, s7  }
0x9: {  	s4 =	sadd.s32 $0x1400, s0;
	s0 =	sadd.s32 $0x8D600, s0;
	s10 =	smul.u32 $0x50000, s7  }
0xa: {  	_ =	strace $0x80000047;
	[dreg:$0x7] =	wrdreg s3;
	s3 =	sand.u32 $0x1, s15  }
0xb: {  	s12 =	smul.u32 $0x280, s7;
	[dreg:$0x8] =	wrdreg s4;
	s6 =	ssub.s32 $0x2, s3  }
0xc: {  	s4 =	sshrl.u32 s17, $0x2;
	s10 =	sshrl.u32 s10, $0x2;
	s20 =	smul.u32 $0x9F0, s3  }
0xd: {  	s14 =	sadd.s32 $0x80, s12;
	s15 =	sadd.s32 $0x100, s12;
	s3 =	smul.u32 $0x2800, s3  }
0xe: {  	s11 =	sshrl.u32 s6, $0x1;
	s4 =	sadd.s32 s4, s13;
	s17 =	sadd.s32 s10, s5  }
0xf: {  	s18 =	sshll.u32 s14, $0x7;
	s19 =	sshll.u32 s15, $0x7;
	s6 =	ssub.s32 s6, s11  }
0x10: {  	s21 =	sadd.s32 s18, s5;
	s22 =	sadd.s32 s19, s5;
	s18 =	sadd.s32 $0x180, s12  }
0x11: {  	s19 =	sadd.s32 $0x200, s12;
	s20 =	sor.u32 s7, s20;
	[dreg:$0x9] =	wrdreg s17  }
0x12: {  	s23 =	sshll.u32 s18, $0x7;
	s24 =	sshll.u32 s19, $0x7;
	[dreg:$0xa] =	wrdreg s21  }
0x13: {  	s13 =	smul.u32 $0x30, s20;
	[dreg:$0xb] =	wrdreg s22;
	s10 =	sadd.s32 s23, s5  }
0x14: {  	s26 =	sadd.s32 s12, s3;
	s25 =	sadd.s32 s24, s5;
	[dreg:$0xc] =	wrdreg s10  }
0x15: {  	[dreg:$0xd] =	wrdreg s25;
	s13 =	sadd.s32 s8, s13;
	s10 =	sshll.u32 s26, $0x4  }
0x16: {  	s23 =	sadd.s32 s3, s14;
	[dreg:$0xe] =	wrdreg s13;
	s24 =	sadd.s32 s9, s10  }
0x17: {  	s11 =	sshll.u32 s23, $0x4;
	s10 =	sadd.s32 s0, s10;
	[dreg:$0xf] =	wrdreg s24  }
0x18: {  	s25 =	sadd.s32 s3, s15;
	s23 =	sadd.s32 s9, s11;
	[dreg:$0x10] =	wrdreg s10  }
0x19: {  	s26 =	sshll.u32 s25, $0x4;
	s11 =	sadd.s32 s0, s11;
	[dreg:$0x11] =	wrdreg s23  }
0x1a: {  	s31 =	simm.s32 $0x80;
	[dreg:$0x12] =	wrdreg s11;
	s24 =	sadd.s32 s9, s26  }
0x1b: {  	p0 =	sne.s32 s7, $0xF;
	s10 =	sadd.s32 s0, s26;
	[dreg:$0x13] =	wrdreg s24  }
0x1c: {  	s25 =	sadd.s32 s3, s18;
	s23 =	smax.u32 s6, $0x1;
	[dreg:$0x14] =	wrdreg s10  }
0x1d: {  	s26 =	sshll.u32 s25, $0x4;
	s25 =	sadd.s32 $0x9C00, s1;
	[dreg:$0x19] =	wrdreg s23  }
0x1e: {  	s3 =	sadd.s32 s3, s19;
	s11 =	sadd.s32 s9, s26;
	[dreg:$0x1b] =	wrdreg s25  }
0x1f: {  	s3 =	sshll.u32 s3, $0x4;
	s10 =	sadd.s32 s0, s26;
	[dreg:$0x15] =	wrdreg s11  }
0x20: {  	s6 =	simm.s32 $0x0;
	s0 =	sadd.s32 s0, s3;
	[dreg:$0x16] =	wrdreg s10  }
0x21: {  	s13 =	sadd.s32 s9, s3;
	s24 =	sshrl.u32 s4, $0x3;
	[dreg:$0x17] =	wrdreg s0  }
0x22: {  	s26 =	smul.u32 $0x138, s7;
	s23 =	simm.s32 $0x1B880;
	[dreg:$0x18] =	wrdreg s13  }
0x23: {  	s25 =	simm.s32 $0x3;
	[dreg:$0x1a] =	wrdreg s24;
	s13 =	simm.s32 $0x16A80  }
0x24: {  	v1 =	vimm.f32 $1.000000000e+00;
	s0 =	simm.s32 $0x1;
	s11 =	simm.s32 $0x17880;
	s24 =	simm.s32 $0x2  }
.LBB2_1:
0x25: {  	s4 =	rddreg [dreg:$0x7]  }
0x26: {  	[tilespmem:s28], [sflag:$0x4] =	stream.linear.gather [hbm4b:s4+s16], $0x2800, $0x38;
	[tilespmem:$0x1F880] =	vst v63  }
0x27: {  	_ =	swait.ge [sflag:s29], $0x2800  }
0x28: {  	[sflag:s29] =	ssyncset.done $0x0  }
0x29: {  	s3 =	rddreg [dreg:$0x8];
	[sflag:s29] =	ssyncadd.s32 $0xFFFFD800  }
0x2a: {  	[tilespmem:s13], [sflag:$0x4] =	stream.linear.gather [hbm4b:s3+s16], $0x280, $0x38;
	[tilespmem:$0x1F880] =	vst v63  }
0x2b: {  	_ =	swait.ge [sflag:s29], $0x280  }
0x2c: {  	s10 =	sshll.u32 s7, $0x6;
	[sflag:s29] =	ssyncset.done $0x0  }
0x2d: {  	s3 =	sor.u32 $0x1C04, s10;
	s10 =	rddreg [dreg:$0x1a];
	[sflag:s29] =	ssyncadd.s32 $0xFFFFFD80  }
0x2e: {  	[spmem:s10], [sflag:s3] =	dma.local [hbm:s4], $0x50  }
0x2f: {  	_ =	swait.ge [sflag:s29], $0x50  }
0x30: {  	[sflag:s29] =	ssyncset.done $0x0  }
0x31: {  	[sflag:s29] =	ssyncadd.s32 $0xFFFFFFB0  }
0x32: {  	s17 =	sshrl.u32 s17, $0x3;
	s10 =	rddreg [dreg:$0x3]  }
0x33: {  	[spmem:s17], [sflag:s3] =	dma.local [hbm:s10], $0x800  }
0x34: {  	_ =	swait.ge [sflag:s29], $0x800  }
0x35: {  	[sflag:s29] =	ssyncset.done $0x0  }
0x36: {  	s21 =	sshrl.u32 s21, $0x3;
	[sflag:s29] =	ssyncadd.s32 $0xFFFFF800  }
0x37: {  	[spmem:s21], [sflag:s3] =	dma.local [hbm:s10], $0x800  }
0x38: {  	_ =	swait.ge [sflag:s29], $0x800  }
0x39: {  	[sflag:s29] =	ssyncset.done $0x0  }
0x3a: {  	s17 =	sshrl.u32 s22, $0x3;
	[sflag:s29] =	ssyncadd.s32 $0xFFFFF800  }
0x3b: {  	[spmem:s17], [sflag:s3] =	dma.local [hbm:s10], $0x800  }
0x3c: {  	_ =	swait.ge [sflag:s29], $0x800  }
0x3d: {  	[sflag:s29] =	ssyncset.done $0x0;
	s21 =	rddreg [dreg:$0xc]  }
0x3e: {  	[sflag:s29] =	ssyncadd.s32 $0xFFFFF800;
	s4 =	sshrl.u32 s21, $0x3  }
0x3f: {  	[spmem:s4], [sflag:s3] =	dma.local [hbm:s10], $0x800  }
0x40: {  	_ =	swait.ge [sflag:s29], $0x800  }
0x41: {  	[sflag:s29] =	ssyncset.done $0x0;
	s22 =	rddreg [dreg:$0xd]  }
0x42: {  	[sflag:s29] =	ssyncadd.s32 $0xFFFFF800;
	s4 =	sshrl.u32 s22, $0x3  }
0x43: {  	[spmem:s4], [sflag:s3] =	dma.local [hbm:s10], $0x800  }
0x44: {  	_ =	swait.ge [sflag:s29], $0x800  }
0x45: {  	[sflag:s29] =	ssyncset.done $0x0  }
0x46: {  	[sflag:s29] =	ssyncadd.s32 $0xFFFFF800  }
0x47: {  	s3 =	simm.s32 $0x0;
	[bflag:$0x0] =	sbarrier.arrive $0xFFFF  }
.LBB2_2:
0x48: {  	s4 =	smul.u32 $0x1A, s3;
	_ =	sdelay $0x1  }
0x49: {  	s4 =	sadd.s32 s26, s4  }
0x4a: {  	s4 =	sshll.u32 s4, $0x3  }
0x4b: {  	s10 =	sadd.s32 s1, s4;
	s4 =	simm.s32 $0x0  }
0x4c: {  	[tilespmem:s30], [sflag:$0x4] =	stream.linear.gather [hbm4b:s10+s4], $0x680, $0x38;
	[tilespmem:$0x1F880] =	vst v63  }
0x4d: {  	_ =	swait.ge [sflag:s29], $0x680  }
0x4e: {  	[sflag:s29] =	ssyncset.done $0x0  }
0x4f: {  	[sflag:s29] =	ssyncadd.s32 $0xFFFFF980  }
.LBB2_3:
0x50: {  	s10 =	sshra.s32 s4, $0x2  }
0x51: {  	v0 =	vld [tilespmem:s10+$0x16D00];
	_ =	sdelay $0x7  }
0x52: {  	[tilespmem:v0+s28+$0x0] =	vst.idx.add.f32.msk $0xffff, v1  }
0x53: {  	v0 =	vld [tilespmem:s10+$0x16D10];
	_ =	sdelay $0x7  }
0x54: {  	[tilespmem:v0+s28+$0x0] =	vst.idx.add.f32.msk $0xffff, v1  }
0x55: {  	v0 =	vld [tilespmem:s10+$0x16D20];
	_ =	sdelay $0x7  }
0x56: {  	[tilespmem:v0+s28+$0x0] =	vst.idx.add.f32.msk $0xffff, v1  }
0x57: {  	v0 =	vld [tilespmem:s10+$0x16D30];
	_ =	sdelay $0x2  }
0x58: {  	p1 =	sne.s32 s4, $0x1900  }
.Ltmp0:
0x59: {  	_ = 	snop;
	(pc) =	sbr.rel @p1 .LBB2_3-.Ltmp0, $2  }
0x5a: {  	_ =	sdelay $0x2  }
0x5b: {  	s4 =	sadd.s32 $0x100, s4;
	[tilespmem:v0+s28+$0x0] =	vst.idx.add.f32.msk $0xffff, v1  }
0x5c: {  	s3 =	sadd.s32 $0x1, s3  }
0x5d: {  	p1 =	sne.s32 s3, $0xC  }
.Ltmp1:
0x5e: {  	_ = 	snop;
	(pc) =	sbr.rel @p1 .LBB2_2-.Ltmp1, $1  }
0x5f: {  	_ =	sdelay $0x3  }
.Ltmp2:
0x60: {  	(pc) =	sbr.rel @p0 .LBB2_7-.Ltmp2, $1  }
0x61: {  	_ =	sdelay $0x3  }
0x62: {  	s3 =	rddreg [dreg:$0x1b]  }
0x63: {  	[tilespmem:s30], [sflag:$0x4] =	stream.linear.gather [hbm4b:s3+s16], $0x200, $0x38;
	[tilespmem:$0x1F880] =	vst v63  }
0x64: {  	_ =	swait.ge [sflag:s29], $0x200  }
0x65: {  	[sflag:s29] =	ssyncset.done $0x0  }
0x66: {  	[sflag:s29] =	ssyncadd.s32 $0xFFFFFE00  }
0x67: {  	v0 =	vld [tilespmem:$0x16D00];
	_ =	sdelay $0x7  }
0x68: {  	[tilespmem:v0+s28+$0x0] =	vst.idx.add.f32.msk $0xffff, v1  }
0x69: {  	v0 =	vld [tilespmem:$0x16D10];
	_ =	sdelay $0x7  }
0x6a: {  	[tilespmem:v0+s28+$0x0] =	vst.idx.add.f32.msk $0xffff, v1  }
0x6b: {  	v0 =	vld [tilespmem:$0x16D20];
	_ =	sdelay $0x7  }
0x6c: {  	[tilespmem:v0+s28+$0x0] =	vst.idx.add.f32.msk $0xffff, v1  }
0x6d: {  	v0 =	vld [tilespmem:$0x16D30];
	_ =	sdelay $0x7  }
0x6e: {  	[tilespmem:v0+s28+$0x0] =	vst.idx.add.f32.msk $0xffff, v1  }
0x6f: {  	v0 =	vld [tilespmem:$0x16D40];
	_ =	sdelay $0x7  }
0x70: {  	[tilespmem:v0+s28+$0x0] =	vst.idx.add.f32.msk $0xffff, v1  }
0x71: {  	v0 =	vld [tilespmem:$0x16D50];
	_ =	sdelay $0x7  }
0x72: {  	[tilespmem:v0+s28+$0x0] =	vst.idx.add.f32.msk $0xffff, v1  }
0x73: {  	v0 =	vld [tilespmem:$0x16D60];
	_ =	sdelay $0x7  }
0x74: {  	[tilespmem:v0+s28+$0x0] =	vst.idx.add.f32.msk $0xffff, v1  }
0x75: {  	v0 =	vld [tilespmem:$0x16D70];
	_ =	sdelay $0x7  }
0x76: {  	[tilespmem:v0+s28+$0x0] =	vst.idx.add.f32.msk $0xffff, v1  }
0x77: {  	v0 =	vld [tilespmem:$0x16D80];
	_ =	sdelay $0x7  }
0x78: {  	[tilespmem:v0+s28+$0x0] =	vst.idx.add.f32.msk $0xffff, v1  }
0x79: {  	v0 =	vld [tilespmem:$0x16D90];
	_ =	sdelay $0x7  }
0x7a: {  	[tilespmem:v0+s28+$0x0] =	vst.idx.add.f32.msk $0xffff, v1  }
0x7b: {  	v0 =	vld [tilespmem:$0x16DA0];
	_ =	sdelay $0x7  }
0x7c: {  	[tilespmem:v0+s28+$0x0] =	vst.idx.add.f32.msk $0xffff, v1  }
0x7d: {  	v0 =	vld [tilespmem:$0x16DB0];
	_ =	sdelay $0x7  }
0x7e: {  	[tilespmem:v0+s28+$0x0] =	vst.idx.add.f32.msk $0xffff, v1  }
0x7f: {  	v0 =	vld [tilespmem:$0x16DC0];
	_ =	sdelay $0x7  }
0x80: {  	[tilespmem:v0+s28+$0x0] =	vst.idx.add.f32.msk $0xffff, v1  }
0x81: {  	v0 =	vld [tilespmem:$0x16DD0];
	_ =	sdelay $0x7  }
0x82: {  	[tilespmem:v0+s28+$0x0] =	vst.idx.add.f32.msk $0xffff, v1  }
0x83: {  	v0 =	vld [tilespmem:$0x16DE0];
	_ =	sdelay $0x7  }
0x84: {  	[tilespmem:v0+s28+$0x0] =	vst.idx.add.f32.msk $0xffff, v1  }
0x85: {  	v0 =	vld [tilespmem:$0x16DF0];
	_ =	sdelay $0x7  }
0x86: {  	[tilespmem:v0+s28+$0x0] =	vst.idx.add.f32.msk $0xffff, v1  }
0x87: {  	v0 =	vld [tilespmem:$0x16E00];
	_ =	sdelay $0x7  }
0x88: {  	[tilespmem:v0+s28+$0x0] =	vst.idx.add.f32.msk $0xffff, v1  }
0x89: {  	v0 =	vld [tilespmem:$0x16E10];
	_ =	sdelay $0x7  }
0x8a: {  	[tilespmem:v0+s28+$0x0] =	vst.idx.add.f32.msk $0xffff, v1  }
0x8b: {  	v0 =	vld [tilespmem:$0x16E20];
	_ =	sdelay $0x7  }
0x8c: {  	[tilespmem:v0+s28+$0x0] =	vst.idx.add.f32.msk $0xffff, v1  }
0x8d: {  	v0 =	vld [tilespmem:$0x16E30];
	_ =	sdelay $0x7  }
0x8e: {  	[tilespmem:v0+s28+$0x0] =	vst.idx.add.f32.msk $0xffff, v1  }
0x8f: {  	v0 =	vld [tilespmem:$0x16E40];
	_ =	sdelay $0x7  }
0x90: {  	[tilespmem:v0+s28+$0x0] =	vst.idx.add.f32.msk $0xffff, v1  }
0x91: {  	v0 =	vld [tilespmem:$0x16E50];
	_ =	sdelay $0x7  }
0x92: {  	[tilespmem:v0+s28+$0x0] =	vst.idx.add.f32.msk $0xffff, v1  }
0x93: {  	v0 =	vld [tilespmem:$0x16E60];
	_ =	sdelay $0x7  }
0x94: {  	[tilespmem:v0+s28+$0x0] =	vst.idx.add.f32.msk $0xffff, v1  }
0x95: {  	v0 =	vld [tilespmem:$0x16E70];
	_ =	sdelay $0x7  }
0x96: {  	[tilespmem:v0+s28+$0x0] =	vst.idx.add.f32.msk $0xffff, v1  }
0x97: {  	v0 =	vld [tilespmem:$0x16E80];
	_ =	sdelay $0x7  }
0x98: {  	[tilespmem:v0+s28+$0x0] =	vst.idx.add.f32.msk $0xffff, v1  }
0x99: {  	v0 =	vld [tilespmem:$0x16E90];
	_ =	sdelay $0x7  }
0x9a: {  	[tilespmem:v0+s28+$0x0] =	vst.idx.add.f32.msk $0xffff, v1  }
0x9b: {  	v0 =	vld [tilespmem:$0x16EA0];
	_ =	sdelay $0x7  }
0x9c: {  	[tilespmem:v0+s28+$0x0] =	vst.idx.add.f32.msk $0xffff, v1  }
0x9d: {  	v0 =	vld [tilespmem:$0x16EB0];
	_ =	sdelay $0x7  }
0x9e: {  	[tilespmem:v0+s28+$0x0] =	vst.idx.add.f32.msk $0xffff, v1  }
0x9f: {  	v0 =	vld [tilespmem:$0x16EC0];
	_ =	sdelay $0x7  }
0xa0: {  	[tilespmem:v0+s28+$0x0] =	vst.idx.add.f32.msk $0xffff, v1  }
0xa1: {  	v0 =	vld [tilespmem:$0x16ED0];
	_ =	sdelay $0x7  }
0xa2: {  	[tilespmem:v0+s28+$0x0] =	vst.idx.add.f32.msk $0xffff, v1  }
0xa3: {  	v0 =	vld [tilespmem:$0x16EE0];
	_ =	sdelay $0x7  }
0xa4: {  	[tilespmem:v0+s28+$0x0] =	vst.idx.add.f32.msk $0xffff, v1  }
0xa5: {  	v0 =	vld [tilespmem:$0x16EF0];
	_ =	sdelay $0x7  }
0xa6: {  	[tilespmem:v0+s28+$0x0] =	vst.idx.add.f32.msk $0xffff, v1  }
.LBB2_7:
0xa7: {  	s3 =	rddreg [dreg:$0x4]  }
0xa8: {  	[spmem:s3] =	stream.indirect.scatter.add.f32 [tilespmem:s28], [sflag:$0x4], $0x10, s13, s31, $0xb8;
	[tilespmem:$0x1F880] =	vst v63  }
0xa9: {  	_ =	swait.ge [sflag:s29], $0x800  }
0xaa: {  	[sflag:s29] =	ssyncset.done $0x0  }
0xab: {  	s4 =	simm.s32 $0x16B00;
	s10 =	simm.s32 $0x14A80;
	[sflag:s29] =	ssyncadd.s32 $0xFFFFF800  }
0xac: {  	[spmem:s3] =	stream.indirect.scatter.add.f32 [tilespmem:s10], [sflag:$0x4], $0x10, s4, s31, $0xb8;
	[tilespmem:$0x1F880] =	vst v63  }
0xad: {  	_ =	swait.ge [sflag:s29], $0x800  }
0xae: {  	[sflag:s29] =	ssyncset.done $0x0  }
0xaf: {  	s13 =	simm.s32 $0x15280;
	s10 =	simm.s32 $0x16B80;
	[sflag:s29] =	ssyncadd.s32 $0xFFFFF800  }
0xb0: {  	[spmem:s3] =	stream.indirect.scatter.add.f32 [tilespmem:s13], [sflag:$0x4], $0x10, s10, s31, $0xb8;
	[tilespmem:$0x1F880] =	vst v63  }
0xb1: {  	_ =	swait.ge [sflag:s29], $0x800  }
0xb2: {  	[sflag:s29] =	ssyncset.done $0x0  }
0xb3: {  	s16 =	simm.s32 $0x16C00;
	s17 =	simm.s32 $0x15A80;
	[sflag:s29] =	ssyncadd.s32 $0xFFFFF800  }
0xb4: {  	[spmem:s3] =	stream.indirect.scatter.add.f32 [tilespmem:s17], [sflag:$0x4], $0x10, s16, s31, $0xb8;
	[tilespmem:$0x1F880] =	vst v63  }
0xb5: {  	_ =	swait.ge [sflag:s29], $0x800  }
0xb6: {  	[sflag:s29] =	ssyncset.done $0x0  }
0xb7: {  	s21 =	simm.s32 $0x16C80;
	s22 =	simm.s32 $0x16280;
	[sflag:s29] =	ssyncadd.s32 $0xFFFFF800  }
0xb8: {  	[spmem:s3] =	stream.indirect.scatter.add.f32 [tilespmem:s22], [sflag:$0x4], $0x10, s21, s31, $0xb8;
	[tilespmem:$0x1F880] =	vst v63  }
0xb9: {  	_ =	swait.ge [sflag:s29], $0x800  }
0xba: {  	[sflag:s29] =	ssyncset.done $0x0  }
0xbb: {  	[sflag:s29] =	ssyncadd.s32 $0xFFFFF800  }
0xbc: {  	[bflag:$0x0] =	sbarrier.arrive $0xFFFF  }
0xbd: {  	[tilespmem:s28], [sflag:$0x4] =	stream.linear.gather [spmem:s3], $0x2800, $0x38;
	[tilespmem:$0x1F880] =	vst v63  }
0xbe: {  	_ =	swait.ge [sflag:s29], $0x2800  }
0xbf: {  	[sflag:s29] =	ssyncset.done $0x0  }
0xc0: {  	s4 =	simm.s32 $0x40;
	s3 =	simm.s32 $0x0;
	[sflag:s29] =	ssyncadd.s32 $0xFFFFD800  }
.LBB2_8:
0xc1: {  	p1 =	sne.s32 s4, $0x9FC0;
	v0 =	vld [tilespmem:s3+$0x14280];
	_ =	sdelay $0x4  }
0xc2: {  	v1 =	vshrl.u32 v0, $0x1;
	v2 =	vmul.f32 $5.000000000e-01, v0  }
0xc3: {  	v1 =	vsub.s32 $0x5F3759DF, v1  }
0xc4: {  	v3 =	vmul.f32 v1, v2;
	_ =	sdelay $0x1  }
0xc5: {  	v3 =	vmul.f32 v1, v3;
	_ =	sdelay $0x1  }
0xc6: {  	v3 =	vsub.f32 $1.500000000e+00, v3;
	_ =	sdelay $0x1  }
0xc7: {  	v1 =	vmul.f32 v1, v3;
	_ =	sdelay $0x1  }
0xc8: {  	v3 =	vmul.f32 v1, v2;
	_ =	sdelay $0x1  }
0xc9: {  	v3 =	vmul.f32 v3, v1;
	_ =	sdelay $0x1  }
0xca: {  	v3 =	vsub.f32 $1.500000000e+00, v3;
	_ =	sdelay $0x1  }
0xcb: {  	v1 =	vmul.f32 v3, v1;
	_ =	sdelay $0x1  }
0xcc: {  	v2 =	vmul.f32 v1, v2;
	_ =	sdelay $0x1  }
0xcd: {  	v2 =	vmul.f32 v2, v1;
	_ =	sdelay $0x1  }
0xce: {  	v2 =	vsub.f32 $1.500000000e+00, v2  }
.Ltmp3:
0xcf: {  	(pc) =	sbr.rel @p1 .LBB2_8-.Ltmp3, $4  }
0xd0: {  	v1 =	vmul.f32 v2, v1  }
0xd1: {  	vm0 =	vgt.f32 v0, $5.000000000e-01  }
0xd2: {  	v0 =	vnsel vm0, $0x0, v1  }
0xd3: {  	[tilespmem:s3+$0x14280] =	vst v0;
	s3 =	sshra.s32 s4, $0x2;
	s4 =	sadd.s32 $0x40, s4  }
0xd4: {  	v0 =	vld [tilespmem:s3+$0x14280];
	_ =	sdelay $0x4  }
0xd5: {  	v1 =	vshrl.u32 v0, $0x1;
	v2 =	vmul.f32 $5.000000000e-01, v0  }
0xd6: {  	v1 =	vsub.s32 $0x5F3759DF, v1  }
0xd7: {  	v3 =	vmul.f32 v1, v2;
	_ =	sdelay $0x1  }
0xd8: {  	v3 =	vmul.f32 v1, v3;
	_ =	sdelay $0x1  }
0xd9: {  	v3 =	vsub.f32 $1.500000000e+00, v3;
	_ =	sdelay $0x1  }
0xda: {  	v1 =	vmul.f32 v1, v3;
	_ =	sdelay $0x1  }
0xdb: {  	v3 =	vmul.f32 v1, v2;
	_ =	sdelay $0x1  }
0xdc: {  	v3 =	vmul.f32 v3, v1;
	_ =	sdelay $0x1  }
0xdd: {  	v3 =	vsub.f32 $1.500000000e+00, v3;
	_ =	sdelay $0x1  }
0xde: {  	v1 =	vmul.f32 v3, v1;
	_ =	sdelay $0x1  }
0xdf: {  	v2 =	vmul.f32 v1, v2;
	_ =	sdelay $0x1  }
0xe0: {  	v2 =	vmul.f32 v2, v1;
	_ =	sdelay $0x1  }
0xe1: {  	v2 =	vsub.f32 $1.500000000e+00, v2;
	_ =	sdelay $0x1  }
0xe2: {  	v1 =	vmul.f32 v2, v1  }
0xe3: {  	vm0 =	vgt.f32 v0, $5.000000000e-01  }
0xe4: {  	s10 =	simm.s32 $0x0;
	s22 =	rddreg [dreg:$0xe];
	v0 =	vnsel vm0, $0x0, v1  }
0xe5: {  	s4 =	simm.s32 $0x17380;
	s13 =	simm.s32 $0x17480;
	s16 =	simm.s32 $0x0;
	[tilespmem:s3+$0x14280] =	vst v0  }
0xe6: {  	[tilespmem:s4], [sflag:$0x1] =	stream.linear.gather [hbm4b:s22+s10], $0x180, $0x38;
	[tilespmem:$0x1F880] =	vst v63  }
.LBB2_10:
0xe7: {  	s3 =	smov.u32 s16;
	s16 =	sadd.s32 $0x1, s16  }
0xe8: {  	s4 =	sand.u32 $0xFF, s16  }
0xe9: {  	s4 =	smul.u32 $0xAB, s4;
	_ =	sdelay $0x1  }
0xea: {  	s17 =	smul.u32 $0xAB, s3;
	s4 =	sshrl.u32 s4, $0x9  }
0xeb: {  	s4 =	smul.u32 $0x3, s4  }
0xec: {  	s17 =	sshrl.u32 s17, $0x9  }
0xed: {  	s17 =	sand.u32 $0x7F, s17;
	s4 =	ssub.s32 s16, s4  }
0xee: {  	s21 =	sshll.u32 s16, $0x4;
	s17 =	smul.u32 $0x3, s17;
	s4 =	sand.u32 $0xFF, s4  }
0xef: {  	_ =	swait.ge [sflag:s0], $0x180;
	s21 =	sadd.s32 s20, s21;
	s4 =	smul.u32 $0x600, s4  }
0xf0: {  	[sflag:s0] =	ssyncset.done $0x0;
	s21 =	smul.u32 $0x30, s21;
	s17 =	ssub.s32 s3, s17  }
0xf1: {  	[sflag:s0] =	ssyncadd.s32 $0xFFFFFE80;
	s17 =	sand.u32 $0xFF, s17;
	s4 =	sshrl.u32 s4, $0x2  }
0xf2: {  	s21 =	sadd.s32 s8, s21;
	s17 =	smul.u32 $0x600, s17;
	s4 =	sadd.s32 $0x17380, s4  }
0xf3: {  	[tilespmem:s4], [sflag:$0x1] =	stream.linear.gather [hbm4b:s21+s10], $0x180, $0x38;
	[tilespmem:$0x1F880] =	vst v63  }
0xf4: {  	s21 =	sshrl.u32 s17, $0x2  }
0xf5: {  	s22 =	sshll.u32 s3, $0x4;
	s17 =	sadd.s32 $0x17400, s21  }
0xf6: {  	[tilespmem:s11], [sflag:$0x2] =	stream.indirect.gather [hbm4b:s9+s31], $0x80, s17, s31, $0xb8;
	[tilespmem:$0x1F880] =	vst v63  }
0xf7: {  	s17 =	sor.u32 s7, s22  }
0xf8: {  	s17 =	smin.u32 s17, $0x9C3  }
0xf9: {  	s17 =	sshll.u32 s17, $0xB  }
0xfa: {  	s17 =	sadd.s32 s2, s17  }
0xfb: {  	[tilespmem:s23], [sflag:$0x3] =	stream.linear.gather [hbm4b:s17+s10], $0x4000, $0x38;
	[tilespmem:$0x1F880] =	vst v63  }
0xfc: {  	_ =	swait.ge [sflag:s24], $0x4000  }
0xfd: {  	[sflag:s24] =	ssyncset.done $0x0  }
0xfe: {  	[sflag:s24] =	ssyncadd.s32 $0xFFFFC000  }
0xff: {  	_ =	swait.ge [sflag:s25], $0x4000  }
0x100: {  	[sflag:s25] =	ssyncset.done $0x0  }
0x101: {  	s17 =	simm.s32 $0x0;
	[sflag:s25] =	ssyncadd.s32 $0xFFFFC000  }
0x102: {  	v0 =	vld [tilespmem:s17+$0x179E0];
	_ =	sdelay $0x4  }
0x103: {  	[tilespmem:$0x1FE90] =	vst v0;
	v0 =	vld [tilespmem:s17+$0x17A00];
	_ =	sdelay $0x4  }
0x104: {  	[tilespmem:$0x1FEA0] =	vst v0;
	v0 =	vld [tilespmem:s17+$0x17A20];
	_ =	sdelay $0x4  }
0x105: {  	[tilespmem:$0x1FEB0] =	vst v0;
	v0 =	vld [tilespmem:s17+$0x17A40];
	_ =	sdelay $0x4  }
0x106: {  	[tilespmem:$0x1FEC0] =	vst v0;
	v0 =	vld [tilespmem:s17+$0x17A60];
	_ =	sdelay $0x4  }
0x107: {  	[tilespmem:$0x1FED0] =	vst v0;
	v0 =	vld [tilespmem:s17+$0x17A80];
	_ =	sdelay $0x4  }
0x108: {  	[tilespmem:$0x1FEE0] =	vst v0;
	v0 =	vld [tilespmem:s17+$0x17A90];
	_ =	sdelay $0x1  }
0x109: {  	v31 =	vld [tilespmem:s17+$0x17880]  }
0x10a: {  	v35 =	vld [tilespmem:s17+$0x17890]  }
0x10b: {  	v34 =	vld [tilespmem:s17+$0x178A0]  }
0x10c: {  	[tilespmem:$0x1FEF0] =	vst v0;
	v0 =	vld [tilespmem:s17+$0x17AA0]  }
0x10d: {  	v36 =	vld [tilespmem:s17+$0x178B0]  }
0x10e: {  	v32 =	vld [tilespmem:s17+$0x178C0]  }
0x10f: {  	v37 =	vld [tilespmem:s17+$0x178D0]  }
0x110: {  	v33 =	vld [tilespmem:s17+$0x178E0]  }
0x111: {  	[tilespmem:$0x1FF00] =	vst v0;
	v0 =	vld [tilespmem:s17+$0x17AB0]  }
0x112: {  	v38 =	vld [tilespmem:s17+$0x178F0]  }
0x113: {  	v30 =	vld [tilespmem:s17+$0x17900]  }
0x114: {  	v40 =	vld [tilespmem:s17+$0x17910]  }
0x115: {  	v29 =	vld [tilespmem:s17+$0x17920]  }
0x116: {  	[tilespmem:$0x1FF10] =	vst v0;
	v0 =	vld [tilespmem:s17+$0x17AC0]  }
0x117: {  	v39 =	vld [tilespmem:s17+$0x17930]  }
0x118: {  	v28 =	vld [tilespmem:s17+$0x17940]  }
0x119: {  	v42 =	vld [tilespmem:s17+$0x17950]  }
0x11a: {  	v27 =	vld [tilespmem:s17+$0x17960]  }
0x11b: {  	[tilespmem:$0x1FF20] =	vst v0;
	v0 =	vld [tilespmem:s17+$0x17AE0]  }
0x11c: {  	v41 =	vld [tilespmem:s17+$0x17970]  }
0x11d: {  	v26 =	vld [tilespmem:s17+$0x17980]  }
0x11e: {  	v44 =	vld [tilespmem:s17+$0x17990]  }
0x11f: {  	v25 =	vld [tilespmem:s17+$0x179A0]  }
0x120: {  	[tilespmem:$0x1FF30] =	vst v0;
	v0 =	vld [tilespmem:s17+$0x17B00]  }
0x121: {  	v43 =	vld [tilespmem:s17+$0x179B0]  }
0x122: {  	v24 =	vld [tilespmem:s17+$0x179C0]  }
0x123: {  	v46 =	vld [tilespmem:s17+$0x179D0]  }
0x124: {  	v45 =	vld [tilespmem:s17+$0x179F0]  }
0x125: {  	[tilespmem:$0x1FF40] =	vst v0;
	v0 =	vld [tilespmem:s17+$0x17B20]  }
0x126: {  	v47 =	vld [tilespmem:s17+$0x17A10]  }
0x127: {  	v48 =	vld [tilespmem:s17+$0x17A30]  }
0x128: {  	v49 =	vld [tilespmem:s17+$0x17A50]  }
0x129: {  	v50 =	vld [tilespmem:s17+$0x17A70]  }
0x12a: {  	[tilespmem:$0x1FF50] =	vst v0;
	v0 =	vld [tilespmem:s17+$0x17B40]  }
0x12b: {  	v51 =	vld [tilespmem:s17+$0x17AD0]  }
0x12c: {  	v52 =	vld [tilespmem:s17+$0x17AF0]  }
0x12d: {  	v54 =	vld [tilespmem:s17+$0x17B10]  }
0x12e: {  	v53 =	vld [tilespmem:s17+$0x17B30]  }
0x12f: {  	[tilespmem:$0x1FF60] =	vst v0;
	v0 =	vld [tilespmem:s17+$0x17B60]  }
0x130: {  	v56 =	vld [tilespmem:s17+$0x17B50]  }
0x131: {  	v55 =	vld [tilespmem:s17+$0x17B70]  }
0x132: {  	v58 =	vld [tilespmem:s17+$0x17B90]  }
0x133: {  	v57 =	vld [tilespmem:s17+$0x17BB0]  }
0x134: {  	[tilespmem:$0x1FF70] =	vst v0;
	v0 =	vld [tilespmem:s17+$0x17B80]  }
0x135: {  	v60 =	vld [tilespmem:s17+$0x17BD0]  }
0x136: {  	v59 =	vld [tilespmem:s17+$0x17BF0]  }
0x137: {  	v62 =	vld [tilespmem:s17+$0x17C10]  }
0x138: {  	v61 =	vld [tilespmem:s17+$0x17C30]  }
0x139: {  	[tilespmem:$0x1FF80] =	vst v0;
	v0 =	vld [tilespmem:s17+$0x17BA0]  }
0x13a: {  	v1 =	vld [tilespmem:s17+$0x17C60]  }
0x13b: {  	v63 =	vld [tilespmem:s17+$0x17C70]  }
0x13c: {  	v2 =	vld [tilespmem:s17+$0x1BC50]  }
0x13d: {  	v3 =	vld [tilespmem:s17+$0x1BC30]  }
0x13e: {  	[tilespmem:$0x1FF90] =	vst v0;
	v0 =	vld [tilespmem:s17+$0x17BC0]  }
0x13f: {  	v4 =	vld [tilespmem:s17+$0x1BC10]  }
0x140: {  	v5 =	vld [tilespmem:s17+$0x1BBF0]  }
0x141: {  	v6 =	vld [tilespmem:s17+$0x1BBD0]  }
0x142: {  	v7 =	vld [tilespmem:s17+$0x1BBB0]  }
0x143: {  	[tilespmem:$0x1FFA0] =	vst v0;
	v0 =	vld [tilespmem:s17+$0x17BE0]  }
0x144: {  	v8 =	vld [tilespmem:s17+$0x1BB90]  }
0x145: {  	v9 =	vld [tilespmem:s17+$0x1BB70]  }
0x146: {  	v10 =	vld [tilespmem:s17+$0x1BB50]  }
0x147: {  	v11 =	vld [tilespmem:s17+$0x1BB30]  }
0x148: {  	[tilespmem:$0x1FFB0] =	vst v0;
	v0 =	vld [tilespmem:s17+$0x17C00]  }
0x149: {  	v12 =	vld [tilespmem:s17+$0x1BB10]  }
0x14a: {  	v13 =	vld [tilespmem:s17+$0x1BAF0]  }
0x14b: {  	v14 =	vld [tilespmem:s17+$0x1BAD0]  }
0x14c: {  	v15 =	vld [tilespmem:s17+$0x1BA70]  }
0x14d: {  	[tilespmem:$0x1FFC0] =	vst v0;
	v0 =	vld [tilespmem:s17+$0x17C20]  }
0x14e: {  	s3 =	smulhi.u32 $0xAAAAAAAB, s3;
	v16 =	vld [tilespmem:s17+$0x1BA50]  }
0x14f: {  	v17 =	vld [tilespmem:s17+$0x1BA30]  }
0x150: {  	s3 =	sshrl.u32 s3, $0x1;
	v18 =	vld [tilespmem:s17+$0x1BA10]  }
0x151: {  	s3 =	smul.u32 $0xFFFFEE00, s3;
	v19 =	vld [tilespmem:s17+$0x1B9F0]  }
0x152: {  	[tilespmem:$0x1FFD0] =	vst v0;
	v0 =	vld [tilespmem:s17+$0x17C40]  }
0x153: {  	s3 =	sshra.s32 s3, $0x2;
	v20 =	vld [tilespmem:s17+$0x1B9D0]  }
0x154: {  	s22 =	sadd.s32 s3, s13;
	v21 =	vld [tilespmem:s17+$0x1B9B0]  }
0x155: {  	v22 =	vld [tilespmem:s22+$0x0]  }
0x156: {  	[tilespmem:$0x1FFF0] =	vst v1;
	v1 =	vld [tilespmem:s17+$0x1BC70]  }
0x157: {  	s21 =	sadd.s32 $0x17380, s21;
	s3 =	simm.s32 $0x1000;
	[tilespmem:$0x1FFE0] =	vst v0;
	v0 =	vld [tilespmem:s17+$0x17C50]  }
.LBB2_11:
0x158: {  	_ =	sdelay $0x2  }
0x159: {  	v23 =	vld [tilespmem:s17+$0x1B990]  }
0x15a: {  	v2 =	vadd.f32 v0, v2;
	v0 =	vadd.f32 v63, v1;
	v63 =	vld [tilespmem:s17+$0x1B970]  }
0x15b: {  	v1 =	vadd.f32 v61, v3;
	v61 =	vld [tilespmem:s17+$0x1B950]  }
0x15c: {  	v3 =	vadd.f32 v59, v5;
	v59 =	vld [tilespmem:s17+$0x1B930]  }
0x15d: {  	v5 =	vadd.f32 v57, v7;
	v57 =	vld [tilespmem:s17+$0x1B910]  }
0x15e: {  	v22 =	vand.u32 $0x3FFF, v22;
	v7 =	vadd.f32 v55, v9;
	v55 =	vld [tilespmem:s17+$0x1B8F0]  }
0x15f: {  	v6 =	vadd.f32 v60, v6;
	v60 =	vld [tilespmem:s17+$0x1B8D0]  }
0x160: {  	v4 =	vadd.f32 v62, v4;
	v62 =	vld [tilespmem:s17+$0x1B8B0]  }
0x161: {  	v12 =	vadd.f32 v54, v12;
	v54 =	vld [tilespmem:s17+$0x1B890]  }
0x162: {  	v10 =	vadd.f32 v56, v10;
	v56 =	vld [tilespmem:s17+$0x1B8A0]  }
0x163: {  	v9 =	vadd.f32 v53, v11;
	v11 =	vadd.f32 v52, v13;
	v13 =	vld.idx.msk [tilespmem:v22+s28+$0x0], $0xffff  }
0x164: {  	v22 =	vld [tilespmem:s17+$0x1B880]  }
0x165: {  	v37 =	vadd.f32 v37, v60;
	v60 =	vld [tilespmem:s17+$0x1B900]  }
0x166: {  	v8 =	vadd.f32 v58, v8;
	v58 =	vld [tilespmem:s17+$0x1B8C0]  }
0x167: {  	v14 =	vadd.f32 v51, v14;
	v51 =	vld [tilespmem:s17+$0x1B960]  }
0x168: {  	v52 =	vld [tilespmem:s17+$0x1B980]  }
0x169: {  	v20 =	vadd.f32 v46, v20;
	v21 =	vadd.f32 v43, v21;
	v43 =	vld [tilespmem:s17+$0x1BAB0]  }
0x16a: {  	v46 =	vld [tilespmem:$0x1FEB0];
	v22 =	vadd.f32 v31, v22;
	v31 =	vbroadcast v13, $0x1;
	v30 =	vadd.f32 v30, v60  }
0x16b: {  	v18 =	vadd.f32 v47, v18;
	v47 =	vld [tilespmem:s17+$0x1BA80]  }
0x16c: {  	v16 =	vadd.f32 v49, v16;
	v36 =	vadd.f32 v36, v62;
	v62 =	vld [tilespmem:s17+$0x1B920];
	v30 =	vmul.f32 v30, v31  }
0x16d: {  	v15 =	vadd.f32 v50, v15;
	v17 =	vadd.f32 v48, v17;
	v60 =	vld [tilespmem:s17+$0x1BA00]  }
0x16e: {  	v23 =	vadd.f32 v44, v23;
	v42 =	vadd.f32 v42, v61;
	[tilespmem:s17+$0x1B900] =	vst v30;
	v30 =	vld [tilespmem:$0x1FEA0]  }
0x16f: {  	v41 =	vadd.f32 v41, v63;
	v39 =	vadd.f32 v39, v59;
	v59 =	vld [tilespmem:s17+$0x1B8E0]  }
0x170: {  	v48 =	vld [tilespmem:s17+$0x1BAA0];
	v40 =	vadd.f32 v40, v57;
	v35 =	vadd.f32 v35, v54;
	v61 =	vbroadcast v13, $0x0  }
0x171: {  	v34 =	vadd.f32 v34, v56;
	v63 =	vld [tilespmem:s17+$0x1B940];
	v49 =	vbroadcast v13, $0x2;
	v29 =	vadd.f32 v29, v62  }
0x172: {  	v44 =	vld [tilespmem:s17+$0x1BA90];
	v32 =	vadd.f32 v32, v58;
	v50 =	vbroadcast v13, $0x3;
	v22 =	vmul.f32 v22, v61  }
0x173: {  	v54 =	vld [tilespmem:s17+$0x1B9A0];
	v35 =	vmul.f32 v35, v61;
	v29 =	vmul.f32 v29, v31;
	v30 =	vadd.f32 v30, v60  }
0x174: {  	v33 =	vadd.f32 v33, v59;
	v62 =	vld [tilespmem:s17+$0x1BA40];
	v34 =	vmul.f32 v34, v61;
	v36 =	vmul.f32 v36, v61  }
0x175: {  	v27 =	vadd.f32 v27, v51;
	v53 =	vmul.f32 v37, v61;
	[tilespmem:s17+$0x1B920] =	vst v29;
	v29 =	vmul.f32 v30, v50;
	v30 =	vld [tilespmem:$0x1FEC0]  }
0x176: {  	v56 =	vld [tilespmem:s17+$0x1B9C0];
	v28 =	vadd.f32 v28, v63;
	v33 =	vmul.f32 v33, v61;
	[tilespmem:s17+$0x1B880] =	vst v22;
	v22 =	vmul.f32 v32, v61  }
0x177: {  	v38 =	vadd.f32 v38, v55;
	v58 =	vld [tilespmem:s17+$0x1B9E0];
	v57 =	vmul.f32 v40, v31;
	v59 =	vmul.f32 v39, v31  }
0x178: {  	v26 =	vadd.f32 v26, v52;
	v63 =	vld [tilespmem:s17+$0x1BA60];
	v27 =	vmul.f32 v27, v31;
	[tilespmem:s17+$0x1B8C0] =	vst v22;
	v22 =	vmul.f32 v28, v31  }
0x179: {  	v25 =	vadd.f32 v25, v54;
	v28 =	vmul.f32 v42, v31;
	v31 =	vmul.f32 v41, v31;
	v41 =	vld [tilespmem:$0x1FE90]  }
0x17a: {  	v54 =	vld [tilespmem:$0x1FED0];
	v55 =	vmul.f32 v38, v61;
	v26 =	vmul.f32 v26, v49;
	[tilespmem:s17+$0x1B890] =	vst v35;
	v30 =	vadd.f32 v30, v62  }
0x17b: {  	v24 =	vadd.f32 v24, v56;
	v23 =	vmul.f32 v23, v49;
	v25 =	vmul.f32 v25, v49;
	v61 =	vld [tilespmem:s17+$0x1BA20];
	[tilespmem:s17+$0x1B8E0] =	vst v33  }
0x17c: {  	v19 =	vadd.f32 v45, v19;
	v21 =	vmul.f32 v21, v49;
	[tilespmem:s17+$0x1B940] =	vst v22;
	v22 =	vmul.f32 v30, v50;
	v30 =	vld [tilespmem:$0x1FF10]  }
0x17d: {  	v56 =	vld [tilespmem:s17+$0x1BAE0];
	v24 =	vmul.f32 v24, v49;
	v20 =	vmul.f32 v20, v49;
	[tilespmem:s17+$0x1B8F0] =	vst v55  }
0x17e: {  	v19 =	vmul.f32 v19, v49;
	v18 =	vmul.f32 v18, v50;
	[tilespmem:s17+$0x1B910] =	vst v57;
	v55 =	vld [tilespmem:s17+$0x1BAC0];
	v35 =	vadd.f32 v41, v58  }
0x17f: {  	v17 =	vmul.f32 v17, v50;
	v16 =	vmul.f32 v16, v50;
	[tilespmem:s17+$0x1B930] =	vst v59;
	v57 =	vld [tilespmem:$0x1FEF0]  }
0x180: {  	[tilespmem:s17+$0x1B960] =	vst v27;
	v59 =	vld [tilespmem:$0x1FEE0];
	v33 =	vadd.f32 v54, v63;
	v45 =	vmul.f32 v35, v49;
	v35 =	vadd.f32 v46, v61  }
0x181: {  	v15 =	vmul.f32 v15, v50;
	v27 =	vbroadcast v13, $0x4;
	[tilespmem:s17+$0x1B970] =	vst v31;
	v31 =	vld [tilespmem:$0x1FF00];
	v30 =	vadd.f32 v30, v43  }
0x182: {  	[tilespmem:s17+$0x1B950] =	vst v28;
	v28 =	vmul.f32 v33, v50;
	v49 =	vmul.f32 v35, v50;
	v50 =	vld [tilespmem:$0x1FF20]  }
0x183: {  	v43 =	vmul.f32 v30, v27;
	v30 =	vld [tilespmem:$0x1FF30];
	_ =	sdelay $0x1  }
0x184: {  	v39 =	vadd.f32 v59, v47  }
0x185: {  	v33 =	vadd.f32 v57, v44  }
0x186: {  	[tilespmem:s17+$0x1B980] =	vst v26;
	v14 =	vmul.f32 v14, v27;
	v26 =	vmul.f32 v39, v27;
	v31 =	vadd.f32 v31, v48  }
0x187: {  	[tilespmem:s17+$0x1B990] =	vst v23;
	v39 =	vmul.f32 v33, v27;
	v33 =	vadd.f32 v50, v55;
	v30 =	vadd.f32 v30, v56  }
0x188: {  	[tilespmem:s17+$0x1B9A0] =	vst v25;
	v11 =	vmul.f32 v11, v27;
	v61 =	vld [tilespmem:s17+$0x1BB20];
	v23 =	vmul.f32 v31, v27  }
0x189: {  	[tilespmem:s17+$0x1B9B0] =	vst v21;
	v25 =	vmul.f32 v33, v27;
	v21 =	vmul.f32 v30, v27;
	v27 =	vld [tilespmem:$0x1FF50];
	_ =	sdelay $0x4  }
0x18a: {  	v51 =	vld [tilespmem:s17+$0x1BB60];
	v60 =	vbroadcast v13, $0x5;
	v27 =	vadd.f32 v27, v61  }
0x18b: {  	v52 =	vld [tilespmem:$0x1FF40]  }
0x18c: {  	[tilespmem:s17+$0x1B9D0] =	vst v20;
	v20 =	vmul.f32 v27, v60;
	v27 =	vld [tilespmem:$0x1FF70]  }
0x18d: {  	v58 =	vld [tilespmem:s17+$0x1BB00];
	_ =	sdelay $0x2  }
0x18e: {  	[tilespmem:s17+$0x1B8D0] =	vst v53;
	v53 =	vld [tilespmem:s17+$0x1BBA0]  }
0x18f: {  	v31 =	vld [tilespmem:s17+$0x1BB80];
	v27 =	vadd.f32 v27, v51  }
0x190: {  	v33 =	vadd.f32 v52, v58;
	v58 =	vld [tilespmem:$0x1FF80]  }
0x191: {  	[tilespmem:s17+$0x1B9F0] =	vst v19;
	v19 =	vmul.f32 v27, v60;
	v27 =	vld [tilespmem:$0x1FF90]  }
0x192: {  	[tilespmem:s17+$0x1B8A0] =	vst v34;
	v54 =	vld [tilespmem:$0x1FF60]  }
0x193: {  	[tilespmem:s17+$0x1BA00] =	vst v29;
	v29 =	vld [tilespmem:$0x1FFA0]  }
0x194: {  	[tilespmem:s17+$0x1B8B0] =	vst v36;
	v62 =	vld [tilespmem:s17+$0x1BB40]  }
0x195: {  	[tilespmem:s17+$0x1B9C0] =	vst v24;
	v63 =	vbroadcast v13, $0x6;
	v55 =	vld [tilespmem:s17+$0x1BBE0];
	v31 =	vadd.f32 v58, v31  }
0x196: {  	s4 =	sshra.s32 s3, $0x2;
	[tilespmem:s17+$0x1B9E0] =	vst v45;
	v30 =	vld [tilespmem:s17+$0x1BBC0];
	v27 =	vadd.f32 v27, v53  }
0x197: {  	v61 =	vmul.f32 v31, v63;
	v31 =	vld [tilespmem:s4+$0x17880]  }
0x198: {  	[tilespmem:s17+$0x1BA10] =	vst v18;
	v18 =	vmul.f32 v27, v63;
	v27 =	vld [tilespmem:$0x1FFB0];
	_ =	sdelay $0x1  }
0x199: {  	v59 =	vld [tilespmem:s17+$0x1BC20]  }
0x19a: {  	v56 =	vld [tilespmem:s17+$0x1BC00];
	v29 =	vadd.f32 v29, v30  }
0x19b: {  	v35 =	vld [tilespmem:s4+$0x17890]  }
0x19c: {  	v32 =	vadd.f32 v54, v62;
	[tilespmem:s17+$0x1BA20] =	vst v49;
	v62 =	vmul.f32 v29, v63;
	v29 =	vld [tilespmem:$0x1FFC0];
	v27 =	vadd.f32 v27, v55  }
0x19d: {  	v34 =	vld [tilespmem:s4+$0x178A0]  }
0x19e: {  	[tilespmem:s17+$0x1BA30] =	vst v17;
	v17 =	vmul.f32 v27, v63;
	v27 =	vld [tilespmem:$0x1FFD0];
	_ =	sdelay $0x1  }
0x19f: {  	v13 =	vbroadcast v13, $0x7;
	v30 =	vld [tilespmem:s17+$0x1BC60]  }
0x1a0: {  	v12 =	vmul.f32 v12, v60;
	v9 =	vmul.f32 v9, v60;
	v36 =	vld [tilespmem:s4+$0x178B0];
	[tilespmem:s17+$0x1BA40] =	vst v22  }
0x1a1: {  	v10 =	vmul.f32 v10, v60;
	v57 =	vmul.f32 v32, v60;
	v32 =	vld [tilespmem:s4+$0x178C0];
	v29 =	vadd.f32 v29, v56  }
0x1a2: {  	v7 =	vmul.f32 v7, v60;
	v24 =	vmul.f32 v33, v60;
	v60 =	vld [tilespmem:s17+$0x1BC40];
	v27 =	vadd.f32 v27, v59  }
0x1a3: {  	v22 =	vmul.f32 v29, v13;
	v29 =	vld [tilespmem:$0x1FFE0]  }
0x1a4: {  	[tilespmem:s17+$0x1BA50] =	vst v16;
	v16 =	vmul.f32 v27, v13;
	v27 =	vld [tilespmem:$0x1FFF0];
	_ =	sdelay $0x1  }
0x1a5: {  	v37 =	vld [tilespmem:s4+$0x178D0];
	[tilespmem:s17+$0x1BA60] =	vst v28  }
0x1a6: {  	v33 =	vld [tilespmem:s4+$0x178E0];
	[tilespmem:s17+$0x1BA70] =	vst v15  }
0x1a7: {  	v38 =	vld [tilespmem:s4+$0x178F0];
	[tilespmem:s17+$0x1BA80] =	vst v26  }
0x1a8: {  	v8 =	vmul.f32 v8, v63;
	v29 =	vadd.f32 v29, v60;
	v27 =	vadd.f32 v27, v30;
	v30 =	vld [tilespmem:s4+$0x17900];
	[tilespmem:s17+$0x1BA90] =	vst v39  }
0x1a9: {  	v5 =	vmul.f32 v5, v63;
	v6 =	vmul.f32 v6, v63;
	v40 =	vld [tilespmem:s4+$0x17910];
	[tilespmem:s17+$0x1BAA0] =	vst v23  }
0x1aa: {  	v3 =	vmul.f32 v3, v63;
	v63 =	vmul.f32 v29, v13;
	v29 =	vld [tilespmem:s4+$0x17920];
	[tilespmem:s17+$0x1BAB0] =	vst v43  }
0x1ab: {  	v39 =	vld [tilespmem:s4+$0x17930];
	[tilespmem:s17+$0x1BAC0] =	vst v25  }
0x1ac: {  	v28 =	vld [tilespmem:s4+$0x17940];
	[tilespmem:s17+$0x1BAD0] =	vst v14  }
0x1ad: {  	v42 =	vld [tilespmem:s4+$0x17950];
	[tilespmem:s17+$0x1BAE0] =	vst v21  }
0x1ae: {  	v15 =	vmul.f32 v27, v13;
	v27 =	vld [tilespmem:s4+$0x17960];
	[tilespmem:s17+$0x1BAF0] =	vst v11  }
0x1af: {  	v41 =	vld [tilespmem:s4+$0x17970];
	[tilespmem:s17+$0x1BB00] =	vst v24  }
0x1b0: {  	v26 =	vld [tilespmem:s4+$0x17980];
	[tilespmem:s17+$0x1BB10] =	vst v12  }
0x1b1: {  	v44 =	vld [tilespmem:s4+$0x17990];
	[tilespmem:s17+$0x1BB20] =	vst v20  }
0x1b2: {  	v25 =	vld [tilespmem:s4+$0x179A0];
	[tilespmem:s17+$0x1BB30] =	vst v9  }
0x1b3: {  	v43 =	vld [tilespmem:s4+$0x179B0];
	[tilespmem:s17+$0x1BB40] =	vst v57  }
0x1b4: {  	v24 =	vld [tilespmem:s4+$0x179C0];
	[tilespmem:s17+$0x1BB50] =	vst v10  }
0x1b5: {  	v46 =	vld [tilespmem:s4+$0x179D0];
	[tilespmem:s17+$0x1BB60] =	vst v19  }
0x1b6: {  	v9 =	vld [tilespmem:s4+$0x179E0];
	[tilespmem:s17+$0x1BB70] =	vst v7  }
0x1b7: {  	v45 =	vld [tilespmem:s4+$0x179F0];
	[tilespmem:s17+$0x1BB80] =	vst v61  }
0x1b8: {  	v7 =	vld [tilespmem:s4+$0x17A00];
	_ =	sdelay $0x2  }
0x1b9: {  	[tilespmem:s17+$0x1BB90] =	vst v8  }
0x1ba: {  	v47 =	vld [tilespmem:s4+$0x17A10];
	[tilespmem:s17+$0x1BBA0] =	vst v18  }
0x1bb: {  	[tilespmem:$0x1FEA0] =	vst v7  }
0x1bc: {  	v7 =	vld [tilespmem:s4+$0x17A20];
	[tilespmem:s17+$0x1BBB0] =	vst v5  }
0x1bd: {  	v48 =	vld [tilespmem:s4+$0x17A30];
	[tilespmem:s17+$0x1BBC0] =	vst v62  }
0x1be: {  	v5 =	vld [tilespmem:s4+$0x17A40];
	_ =	sdelay $0x2  }
0x1bf: {  	[tilespmem:s17+$0x1BBD0] =	vst v6  }
0x1c0: {  	v49 =	vld [tilespmem:s4+$0x17A50];
	[tilespmem:s17+$0x1BBE0] =	vst v17  }
0x1c1: {  	[tilespmem:$0x1FEC0] =	vst v5  }
0x1c2: {  	v5 =	vld [tilespmem:s4+$0x17A60];
	[tilespmem:s17+$0x1BBF0] =	vst v3  }
0x1c3: {  	v50 =	vld [tilespmem:s4+$0x17A70];
	[tilespmem:s17+$0x1BC00] =	vst v22  }
0x1c4: {  	v3 =	vld [tilespmem:s4+$0x17A80];
	_ =	sdelay $0x1  }
0x1c5: {  	v4 =	vmul.f32 v4, v13;
	_ =	sdelay $0x1  }
0x1c6: {  	[tilespmem:s17+$0x1BC10] =	vst v4  }
0x1c7: {  	[tilespmem:$0x1FEE0] =	vst v3;
	v3 =	vld [tilespmem:s4+$0x17A90];
	_ =	sdelay $0x3  }
0x1c8: {  	v1 =	vmul.f32 v1, v13;
	[tilespmem:s17+$0x1BC20] =	vst v16  }
0x1c9: {  	[tilespmem:$0x1FEF0] =	vst v3  }
0x1ca: {  	v3 =	vld [tilespmem:s4+$0x17AA0];
	[tilespmem:s17+$0x1BC30] =	vst v1  }
0x1cb: {  	v1 =	vld [tilespmem:s4+$0x17AB0];
	_ =	sdelay $0x3  }
0x1cc: {  	[tilespmem:s17+$0x1BC40] =	vst v63  }
0x1cd: {  	[tilespmem:$0x1FF10] =	vst v1;
	v1 =	vld [tilespmem:s4+$0x17AC0]  }
0x1ce: {  	v2 =	vmul.f32 v2, v13;
	_ =	sdelay $0x1  }
0x1cf: {  	[tilespmem:s17+$0x1BC50] =	vst v2  }
0x1d0: {  	v0 =	vmul.f32 v0, v13;
	v51 =	vld [tilespmem:s4+$0x17AD0];
	[tilespmem:s17+$0x1BC60] =	vst v15  }
0x1d1: {  	[tilespmem:$0x1FF20] =	vst v1  }
0x1d2: {  	v1 =	vld [tilespmem:s4+$0x17AE0];
	[tilespmem:s17+$0x1BC70] =	vst v0;
	s17 =	smov.u32 s4  }
0x1d3: {  	v0 =	vld [tilespmem:s17+$0x17B00];
	_ =	sdelay $0x4  }
0x1d4: {  	[tilespmem:$0x1FF40] =	vst v0;
	v0 =	vld [tilespmem:s17+$0x17B20];
	_ =	sdelay $0x4  }
0x1d5: {  	[tilespmem:$0x1FF50] =	vst v0;
	v0 =	vld [tilespmem:s17+$0x17B40];
	_ =	sdelay $0x1  }
0x1d6: {  	v52 =	vld [tilespmem:s17+$0x17AF0]  }
0x1d7: {  	v54 =	vld [tilespmem:s17+$0x17B10]  }
0x1d8: {  	v53 =	vld [tilespmem:s17+$0x17B30]  }
0x1d9: {  	[tilespmem:$0x1FF60] =	vst v0;
	v0 =	vld [tilespmem:s17+$0x17B60]  }
0x1da: {  	v56 =	vld [tilespmem:s17+$0x17B50]  }
0x1db: {  	v55 =	vld [tilespmem:s17+$0x17B70]  }
0x1dc: {  	v58 =	vld [tilespmem:s17+$0x17B90]  }
0x1dd: {  	v57 =	vld [tilespmem:s17+$0x17BB0]  }
0x1de: {  	[tilespmem:$0x1FF70] =	vst v0;
	v0 =	vld [tilespmem:s17+$0x17B80]  }
0x1df: {  	v60 =	vld [tilespmem:s17+$0x17BD0]  }
0x1e0: {  	v59 =	vld [tilespmem:s17+$0x17BF0]  }
0x1e1: {  	v62 =	vld [tilespmem:s17+$0x17C10]  }
0x1e2: {  	v61 =	vld [tilespmem:s17+$0x17C30]  }
0x1e3: {  	[tilespmem:$0x1FF80] =	vst v0;
	v0 =	vld [tilespmem:s17+$0x17BA0]  }
0x1e4: {  	v63 =	vld [tilespmem:s17+$0x17C70]  }
0x1e5: {  	v2 =	vld [tilespmem:s17+$0x1BC50]  }
0x1e6: {  	[tilespmem:$0x1FF00] =	vst v3;
	v3 =	vld [tilespmem:s17+$0x1BC30]  }
0x1e7: {  	v4 =	vld [tilespmem:s17+$0x1BC10]  }
0x1e8: {  	[tilespmem:$0x1FF90] =	vst v0;
	v0 =	vld [tilespmem:s17+$0x17BC0]  }
0x1e9: {  	[tilespmem:$0x1FED0] =	vst v5;
	v5 =	vld [tilespmem:s17+$0x1BBF0]  }
0x1ea: {  	v6 =	vld [tilespmem:s17+$0x1BBD0]  }
0x1eb: {  	[tilespmem:$0x1FEB0] =	vst v7;
	v7 =	vld [tilespmem:s17+$0x1BBB0]  }
0x1ec: {  	v8 =	vld [tilespmem:s17+$0x1BB90]  }
0x1ed: {  	[tilespmem:$0x1FFA0] =	vst v0;
	v0 =	vld [tilespmem:s17+$0x17BE0]  }
0x1ee: {  	[tilespmem:$0x1FE90] =	vst v9;
	v9 =	vld [tilespmem:s17+$0x1BB70]  }
0x1ef: {  	v10 =	vld [tilespmem:s17+$0x1BB50]  }
0x1f0: {  	v11 =	vld [tilespmem:s17+$0x1BB30]  }
0x1f1: {  	v12 =	vld [tilespmem:s17+$0x1BB10]  }
0x1f2: {  	[tilespmem:$0x1FFB0] =	vst v0;
	v0 =	vld [tilespmem:s17+$0x17C00]  }
0x1f3: {  	v13 =	vld [tilespmem:s17+$0x1BAF0]  }
0x1f4: {  	v14 =	vld [tilespmem:s17+$0x1BAD0]  }
0x1f5: {  	v15 =	vld [tilespmem:s17+$0x1BA70]  }
0x1f6: {  	v16 =	vld [tilespmem:s17+$0x1BA50]  }
0x1f7: {  	[tilespmem:$0x1FFC0] =	vst v0;
	v0 =	vld [tilespmem:s17+$0x17C20]  }
0x1f8: {  	v17 =	vld [tilespmem:s17+$0x1BA30]  }
0x1f9: {  	v18 =	vld [tilespmem:s17+$0x1BA10]  }
0x1fa: {  	v19 =	vld [tilespmem:s17+$0x1B9F0]  }
0x1fb: {  	[tilespmem:$0x1FF30] =	vst v1;
	v1 =	vld [tilespmem:s17+$0x17C60]  }
0x1fc: {  	p1 =	sne.s32 s3, $0xF000;
	[tilespmem:$0x1FFD0] =	vst v0;
	v0 =	vld [tilespmem:s17+$0x17C40]  }
.Ltmp4:
0x1fd: {  	v20 =	vld [tilespmem:s17+$0x1B9D0];
	(pc) =	sbr.rel @p1 .LBB2_11-.Ltmp4, $4  }
0x1fe: {  	s22 =	sadd.s32 $0x8, s22;
	v21 =	vld [tilespmem:s17+$0x1B9B0]  }
0x1ff: {  	v22 =	vld [tilespmem:s22+$0x0]  }
0x200: {  	[tilespmem:$0x1FFF0] =	vst v1;
	v1 =	vld [tilespmem:s17+$0x1BC70]  }
0x201: {  	s3 =	sadd.s32 $0x1000, s3;
	[tilespmem:$0x1FFE0] =	vst v0;
	v0 =	vld [tilespmem:s17+$0x17C50]  }
0x202: {  	_ =	sdelay $0x1  }
0x203: {  	v22 =	vand.u32 $0x3FFF, v22;
	_ =	sdelay $0x4  }
0x204: {  	v23 =	vld.idx.msk [tilespmem:v22+s28+$0x0], $0xffff  }
0x205: {  	v22 =	vld [tilespmem:s17+$0x1B990];
	_ =	sdelay $0x4  }
0x206: {  	[tilespmem:$0x1FE60] =	vst v22;
	v22 =	vld [tilespmem:s17+$0x1B970];
	_ =	sdelay $0x4  }
0x207: {  	[tilespmem:$0x1FE40] =	vst v22;
	v22 =	vld [tilespmem:s17+$0x1B950];
	_ =	sdelay $0x4  }
0x208: {  	[tilespmem:$0x1FE20] =	vst v22;
	v22 =	vld [tilespmem:s17+$0x1B930];
	_ =	sdelay $0x4  }
0x209: {  	[tilespmem:$0x1FE00] =	vst v22;
	v22 =	vld [tilespmem:s17+$0x1B910];
	_ =	sdelay $0x4  }
0x20a: {  	[tilespmem:$0x1FDE0] =	vst v22;
	v22 =	vld [tilespmem:s17+$0x1B8F0];
	_ =	sdelay $0x4  }
0x20b: {  	[tilespmem:$0x1FDB0] =	vst v22;
	v22 =	vld [tilespmem:s17+$0x1B8D0];
	_ =	sdelay $0x4  }
0x20c: {  	[tilespmem:$0x1FD90] =	vst v22;
	v22 =	vld [tilespmem:s17+$0x1B8B0];
	_ =	sdelay $0x4  }
0x20d: {  	[tilespmem:$0x1FD70] =	vst v22;
	v22 =	vld [tilespmem:s17+$0x1B890];
	_ =	sdelay $0x4  }
0x20e: {  	[tilespmem:$0x1FD50] =	vst v22;
	v22 =	vld [tilespmem:s17+$0x1B880];
	_ =	sdelay $0x4  }
0x20f: {  	[tilespmem:$0x1FD40] =	vst v22;
	v22 =	vld [tilespmem:s17+$0x1B8A0];
	_ =	sdelay $0x4  }
0x210: {  	[tilespmem:$0x1FD60] =	vst v22;
	v22 =	vld [tilespmem:s17+$0x1B8C0];
	_ =	sdelay $0x4  }
0x211: {  	[tilespmem:$0x1FD80] =	vst v22;
	v22 =	vld [tilespmem:s17+$0x1B8E0];
	_ =	sdelay $0x4  }
0x212: {  	[tilespmem:$0x1FDA0] =	vst v22;
	v22 =	vld [tilespmem:s17+$0x1B900];
	_ =	sdelay $0x4  }
0x213: {  	[tilespmem:$0x1FDC0] =	vst v22;
	v22 =	vld [tilespmem:$0x1FD40];
	_ =	sdelay $0x4  }
0x214: {  	[tilespmem:$0x1FDD0] =	vst v23;
	v22 =	vadd.f32 v31, v22;
	v31 =	vbroadcast v23, $0x0;
	v23 =	vld [tilespmem:s17+$0x1B920];
	_ =	sdelay $0x4  }
0x215: {  	[tilespmem:$0x1FDF0] =	vst v23;
	v23 =	vld [tilespmem:s17+$0x1B940];
	_ =	sdelay $0x4  }
0x216: {  	[tilespmem:$0x1FE10] =	vst v23;
	v23 =	vld [tilespmem:$0x1FD50];
	_ =	sdelay $0x4  }
0x217: {  	v23 =	vadd.f32 v35, v23;
	v35 =	vld [tilespmem:s17+$0x1B960];
	_ =	sdelay $0x4  }
0x218: {  	[tilespmem:$0x1FE30] =	vst v35;
	v35 =	vld [tilespmem:s17+$0x1B980];
	_ =	sdelay $0x4  }
0x219: {  	[tilespmem:$0x1FE50] =	vst v35;
	v35 =	vld [tilespmem:$0x1FD60];
	_ =	sdelay $0x4  }
0x21a: {  	v34 =	vadd.f32 v34, v35;
	v35 =	vld [tilespmem:s17+$0x1B9A0];
	_ =	sdelay $0x4  }
0x21b: {  	[tilespmem:$0x1FE70] =	vst v35;
	v35 =	vld [tilespmem:$0x1FD70];
	_ =	sdelay $0x4  }
0x21c: {  	v36 =	vadd.f32 v36, v35;
	v35 =	vld [tilespmem:$0x1FD80];
	_ =	sdelay $0x4  }
0x21d: {  	v32 =	vadd.f32 v32, v35;
	v35 =	vld [tilespmem:$0x1FD90];
	_ =	sdelay $0x4  }
0x21e: {  	v37 =	vadd.f32 v37, v35;
	v35 =	vld [tilespmem:$0x1FDA0];
	_ =	sdelay $0x4  }
0x21f: {  	v33 =	vadd.f32 v33, v35;
	v35 =	vld [tilespmem:$0x1FDB0];
	_ =	sdelay $0x4  }
0x220: {  	v38 =	vadd.f32 v38, v35;
	v35 =	vld [tilespmem:$0x1FDC0];
	_ =	sdelay $0x4  }
0x221: {  	v30 =	vadd.f32 v30, v35;
	v35 =	vld [tilespmem:$0x1FDE0];
	_ =	sdelay $0x4  }
0x222: {  	v40 =	vadd.f32 v40, v35;
	v35 =	vld [tilespmem:s17+$0x1BAB0];
	_ =	sdelay $0x4  }
0x223: {  	[tilespmem:$0x1FE80] =	vst v35;
	v35 =	vld [tilespmem:$0x1FDF0];
	_ =	sdelay $0x3  }
0x224: {  	v22 =	vmul.f32 v22, v31  }
0x225: {  	v29 =	vadd.f32 v29, v35;
	v35 =	vld [tilespmem:$0x1FE00]  }
0x226: {  	[tilespmem:s17+$0x1B880] =	vst v22;
	v22 =	vmul.f32 v23, v31;
	_ =	sdelay $0x1  }
0x227: {  	[tilespmem:s17+$0x1B890] =	vst v22;
	v22 =	vmul.f32 v34, v31;
	_ =	sdelay $0x1  }
0x228: {  	[tilespmem:s17+$0x1B8A0] =	vst v22;
	v22 =	vmul.f32 v36, v31;
	v39 =	vadd.f32 v39, v35;
	v35 =	vld [tilespmem:$0x1FE10];
	_ =	sdelay $0x1  }
0x229: {  	[tilespmem:s17+$0x1B8B0] =	vst v22;
	v22 =	vmul.f32 v32, v31  }
0x22a: {  	v23 =	vld [tilespmem:$0x1FDD0]  }
0x22b: {  	[tilespmem:s17+$0x1B8C0] =	vst v22;
	v22 =	vmul.f32 v37, v31  }
0x22c: {  	v28 =	vadd.f32 v28, v35;
	v35 =	vld [tilespmem:$0x1FE20]  }
0x22d: {  	[tilespmem:s17+$0x1B8D0] =	vst v22;
	v22 =	vmul.f32 v33, v31;
	_ =	sdelay $0x1  }
0x22e: {  	[tilespmem:s17+$0x1B8E0] =	vst v22;
	v22 =	vbroadcast v23, $0x1;
	_ =	sdelay $0x1  }
0x22f: {  	v28 =	vmul.f32 v28, v22;
	v42 =	vadd.f32 v42, v35;
	_ =	sdelay $0x1  }
0x230: {  	[tilespmem:s17+$0x1B940] =	vst v28;
	v28 =	vmul.f32 v42, v22;
	v42 =	vld [tilespmem:$0x1FE40]  }
0x231: {  	v20 =	vadd.f32 v46, v20;
	v46 =	vld [tilespmem:$0x1FE90]  }
0x232: {  	v18 =	vadd.f32 v47, v18;
	v47 =	vld [tilespmem:$0x1FEC0]  }
0x233: {  	v17 =	vadd.f32 v48, v17;
	v48 =	vld [tilespmem:$0x1FED0]  }
0x234: {  	v35 =	vld [tilespmem:$0x1FE30]  }
0x235: {  	v41 =	vadd.f32 v41, v42;
	v42 =	vld [tilespmem:$0x1FE50]  }
0x236: {  	v16 =	vadd.f32 v49, v16;
	v49 =	vld [tilespmem:$0x1FEE0];
	v31 =	vmul.f32 v38, v31  }
0x237: {  	v14 =	vadd.f32 v51, v14;
	v51 =	vld [tilespmem:$0x1FF80];
	v30 =	vmul.f32 v30, v22  }
0x238: {  	v11 =	vadd.f32 v53, v11;
	v53 =	vld [tilespmem:$0x1FF90];
	[tilespmem:s17+$0x1B8F0] =	vst v31;
	v29 =	vmul.f32 v29, v22  }
0x239: {  	v15 =	vadd.f32 v50, v15;
	v12 =	vadd.f32 v54, v12;
	v54 =	vld [tilespmem:$0x1FFA0];
	[tilespmem:s17+$0x1B900] =	vst v30  }
0x23a: {  	v30 =	vmul.f32 v40, v22;
	[tilespmem:s17+$0x1B920] =	vst v29;
	v27 =	vadd.f32 v27, v35;
	v26 =	vadd.f32 v26, v42;
	v42 =	vld [tilespmem:$0x1FE60]  }
0x23b: {  	v9 =	vadd.f32 v55, v9;
	v55 =	vld [tilespmem:$0x1FFB0];
	v29 =	vmul.f32 v39, v22;
	[tilespmem:s17+$0x1B950] =	vst v28;
	v28 =	vmov v23  }
0x23c: {  	v10 =	vadd.f32 v56, v10;
	v56 =	vld [tilespmem:$0x1FFC0];
	[tilespmem:s17+$0x1B910] =	vst v30;
	v27 =	vmul.f32 v27, v22;
	v50 =	vbroadcast v28, $0x4  }
0x23d: {  	v13 =	vadd.f32 v52, v13;
	v34 =	vld [tilespmem:s17+$0x1B9C0];
	[tilespmem:s17+$0x1B930] =	vst v29;
	v22 =	vmul.f32 v41, v22  }
0x23e: {  	v21 =	vadd.f32 v43, v21;
	v36 =	vld [tilespmem:s17+$0x1B9E0];
	[tilespmem:s17+$0x1B960] =	vst v27;
	v27 =	vbroadcast v23, $0x2;
	v14 =	vmul.f32 v14, v50  }
0x23f: {  	v13 =	vmul.f32 v13, v50;
	[tilespmem:s17+$0x1B970] =	vst v22;
	v42 =	vadd.f32 v44, v42;
	v44 =	vld [tilespmem:$0x1FE70]  }
0x240: {  	v19 =	vadd.f32 v45, v19;
	v8 =	vadd.f32 v58, v8;
	v58 =	vld [tilespmem:$0x1FFD0];
	v21 =	vmul.f32 v21, v27;
	[tilespmem:s17+$0x1BAD0] =	vst v14  }
0x241: {  	v5 =	vadd.f32 v59, v5;
	v59 =	vld [tilespmem:$0x1FFE0];
	v20 =	vmul.f32 v20, v27;
	[tilespmem:s17+$0x1BAF0] =	vst v13  }
0x242: {  	v3 =	vadd.f32 v61, v3;
	v61 =	vld [tilespmem:$0x1FFF0];
	v24 =	vadd.f32 v24, v34;
	v19 =	vmul.f32 v19, v27;
	[tilespmem:s17+$0x1B9B0] =	vst v21  }
0x243: {  	v33 =	vld [tilespmem:s17+$0x1BA40];
	[tilespmem:s17+$0x1B9D0] =	vst v20;
	v42 =	vmul.f32 v42, v27  }
0x244: {  	v32 =	vld [tilespmem:s17+$0x1BA00];
	v34 =	vadd.f32 v46, v36;
	[tilespmem:s17+$0x1B9F0] =	vst v19;
	v23 =	vadd.f32 v25, v44;
	v44 =	vmul.f32 v24, v27  }
0x245: {  	v46 =	vld [tilespmem:$0x1FEB0];
	v22 =	vmul.f32 v26, v27;
	[tilespmem:s17+$0x1B990] =	vst v42  }
0x246: {  	v38 =	vld [tilespmem:s17+$0x1BA60];
	v42 =	vmul.f32 v34, v27;
	[tilespmem:s17+$0x1B9C0] =	vst v44;
	v44 =	vbroadcast v28, $0x3  }
0x247: {  	v30 =	vld [tilespmem:s17+$0x1BA80];
	[tilespmem:s17+$0x1B980] =	vst v22;
	v43 =	vmul.f32 v23, v27  }
0x248: {  	v36 =	vld [tilespmem:s17+$0x1BC40];
	v19 =	vadd.f32 v47, v33;
	[tilespmem:s17+$0x1B9E0] =	vst v42;
	v18 =	vmul.f32 v18, v44  }
0x249: {  	v37 =	vld [tilespmem:s17+$0x1BA20];
	[tilespmem:s17+$0x1B9A0] =	vst v43;
	v17 =	vmul.f32 v17, v44  }
0x24a: {  	v40 =	vld [tilespmem:s17+$0x1BA90];
	v19 =	vmul.f32 v19, v44;
	[tilespmem:s17+$0x1BA10] =	vst v18  }
0x24b: {  	v39 =	vld [tilespmem:s17+$0x1BAA0];
	v16 =	vmul.f32 v16, v44;
	v18 =	vadd.f32 v48, v38;
	[tilespmem:s17+$0x1BA30] =	vst v17  }
0x24c: {  	v29 =	vld [tilespmem:s17+$0x1BAC0];
	v15 =	vmul.f32 v15, v44;
	v17 =	vadd.f32 v49, v30;
	[tilespmem:s17+$0x1BA40] =	vst v19;
	v30 =	vmov v28  }
0x24d: {  	v35 =	vld [tilespmem:s17+$0x1BAE0];
	[tilespmem:s17+$0x1BA50] =	vst v16;
	v47 =	vbroadcast v30, $0x5;
	v18 =	vmul.f32 v18, v44  }
0x24e: {  	v41 =	vld [tilespmem:s17+$0x1BB20];
	[tilespmem:s17+$0x1BA70] =	vst v15;
	v17 =	vmul.f32 v17, v50  }
0x24f: {  	v21 =	vld [tilespmem:s17+$0x1BBE0];
	v12 =	vmul.f32 v12, v47;
	[tilespmem:s17+$0x1BA60] =	vst v18  }
0x250: {  	v33 =	vld [tilespmem:s17+$0x1BC60];
	v11 =	vmul.f32 v11, v47;
	[tilespmem:s17+$0x1BA80] =	vst v17  }
0x251: {  	v26 =	vld [tilespmem:s17+$0x1BB40];
	v52 =	vbroadcast v30, $0x6;
	v10 =	vmul.f32 v10, v47;
	[tilespmem:s17+$0x1BB10] =	vst v12  }
0x252: {  	v7 =	vadd.f32 v57, v7;
	v43 =	vld [tilespmem:$0x1FEA0];
	v9 =	vmul.f32 v9, v47;
	[tilespmem:s17+$0x1BB30] =	vst v11  }
0x253: {  	v6 =	vadd.f32 v60, v6;
	v22 =	vld [tilespmem:s17+$0x1BBA0];
	v8 =	vmul.f32 v8, v52;
	[tilespmem:s17+$0x1BB50] =	vst v10  }
0x254: {  	v34 =	vld [tilespmem:s17+$0x1BC00];
	v7 =	vmul.f32 v7, v52;
	[tilespmem:s17+$0x1BB70] =	vst v9  }
0x255: {  	v4 =	vadd.f32 v62, v4;
	v24 =	vld [tilespmem:s17+$0x1BBC0];
	v57 =	vbroadcast v30, $0x7;
	v6 =	vmul.f32 v6, v52;
	[tilespmem:s17+$0x1BB90] =	vst v8  }
0x256: {  	v23 =	vld [tilespmem:s17+$0x1BB80];
	v5 =	vmul.f32 v5, v52;
	[tilespmem:s17+$0x1BBB0] =	vst v7  }
0x257: {  	v0 =	vadd.f32 v0, v2;
	v48 =	vld [tilespmem:$0x1FF50];
	v32 =	vadd.f32 v43, v32;
	v4 =	vmul.f32 v4, v57;
	[tilespmem:s17+$0x1BBD0] =	vst v6  }
0x258: {  	v1 =	vadd.f32 v63, v1;
	v49 =	vld [tilespmem:$0x1FF60];
	v60 =	vmul.f32 v3, v57;
	[tilespmem:s17+$0x1BBF0] =	vst v5  }
0x259: {  	v42 =	vld [tilespmem:$0x1FF20];
	v0 =	vmul.f32 v0, v57;
	v45 =	vmul.f32 v32, v44;
	v32 =	vadd.f32 v46, v37;
	[tilespmem:s17+$0x1BC10] =	vst v4  }
0x25a: {  	v1 =	vmul.f32 v1, v57;
	v37 =	vld [tilespmem:$0x1FF00];
	[tilespmem:s17+$0x1BC30] =	vst v60  }
0x25b: {  	v27 =	vld [tilespmem:s17+$0x1BC20];
	v3 =	vadd.f32 v61, v33;
	[tilespmem:s17+$0x1BC50] =	vst v0;
	v32 =	vmul.f32 v32, v44  }
0x25c: {  	v38 =	vld [tilespmem:$0x1FF10];
	v14 =	vadd.f32 v48, v41;
	[tilespmem:s17+$0x1BC70] =	vst v1  }
0x25d: {  	v13 =	vadd.f32 v49, v26;
	v11 =	vadd.f32 v51, v23;
	v63 =	vmul.f32 v3, v57;
	[tilespmem:s17+$0x1BA20] =	vst v32;
	v32 =	vld [tilespmem:$0x1FEF0]  }
0x25e: {  	v10 =	vadd.f32 v53, v22;
	v9 =	vadd.f32 v54, v24;
	[tilespmem:s17+$0x1BA00] =	vst v45;
	v44 =	vld [tilespmem:$0x1FF30];
	v14 =	vmul.f32 v14, v47  }
0x25f: {  	v8 =	vadd.f32 v55, v21;
	v13 =	vmul.f32 v13, v47;
	[tilespmem:s17+$0x1BC60] =	vst v63;
	v16 =	vadd.f32 v37, v39;
	v39 =	vld [tilespmem:$0x1FE80]  }
0x260: {  	v31 =	vld [tilespmem:s17+$0x1BB00];
	v7 =	vadd.f32 v56, v34;
	v6 =	vadd.f32 v58, v27;
	v11 =	vmul.f32 v11, v52;
	[tilespmem:s17+$0x1BB20] =	vst v14  }
0x261: {  	v46 =	vld [tilespmem:$0x1FF40];
	v5 =	vadd.f32 v59, v36;
	v10 =	vmul.f32 v10, v52;
	v9 =	vmul.f32 v9, v52;
	[tilespmem:s17+$0x1BB40] =	vst v13  }
0x262: {  	v8 =	vmul.f32 v8, v52;
	v7 =	vmul.f32 v7, v57;
	[tilespmem:s17+$0x1BB80] =	vst v11;
	v20 =	vadd.f32 v32, v40  }
0x263: {  	v6 =	vmul.f32 v6, v57;
	v62 =	vmul.f32 v5, v57;
	[tilespmem:s17+$0x1BBA0] =	vst v10;
	v17 =	vadd.f32 v44, v35  }
0x264: {  	[tilespmem:s17+$0x1BBC0] =	vst v9;
	v18 =	vadd.f32 v38, v39;
	v40 =	vmul.f32 v20, v50;
	v20 =	vadd.f32 v42, v29  }
0x265: {  	v25 =	vld [tilespmem:s17+$0x1BB60];
	[tilespmem:s17+$0x1BBE0] =	vst v8;
	v16 =	vmul.f32 v16, v50;
	v17 =	vmul.f32 v17, v50  }
0x266: {  	[tilespmem:s17+$0x1BC00] =	vst v7;
	v15 =	vadd.f32 v46, v31;
	v43 =	vmul.f32 v18, v50;
	v45 =	vmul.f32 v20, v50;
	v50 =	vld [tilespmem:$0x1FF70]  }
0x267: {  	[tilespmem:s17+$0x1BC20] =	vst v6  }
0x268: {  	[tilespmem:s17+$0x1BC40] =	vst v62;
	v15 =	vmul.f32 v15, v47  }
0x269: {  	[tilespmem:s17+$0x1BAA0] =	vst v16  }
0x26a: {  	[tilespmem:s17+$0x1BB00] =	vst v15  }
0x26b: {  	[tilespmem:s17+$0x1BAE0] =	vst v17;
	v12 =	vadd.f32 v50, v25  }
0x26c: {  	[tilespmem:s17+$0x1BA90] =	vst v40  }
0x26d: {  	[tilespmem:s17+$0x1BAB0] =	vst v43;
	v12 =	vmul.f32 v12, v47  }
0x26e: {  	p1 =	sne.s32 s16, $0x9D;
	[tilespmem:s17+$0x1BAC0] =	vst v45  }
.Ltmp5:
0x26f: {  	[tilespmem:s17+$0x1BB60] =	vst v12;
	(pc) =	sbr.rel @p1 .LBB2_10-.Ltmp5, $4  }
0x270: {  	[spmem:s5] =	stream.indirect.scatter.add.f32 [tilespmem:s23], [sflag:$0x4], $0x80, s21, s31, $0xb8;
	[tilespmem:$0x1F880] =	vst v63  }
0x271: {  	_ =	swait.ge [sflag:s29], $0x4000  }
0x272: {  	[sflag:s29] =	ssyncset.done $0x0  }
0x273: {  	s13 =	sadd.s32 $0x180, s13;
	[sflag:s29] =	ssyncadd.s32 $0xFFFFC000  }
0x274: {  	_ =	swait.ge [sflag:s0], $0x180  }
0x275: {  	[sflag:s0] =	ssyncset.done $0x0  }
0x276: {  	[sflag:s0] =	ssyncadd.s32 $0xFFFFFE80  }
0x277: {  	[bflag:$0x0] =	sbarrier.arrive $0xFFFF  }
0x278: {  	[bflag:$0x0] =	sbarrier.arrive $0xFFFF  }
0x279: {  	s3 =	simm.s32 $0x0;
	s4 =	sadd.s32 $0x0, s12;
	s17 =	rddreg [dreg:$0x9]  }
0x27a: {  	v0 =	vmov s3;
	[tilespmem:s11], [sflag:$0x2] =	stream.linear.gather [spmem:s17], $0x4000, $0x38;
	[tilespmem:$0x1F880] =	vst v63  }
0x27b: {  	s4 =	sand.u32 $0xFFFFFFF0, s4;
	v0 =	vand.u32 $0xF, v0;
	s10 =	rddreg [dreg:$0xf]  }
0x27c: {  	v0 =	vor.u32 s4, v0;
	[tilespmem:s23], [sflag:$0x3] =	stream.linear.gather [hbm4b:s10+s3], $0x4000, $0x38;
	[tilespmem:$0x1F880] =	vst v63  }
0x27d: {  	v0 =	vbroadcast v0, $0x0;
	_ =	swait.ge [sflag:s24], $0x4000  }
0x27e: {  	[sflag:s24] =	ssyncset.done $0x0  }
0x27f: {  	[sflag:s24] =	ssyncadd.s32 $0xFFFFC000  }
0x280: {  	_ =	swait.ge [sflag:s25], $0x4000  }
0x281: {  	[sflag:s25] =	ssyncset.done $0x0  }
0x282: {  	[sflag:s25] =	ssyncadd.s32 $0xFFFFC000  }
0x283: {  	s3 =	simm.s32 $0x178C0;
	v0 =	vld.idx.msk [tilespmem:v0+s28+$0x0], $0xffff  }
0x284: {  	v1 =	vld [tilespmem:s3+$0xFFFFFFC0]  }
0x285: {  	s10 =	simm.s32 $0x1B8C0  }
0x286: {  	v2 =	vld [tilespmem:s10+$0xFFFFFFC0];
	_ =	sdelay $0x2  }
0x287: {  	v1 =	vmul.f32 v1, v0;
	_ =	sdelay $0x1  }
0x288: {  	v1 =	vadd.f32 v2, v1  }
0x289: {  	v2 =	vld [tilespmem:s3+$0xFFFFFFD0]  }
0x28a: {  	[tilespmem:s3+$0xFFFFFFC0] =	vst v1  }
0x28b: {  	v1 =	vld [tilespmem:s10+$0xFFFFFFD0];
	_ =	sdelay $0x2  }
0x28c: {  	v2 =	vmul.f32 v2, v0;
	_ =	sdelay $0x1  }
0x28d: {  	v1 =	vadd.f32 v1, v2  }
0x28e: {  	v2 =	vld [tilespmem:s3+$0xFFFFFFE0]  }
0x28f: {  	[tilespmem:s3+$0xFFFFFFD0] =	vst v1  }
0x290: {  	v1 =	vld [tilespmem:s10+$0xFFFFFFE0];
	_ =	sdelay $0x2  }
0x291: {  	v2 =	vmul.f32 v2, v0;
	_ =	sdelay $0x1  }
0x292: {  	v1 =	vadd.f32 v1, v2  }
0x293: {  	v2 =	vld [tilespmem:s3+$0xFFFFFFF0]  }
0x294: {  	[tilespmem:s3+$0xFFFFFFE0] =	vst v1  }
0x295: {  	v1 =	vld [tilespmem:s10+$0xFFFFFFF0];
	_ =	sdelay $0x2  }
0x296: {  	v2 =	vmul.f32 v2, v0;
	_ =	sdelay $0x1  }
0x297: {  	v1 =	vadd.f32 v1, v2  }
0x298: {  	v2 =	vld [tilespmem:s3+$0x0]  }
0x299: {  	[tilespmem:s3+$0xFFFFFFF0] =	vst v1  }
0x29a: {  	v1 =	vld [tilespmem:s10+$0x0];
	_ =	sdelay $0x2  }
0x29b: {  	v2 =	vmul.f32 v2, v0;
	_ =	sdelay $0x1  }
0x29c: {  	v1 =	vadd.f32 v1, v2  }
0x29d: {  	v2 =	vld [tilespmem:s3+$0x10]  }
0x29e: {  	[tilespmem:s3+$0x0] =	vst v1  }
0x29f: {  	v1 =	vld [tilespmem:s10+$0x10];
	_ =	sdelay $0x2  }
0x2a0: {  	v2 =	vmul.f32 v2, v0;
	_ =	sdelay $0x1  }
0x2a1: {  	v1 =	vadd.f32 v1, v2  }
0x2a2: {  	v2 =	vld [tilespmem:s3+$0x20]  }
0x2a3: {  	[tilespmem:s3+$0x10] =	vst v1  }
0x2a4: {  	v1 =	vld [tilespmem:s10+$0x20];
	_ =	sdelay $0x2  }
0x2a5: {  	v2 =	vmul.f32 v2, v0;
	_ =	sdelay $0x1  }
0x2a6: {  	v1 =	vadd.f32 v1, v2;
	v2 =	vld [tilespmem:s3+$0x30];
	_ =	sdelay $0x1  }
0x2a7: {  	s21 =	simm.s32 $0x1  }
0x2a8: {  	s13 =	sadd.s32 $0x1, s12;
	v3 =	vmov s21;
	[tilespmem:s3+$0x20] =	vst v1  }
0x2a9: {  	s22 =	sand.u32 $0xFFFFFFF0, s13;
	v3 =	vand.u32 $0xF, v3;
	v1 =	vld [tilespmem:s10+$0x30]  }
0x2aa: {  	v2 =	vmul.f32 v2, v0;
	v0 =	vor.u32 s22, v3  }
0x2ab: {  	v0 =	vbroadcast v0, $0x0;
	_ =	sdelay $0x2  }
0x2ac: {  	s16 =	simm.s32 $0x2;
	v1 =	vadd.f32 v1, v2  }
.LBB2_14:
0x2ad: {  	s10 =	sadd.s32 $0x80, s10  }
0x2ae: {  	s13 =	smov.u32 s16;
	s4 =	sadd.s32 $0x1, s16;
	[tilespmem:s3+$0x30] =	vst v1;
	s3 =	sadd.s32 $0x80, s3  }
0x2af: {  	p1 =	sne.s32 s16, $0x7F;
	v1 =	vld.idx.msk [tilespmem:v0+s28+$0x0], $0xffff  }
0x2b0: {  	v0 =	vld [tilespmem:s3+$0xFFFFFFC0];
	_ =	sdelay $0x1  }
0x2b1: {  	v2 =	vld [tilespmem:s10+$0xFFFFFFC0];
	_ =	sdelay $0x2  }
0x2b2: {  	v0 =	vmul.f32 v0, v1;
	_ =	sdelay $0x1  }
0x2b3: {  	v0 =	vadd.f32 v2, v0  }
0x2b4: {  	v2 =	vld [tilespmem:s3+$0xFFFFFFD0]  }
0x2b5: {  	[tilespmem:s3+$0xFFFFFFC0] =	vst v0  }
0x2b6: {  	v0 =	vld [tilespmem:s10+$0xFFFFFFD0];
	_ =	sdelay $0x2  }
0x2b7: {  	v2 =	vmul.f32 v2, v1;
	_ =	sdelay $0x1  }
0x2b8: {  	v0 =	vadd.f32 v0, v2  }
0x2b9: {  	v2 =	vld [tilespmem:s3+$0xFFFFFFE0]  }
0x2ba: {  	[tilespmem:s3+$0xFFFFFFD0] =	vst v0  }
0x2bb: {  	v0 =	vld [tilespmem:s10+$0xFFFFFFE0];
	_ =	sdelay $0x2  }
0x2bc: {  	v2 =	vmul.f32 v2, v1;
	_ =	sdelay $0x1  }
0x2bd: {  	v0 =	vadd.f32 v0, v2  }
0x2be: {  	v2 =	vld [tilespmem:s3+$0xFFFFFFF0]  }
0x2bf: {  	[tilespmem:s3+$0xFFFFFFE0] =	vst v0  }
0x2c0: {  	v0 =	vld [tilespmem:s10+$0xFFFFFFF0];
	_ =	sdelay $0x2  }
0x2c1: {  	v2 =	vmul.f32 v2, v1;
	_ =	sdelay $0x1  }
0x2c2: {  	v0 =	vadd.f32 v0, v2  }
0x2c3: {  	v2 =	vld [tilespmem:s3+$0x0]  }
0x2c4: {  	[tilespmem:s3+$0xFFFFFFF0] =	vst v0  }
0x2c5: {  	v0 =	vld [tilespmem:s10+$0x0];
	_ =	sdelay $0x2  }
0x2c6: {  	v2 =	vmul.f32 v2, v1;
	_ =	sdelay $0x1  }
0x2c7: {  	v0 =	vadd.f32 v0, v2  }
0x2c8: {  	v2 =	vld [tilespmem:s3+$0x10]  }
0x2c9: {  	[tilespmem:s3+$0x0] =	vst v0  }
0x2ca: {  	v0 =	vld [tilespmem:s10+$0x10];
	_ =	sdelay $0x2  }
0x2cb: {  	v2 =	vmul.f32 v2, v1;
	_ =	sdelay $0x1  }
0x2cc: {  	v0 =	vadd.f32 v0, v2  }
0x2cd: {  	v2 =	vld [tilespmem:s3+$0x20]  }
0x2ce: {  	[tilespmem:s3+$0x10] =	vst v0  }
0x2cf: {  	v0 =	vld [tilespmem:s10+$0x20];
	_ =	sdelay $0x2  }
0x2d0: {  	v2 =	vmul.f32 v2, v1;
	_ =	sdelay $0x1  }
0x2d1: {  	v0 =	vadd.f32 v0, v2  }
0x2d2: {  	v2 =	vld [tilespmem:s3+$0x30]  }
0x2d3: {  	s16 =	sadd.s32 s13, s12;
	v3 =	vmov s13;
	[tilespmem:s3+$0x20] =	vst v0  }
0x2d4: {  	s13 =	sand.u32 $0xFFFFFFF0, s16;
	v0 =	vand.u32 $0xF, v3;
	v3 =	vld [tilespmem:s10+$0x30]  }
.Ltmp6:
0x2d5: {  	v0 =	vor.u32 s13, v0;
	(pc) =	sbr.rel @p1 .LBB2_14-.Ltmp6, $3  }
0x2d6: {  	v0 =	vbroadcast v0, $0x0  }
0x2d7: {  	v1 =	vmul.f32 v2, v1;
	_ =	sdelay $0x1  }
0x2d8: {  	s16 =	smov.u32 s4;
	v1 =	vadd.f32 v3, v1  }
0x2d9: {  	_ =	sdelay $0x1  }
0x2da: {  	s13 =	sadd.s32 $0x80, s3  }
0x2db: {  	[tilespmem:s3+$0x30] =	vst v1;
	v1 =	vld [tilespmem:s13+$0xFFFFFFC0]  }
0x2dc: {  	v0 =	vld.idx.msk [tilespmem:v0+s28+$0x0], $0xffff  }
0x2dd: {  	s4 =	sadd.s32 $0x80, s10  }
0x2de: {  	v2 =	vld [tilespmem:s4+$0xFFFFFFC0];
	_ =	sdelay $0x2  }
0x2df: {  	v1 =	vmul.f32 v1, v0;
	_ =	sdelay $0x1  }
0x2e0: {  	v1 =	vadd.f32 v2, v1  }
0x2e1: {  	v2 =	vld [tilespmem:s13+$0xFFFFFFD0]  }
0x2e2: {  	[tilespmem:s13+$0xFFFFFFC0] =	vst v1  }
0x2e3: {  	v1 =	vld [tilespmem:s4+$0xFFFFFFD0];
	_ =	sdelay $0x2  }
0x2e4: {  	v2 =	vmul.f32 v2, v0;
	_ =	sdelay $0x1  }
0x2e5: {  	v1 =	vadd.f32 v1, v2  }
0x2e6: {  	v2 =	vld [tilespmem:s13+$0xFFFFFFE0]  }
0x2e7: {  	[tilespmem:s13+$0xFFFFFFD0] =	vst v1  }
0x2e8: {  	v1 =	vld [tilespmem:s4+$0xFFFFFFE0];
	_ =	sdelay $0x2  }
0x2e9: {  	v2 =	vmul.f32 v2, v0;
	_ =	sdelay $0x1  }
0x2ea: {  	v1 =	vadd.f32 v1, v2  }
0x2eb: {  	v2 =	vld [tilespmem:s13+$0xFFFFFFF0]  }
0x2ec: {  	[tilespmem:s13+$0xFFFFFFE0] =	vst v1  }
0x2ed: {  	v1 =	vld [tilespmem:s4+$0xFFFFFFF0];
	_ =	sdelay $0x2  }
0x2ee: {  	v2 =	vmul.f32 v2, v0;
	_ =	sdelay $0x1  }
0x2ef: {  	v1 =	vadd.f32 v1, v2  }
0x2f0: {  	v2 =	vld [tilespmem:s13+$0x0]  }
0x2f1: {  	[tilespmem:s13+$0xFFFFFFF0] =	vst v1  }
0x2f2: {  	v1 =	vld [tilespmem:s4+$0x0];
	_ =	sdelay $0x2  }
0x2f3: {  	v2 =	vmul.f32 v2, v0;
	_ =	sdelay $0x1  }
0x2f4: {  	v1 =	vadd.f32 v1, v2  }
0x2f5: {  	v2 =	vld [tilespmem:s13+$0x10]  }
0x2f6: {  	[tilespmem:s13+$0x0] =	vst v1  }
0x2f7: {  	v1 =	vld [tilespmem:s4+$0x10];
	_ =	sdelay $0x2  }
0x2f8: {  	v2 =	vmul.f32 v2, v0;
	_ =	sdelay $0x1  }
0x2f9: {  	v1 =	vadd.f32 v1, v2  }
0x2fa: {  	v2 =	vld [tilespmem:s13+$0x20]  }
0x2fb: {  	[tilespmem:s13+$0x10] =	vst v1  }
0x2fc: {  	v1 =	vld [tilespmem:s4+$0x20];
	_ =	sdelay $0x2  }
0x2fd: {  	v2 =	vmul.f32 v2, v0;
	_ =	sdelay $0x1  }
0x2fe: {  	v1 =	vadd.f32 v1, v2  }
0x2ff: {  	v2 =	vld [tilespmem:s13+$0x30]  }
0x300: {  	[tilespmem:s13+$0x20] =	vst v1  }
0x301: {  	v1 =	vld [tilespmem:s4+$0x30];
	_ =	sdelay $0x2  }
0x302: {  	v0 =	vmul.f32 v2, v0;
	_ =	sdelay $0x1  }
0x303: {  	v0 =	vadd.f32 v1, v0;
	_ =	sdelay $0x1  }
0x304: {  	s16 =	simm.s32 $0x0;
	s22 =	rddreg [dreg:$0x10];
	[tilespmem:s13+$0x30] =	vst v0  }
0x305: {  	[hbm4b:s22+s16] =	stream.linear.scatter [tilespmem:s11], [sflag:$0x4], $0x4000, $0x38;
	[tilespmem:$0x1F880] =	vst v63  }
0x306: {  	_ =	swait.ge [sflag:s29], $0x4000  }
0x307: {  	[sflag:s29] =	ssyncset.done $0x0  }
0x308: {  	s10 =	sadd.s32 $0x0, s14;
	s21 =	rddreg [dreg:$0xa];
	[sflag:s29] =	ssyncadd.s32 $0xFFFFC000  }
0x309: {  	v0 =	vmov s16;
	[tilespmem:s11], [sflag:$0x2] =	stream.linear.gather [spmem:s21], $0x4000, $0x38;
	[tilespmem:$0x1F880] =	vst v63  }
0x30a: {  	s4 =	sand.u32 $0xFFFFFFF0, s10;
	v0 =	vand.u32 $0xF, v0;
	s13 =	rddreg [dreg:$0x11]  }
0x30b: {  	v0 =	vor.u32 s4, v0;
	[tilespmem:s23], [sflag:$0x3] =	stream.linear.gather [hbm4b:s13+s16], $0x4000, $0x38;
	[tilespmem:$0x1F880] =	vst v63  }
0x30c: {  	v0 =	vbroadcast v0, $0x0;
	_ =	swait.ge [sflag:s24], $0x4000  }
0x30d: {  	[sflag:s24] =	ssyncset.done $0x0  }
0x30e: {  	[sflag:s24] =	ssyncadd.s32 $0xFFFFC000  }
0x30f: {  	_ =	swait.ge [sflag:s25], $0x4000  }
0x310: {  	[sflag:s25] =	ssyncset.done $0x0  }
0x311: {  	[sflag:s25] =	ssyncadd.s32 $0xFFFFC000  }
0x312: {  	s3 =	simm.s32 $0x178C0;
	v0 =	vld.idx.msk [tilespmem:v0+s28+$0x0], $0xffff  }
0x313: {  	v1 =	vld [tilespmem:s3+$0xFFFFFFC0]  }
0x314: {  	s10 =	simm.s32 $0x1B8C0  }
0x315: {  	v2 =	vld [tilespmem:s10+$0xFFFFFFC0];
	_ =	sdelay $0x2  }
0x316: {  	v1 =	vmul.f32 v1, v0;
	_ =	sdelay $0x1  }
0x317: {  	v1 =	vadd.f32 v2, v1  }
0x318: {  	v2 =	vld [tilespmem:s3+$0xFFFFFFD0]  }
0x319: {  	[tilespmem:s3+$0xFFFFFFC0] =	vst v1  }
0x31a: {  	v1 =	vld [tilespmem:s10+$0xFFFFFFD0];
	_ =	sdelay $0x2  }
0x31b: {  	v2 =	vmul.f32 v2, v0;
	_ =	sdelay $0x1  }
0x31c: {  	v1 =	vadd.f32 v1, v2  }
0x31d: {  	v2 =	vld [tilespmem:s3+$0xFFFFFFE0]  }
0x31e: {  	[tilespmem:s3+$0xFFFFFFD0] =	vst v1  }
0x31f: {  	v1 =	vld [tilespmem:s10+$0xFFFFFFE0];
	_ =	sdelay $0x2  }
0x320: {  	v2 =	vmul.f32 v2, v0;
	_ =	sdelay $0x1  }
0x321: {  	v1 =	vadd.f32 v1, v2  }
0x322: {  	v2 =	vld [tilespmem:s3+$0xFFFFFFF0]  }
0x323: {  	[tilespmem:s3+$0xFFFFFFE0] =	vst v1  }
0x324: {  	v1 =	vld [tilespmem:s10+$0xFFFFFFF0];
	_ =	sdelay $0x2  }
0x325: {  	v2 =	vmul.f32 v2, v0;
	_ =	sdelay $0x1  }
0x326: {  	v1 =	vadd.f32 v1, v2  }
0x327: {  	v2 =	vld [tilespmem:s3+$0x0]  }
0x328: {  	[tilespmem:s3+$0xFFFFFFF0] =	vst v1  }
0x329: {  	v1 =	vld [tilespmem:s10+$0x0];
	_ =	sdelay $0x2  }
0x32a: {  	v2 =	vmul.f32 v2, v0;
	_ =	sdelay $0x1  }
0x32b: {  	v1 =	vadd.f32 v1, v2  }
0x32c: {  	v2 =	vld [tilespmem:s3+$0x10]  }
0x32d: {  	[tilespmem:s3+$0x0] =	vst v1  }
0x32e: {  	v1 =	vld [tilespmem:s10+$0x10];
	_ =	sdelay $0x2  }
0x32f: {  	v2 =	vmul.f32 v2, v0;
	_ =	sdelay $0x1  }
0x330: {  	v1 =	vadd.f32 v1, v2  }
0x331: {  	v2 =	vld [tilespmem:s3+$0x20]  }
0x332: {  	[tilespmem:s3+$0x10] =	vst v1  }
0x333: {  	v1 =	vld [tilespmem:s10+$0x20];
	_ =	sdelay $0x2  }
0x334: {  	v2 =	vmul.f32 v2, v0;
	_ =	sdelay $0x1  }
0x335: {  	v1 =	vadd.f32 v1, v2;
	v2 =	vld [tilespmem:s3+$0x30];
	_ =	sdelay $0x1  }
0x336: {  	s16 =	simm.s32 $0x1  }
0x337: {  	s13 =	sadd.s32 $0x1, s14;
	v3 =	vmov s16;
	[tilespmem:s3+$0x20] =	vst v1  }
0x338: {  	s22 =	sand.u32 $0xFFFFFFF0, s13;
	v3 =	vand.u32 $0xF, v3;
	v1 =	vld [tilespmem:s10+$0x30]  }
0x339: {  	v2 =	vmul.f32 v2, v0;
	v0 =	vor.u32 s22, v3  }
0x33a: {  	v0 =	vbroadcast v0, $0x0;
	_ =	sdelay $0x2  }
0x33b: {  	s16 =	simm.s32 $0x2;
	s22 =	rddreg [dreg:$0xb];
	v1 =	vadd.f32 v1, v2  }
.LBB2_16:
0x33c: {  	s10 =	sadd.s32 $0x80, s10  }
0x33d: {  	s13 =	smov.u32 s16;
	s4 =	sadd.s32 $0x1, s16;
	[tilespmem:s3+$0x30] =	vst v1;
	s3 =	sadd.s32 $0x80, s3  }
0x33e: {  	p1 =	sne.s32 s16, $0x7F;
	v1 =	vld.idx.msk [tilespmem:v0+s28+$0x0], $0xffff  }
0x33f: {  	v0 =	vld [tilespmem:s3+$0xFFFFFFC0];
	_ =	sdelay $0x1  }
0x340: {  	v2 =	vld [tilespmem:s10+$0xFFFFFFC0];
	_ =	sdelay $0x2  }
0x341: {  	v0 =	vmul.f32 v0, v1;
	_ =	sdelay $0x1  }
0x342: {  	v0 =	vadd.f32 v2, v0  }
0x343: {  	v2 =	vld [tilespmem:s3+$0xFFFFFFD0]  }
0x344: {  	[tilespmem:s3+$0xFFFFFFC0] =	vst v0  }
0x345: {  	v0 =	vld [tilespmem:s10+$0xFFFFFFD0];
	_ =	sdelay $0x2  }
0x346: {  	v2 =	vmul.f32 v2, v1;
	_ =	sdelay $0x1  }
0x347: {  	v0 =	vadd.f32 v0, v2  }
0x348: {  	v2 =	vld [tilespmem:s3+$0xFFFFFFE0]  }
0x349: {  	[tilespmem:s3+$0xFFFFFFD0] =	vst v0  }
0x34a: {  	v0 =	vld [tilespmem:s10+$0xFFFFFFE0];
	_ =	sdelay $0x2  }
0x34b: {  	v2 =	vmul.f32 v2, v1;
	_ =	sdelay $0x1  }
0x34c: {  	v0 =	vadd.f32 v0, v2  }
0x34d: {  	v2 =	vld [tilespmem:s3+$0xFFFFFFF0]  }
0x34e: {  	[tilespmem:s3+$0xFFFFFFE0] =	vst v0  }
0x34f: {  	v0 =	vld [tilespmem:s10+$0xFFFFFFF0];
	_ =	sdelay $0x2  }
0x350: {  	v2 =	vmul.f32 v2, v1;
	_ =	sdelay $0x1  }
0x351: {  	v0 =	vadd.f32 v0, v2  }
0x352: {  	v2 =	vld [tilespmem:s3+$0x0]  }
0x353: {  	[tilespmem:s3+$0xFFFFFFF0] =	vst v0  }
0x354: {  	v0 =	vld [tilespmem:s10+$0x0];
	_ =	sdelay $0x2  }
0x355: {  	v2 =	vmul.f32 v2, v1;
	_ =	sdelay $0x1  }
0x356: {  	v0 =	vadd.f32 v0, v2  }
0x357: {  	v2 =	vld [tilespmem:s3+$0x10]  }
0x358: {  	[tilespmem:s3+$0x0] =	vst v0  }
0x359: {  	v0 =	vld [tilespmem:s10+$0x10];
	_ =	sdelay $0x2  }
0x35a: {  	v2 =	vmul.f32 v2, v1;
	_ =	sdelay $0x1  }
0x35b: {  	v0 =	vadd.f32 v0, v2  }
0x35c: {  	v2 =	vld [tilespmem:s3+$0x20]  }
0x35d: {  	[tilespmem:s3+$0x10] =	vst v0  }
0x35e: {  	v0 =	vld [tilespmem:s10+$0x20];
	_ =	sdelay $0x2  }
0x35f: {  	v2 =	vmul.f32 v2, v1;
	_ =	sdelay $0x1  }
0x360: {  	v0 =	vadd.f32 v0, v2  }
0x361: {  	v2 =	vld [tilespmem:s3+$0x30]  }
0x362: {  	s16 =	sadd.s32 s13, s14;
	v3 =	vmov s13;
	[tilespmem:s3+$0x20] =	vst v0  }
0x363: {  	s13 =	sand.u32 $0xFFFFFFF0, s16;
	v0 =	vand.u32 $0xF, v3;
	v3 =	vld [tilespmem:s10+$0x30]  }
.Ltmp7:
0x364: {  	v0 =	vor.u32 s13, v0;
	(pc) =	sbr.rel @p1 .LBB2_16-.Ltmp7, $3  }
0x365: {  	v0 =	vbroadcast v0, $0x0  }
0x366: {  	v1 =	vmul.f32 v2, v1;
	_ =	sdelay $0x1  }
0x367: {  	s16 =	smov.u32 s4;
	v1 =	vadd.f32 v3, v1  }
0x368: {  	_ =	sdelay $0x1  }
0x369: {  	s13 =	sadd.s32 $0x80, s3  }
0x36a: {  	[tilespmem:s3+$0x30] =	vst v1;
	v1 =	vld [tilespmem:s13+$0xFFFFFFC0]  }
0x36b: {  	v0 =	vld.idx.msk [tilespmem:v0+s28+$0x0], $0xffff  }
0x36c: {  	s4 =	sadd.s32 $0x80, s10  }
0x36d: {  	v2 =	vld [tilespmem:s4+$0xFFFFFFC0];
	_ =	sdelay $0x2  }
0x36e: {  	v1 =	vmul.f32 v1, v0;
	_ =	sdelay $0x1  }
0x36f: {  	v1 =	vadd.f32 v2, v1  }
0x370: {  	v2 =	vld [tilespmem:s13+$0xFFFFFFD0]  }
0x371: {  	[tilespmem:s13+$0xFFFFFFC0] =	vst v1  }
0x372: {  	v1 =	vld [tilespmem:s4+$0xFFFFFFD0];
	_ =	sdelay $0x2  }
0x373: {  	v2 =	vmul.f32 v2, v0;
	_ =	sdelay $0x1  }
0x374: {  	v1 =	vadd.f32 v1, v2  }
0x375: {  	v2 =	vld [tilespmem:s13+$0xFFFFFFE0]  }
0x376: {  	[tilespmem:s13+$0xFFFFFFD0] =	vst v1  }
0x377: {  	v1 =	vld [tilespmem:s4+$0xFFFFFFE0];
	_ =	sdelay $0x2  }
0x378: {  	v2 =	vmul.f32 v2, v0;
	_ =	sdelay $0x1  }
0x379: {  	v1 =	vadd.f32 v1, v2  }
0x37a: {  	v2 =	vld [tilespmem:s13+$0xFFFFFFF0]  }
0x37b: {  	[tilespmem:s13+$0xFFFFFFE0] =	vst v1  }
0x37c: {  	v1 =	vld [tilespmem:s4+$0xFFFFFFF0];
	_ =	sdelay $0x2  }
0x37d: {  	v2 =	vmul.f32 v2, v0;
	_ =	sdelay $0x1  }
0x37e: {  	v1 =	vadd.f32 v1, v2  }
0x37f: {  	v2 =	vld [tilespmem:s13+$0x0]  }
0x380: {  	[tilespmem:s13+$0xFFFFFFF0] =	vst v1  }
0x381: {  	v1 =	vld [tilespmem:s4+$0x0];
	_ =	sdelay $0x2  }
0x382: {  	v2 =	vmul.f32 v2, v0;
	_ =	sdelay $0x1  }
0x383: {  	v1 =	vadd.f32 v1, v2  }
0x384: {  	v2 =	vld [tilespmem:s13+$0x10]  }
0x385: {  	[tilespmem:s13+$0x0] =	vst v1  }
0x386: {  	v1 =	vld [tilespmem:s4+$0x10];
	_ =	sdelay $0x2  }
0x387: {  	v2 =	vmul.f32 v2, v0;
	_ =	sdelay $0x1  }
0x388: {  	v1 =	vadd.f32 v1, v2  }
0x389: {  	v2 =	vld [tilespmem:s13+$0x20]  }
0x38a: {  	[tilespmem:s13+$0x10] =	vst v1  }
0x38b: {  	v1 =	vld [tilespmem:s4+$0x20];
	_ =	sdelay $0x2  }
0x38c: {  	v2 =	vmul.f32 v2, v0;
	_ =	sdelay $0x1  }
0x38d: {  	v1 =	vadd.f32 v1, v2  }
0x38e: {  	v2 =	vld [tilespmem:s13+$0x30]  }
0x38f: {  	[tilespmem:s13+$0x20] =	vst v1  }
0x390: {  	v1 =	vld [tilespmem:s4+$0x30];
	_ =	sdelay $0x2  }
0x391: {  	v0 =	vmul.f32 v2, v0;
	_ =	sdelay $0x1  }
0x392: {  	v0 =	vadd.f32 v1, v0;
	_ =	sdelay $0x1  }
0x393: {  	s16 =	rddreg [dreg:$0x12];
	s3 =	simm.s32 $0x0;
	[tilespmem:s13+$0x30] =	vst v0  }
0x394: {  	[hbm4b:s16+s3] =	stream.linear.scatter [tilespmem:s11], [sflag:$0x4], $0x4000, $0x38;
	[tilespmem:$0x1F880] =	vst v63  }
0x395: {  	_ =	swait.ge [sflag:s29], $0x4000  }
0x396: {  	[sflag:s29] =	ssyncset.done $0x0  }
0x397: {  	s10 =	sadd.s32 $0x0, s15;
	[sflag:s29] =	ssyncadd.s32 $0xFFFFC000  }
0x398: {  	v0 =	vmov s3;
	[tilespmem:s11], [sflag:$0x2] =	stream.linear.gather [spmem:s22], $0x4000, $0x38;
	[tilespmem:$0x1F880] =	vst v63  }
0x399: {  	s4 =	sand.u32 $0xFFFFFFF0, s10;
	v0 =	vand.u32 $0xF, v0;
	s13 =	rddreg [dreg:$0x13]  }
0x39a: {  	v0 =	vor.u32 s4, v0;
	[tilespmem:s23], [sflag:$0x3] =	stream.linear.gather [hbm4b:s13+s3], $0x4000, $0x38;
	[tilespmem:$0x1F880] =	vst v63  }
0x39b: {  	v0 =	vbroadcast v0, $0x0;
	_ =	swait.ge [sflag:s24], $0x4000  }
0x39c: {  	[sflag:s24] =	ssyncset.done $0x0  }
0x39d: {  	[sflag:s24] =	ssyncadd.s32 $0xFFFFC000  }
0x39e: {  	_ =	swait.ge [sflag:s25], $0x4000  }
0x39f: {  	[sflag:s25] =	ssyncset.done $0x0  }
0x3a0: {  	[sflag:s25] =	ssyncadd.s32 $0xFFFFC000  }
0x3a1: {  	s3 =	simm.s32 $0x178C0;
	v0 =	vld.idx.msk [tilespmem:v0+s28+$0x0], $0xffff  }
0x3a2: {  	v1 =	vld [tilespmem:s3+$0xFFFFFFC0]  }
0x3a3: {  	s10 =	simm.s32 $0x1B8C0  }
0x3a4: {  	v2 =	vld [tilespmem:s10+$0xFFFFFFC0];
	_ =	sdelay $0x2  }
0x3a5: {  	v1 =	vmul.f32 v1, v0;
	_ =	sdelay $0x1  }
0x3a6: {  	v1 =	vadd.f32 v2, v1  }
0x3a7: {  	v2 =	vld [tilespmem:s3+$0xFFFFFFD0]  }
0x3a8: {  	[tilespmem:s3+$0xFFFFFFC0] =	vst v1  }
0x3a9: {  	v1 =	vld [tilespmem:s10+$0xFFFFFFD0];
	_ =	sdelay $0x2  }
0x3aa: {  	v2 =	vmul.f32 v2, v0;
	_ =	sdelay $0x1  }
0x3ab: {  	v1 =	vadd.f32 v1, v2  }
0x3ac: {  	v2 =	vld [tilespmem:s3+$0xFFFFFFE0]  }
0x3ad: {  	[tilespmem:s3+$0xFFFFFFD0] =	vst v1  }
0x3ae: {  	v1 =	vld [tilespmem:s10+$0xFFFFFFE0];
	_ =	sdelay $0x2  }
0x3af: {  	v2 =	vmul.f32 v2, v0;
	_ =	sdelay $0x1  }
0x3b0: {  	v1 =	vadd.f32 v1, v2  }
0x3b1: {  	v2 =	vld [tilespmem:s3+$0xFFFFFFF0]  }
0x3b2: {  	[tilespmem:s3+$0xFFFFFFE0] =	vst v1  }
0x3b3: {  	v1 =	vld [tilespmem:s10+$0xFFFFFFF0];
	_ =	sdelay $0x2  }
0x3b4: {  	v2 =	vmul.f32 v2, v0;
	_ =	sdelay $0x1  }
0x3b5: {  	v1 =	vadd.f32 v1, v2  }
0x3b6: {  	v2 =	vld [tilespmem:s3+$0x0]  }
0x3b7: {  	[tilespmem:s3+$0xFFFFFFF0] =	vst v1  }
0x3b8: {  	v1 =	vld [tilespmem:s10+$0x0];
	_ =	sdelay $0x2  }
0x3b9: {  	v2 =	vmul.f32 v2, v0;
	_ =	sdelay $0x1  }
0x3ba: {  	v1 =	vadd.f32 v1, v2  }
0x3bb: {  	v2 =	vld [tilespmem:s3+$0x10]  }
0x3bc: {  	[tilespmem:s3+$0x0] =	vst v1  }
0x3bd: {  	v1 =	vld [tilespmem:s10+$0x10];
	_ =	sdelay $0x2  }
0x3be: {  	v2 =	vmul.f32 v2, v0;
	_ =	sdelay $0x1  }
0x3bf: {  	v1 =	vadd.f32 v1, v2  }
0x3c0: {  	v2 =	vld [tilespmem:s3+$0x20]  }
0x3c1: {  	[tilespmem:s3+$0x10] =	vst v1  }
0x3c2: {  	v1 =	vld [tilespmem:s10+$0x20];
	_ =	sdelay $0x2  }
0x3c3: {  	v2 =	vmul.f32 v2, v0;
	_ =	sdelay $0x1  }
0x3c4: {  	v1 =	vadd.f32 v1, v2;
	v2 =	vld [tilespmem:s3+$0x30];
	_ =	sdelay $0x1  }
0x3c5: {  	s16 =	simm.s32 $0x1  }
0x3c6: {  	v3 =	vmov s16;
	s13 =	sadd.s32 $0x1, s15;
	[tilespmem:s3+$0x20] =	vst v1  }
0x3c7: {  	v3 =	vand.u32 $0xF, v3;
	s16 =	sand.u32 $0xFFFFFFF0, s13;
	v1 =	vld [tilespmem:s10+$0x30]  }
0x3c8: {  	v2 =	vmul.f32 v2, v0;
	v0 =	vor.u32 s16, v3  }
0x3c9: {  	v0 =	vbroadcast v0, $0x0;
	_ =	sdelay $0x2  }
0x3ca: {  	s16 =	simm.s32 $0x2;
	v1 =	vadd.f32 v1, v2  }
.LBB2_18:
0x3cb: {  	s10 =	sadd.s32 $0x80, s10  }
0x3cc: {  	s13 =	smov.u32 s16;
	s4 =	sadd.s32 $0x1, s16;
	[tilespmem:s3+$0x30] =	vst v1;
	s3 =	sadd.s32 $0x80, s3  }
0x3cd: {  	p1 =	sne.s32 s16, $0x7F;
	v1 =	vld.idx.msk [tilespmem:v0+s28+$0x0], $0xffff  }
0x3ce: {  	v0 =	vld [tilespmem:s3+$0xFFFFFFC0];
	_ =	sdelay $0x1  }
0x3cf: {  	v2 =	vld [tilespmem:s10+$0xFFFFFFC0];
	_ =	sdelay $0x2  }
0x3d0: {  	v0 =	vmul.f32 v0, v1;
	_ =	sdelay $0x1  }
0x3d1: {  	v0 =	vadd.f32 v2, v0  }
0x3d2: {  	v2 =	vld [tilespmem:s3+$0xFFFFFFD0]  }
0x3d3: {  	[tilespmem:s3+$0xFFFFFFC0] =	vst v0  }
0x3d4: {  	v0 =	vld [tilespmem:s10+$0xFFFFFFD0];
	_ =	sdelay $0x2  }
0x3d5: {  	v2 =	vmul.f32 v2, v1;
	_ =	sdelay $0x1  }
0x3d6: {  	v0 =	vadd.f32 v0, v2  }
0x3d7: {  	v2 =	vld [tilespmem:s3+$0xFFFFFFE0]  }
0x3d8: {  	[tilespmem:s3+$0xFFFFFFD0] =	vst v0  }
0x3d9: {  	v0 =	vld [tilespmem:s10+$0xFFFFFFE0];
	_ =	sdelay $0x2  }
0x3da: {  	v2 =	vmul.f32 v2, v1;
	_ =	sdelay $0x1  }
0x3db: {  	v0 =	vadd.f32 v0, v2  }
0x3dc: {  	v2 =	vld [tilespmem:s3+$0xFFFFFFF0]  }
0x3dd: {  	[tilespmem:s3+$0xFFFFFFE0] =	vst v0  }
0x3de: {  	v0 =	vld [tilespmem:s10+$0xFFFFFFF0];
	_ =	sdelay $0x2  }
0x3df: {  	v2 =	vmul.f32 v2, v1;
	_ =	sdelay $0x1  }
0x3e0: {  	v0 =	vadd.f32 v0, v2  }
0x3e1: {  	v2 =	vld [tilespmem:s3+$0x0]  }
0x3e2: {  	[tilespmem:s3+$0xFFFFFFF0] =	vst v0  }
0x3e3: {  	v0 =	vld [tilespmem:s10+$0x0];
	_ =	sdelay $0x2  }
0x3e4: {  	v2 =	vmul.f32 v2, v1;
	_ =	sdelay $0x1  }
0x3e5: {  	v0 =	vadd.f32 v0, v2  }
0x3e6: {  	v2 =	vld [tilespmem:s3+$0x10]  }
0x3e7: {  	[tilespmem:s3+$0x0] =	vst v0  }
0x3e8: {  	v0 =	vld [tilespmem:s10+$0x10];
	_ =	sdelay $0x2  }
0x3e9: {  	v2 =	vmul.f32 v2, v1;
	_ =	sdelay $0x1  }
0x3ea: {  	v0 =	vadd.f32 v0, v2  }
0x3eb: {  	v2 =	vld [tilespmem:s3+$0x20]  }
0x3ec: {  	[tilespmem:s3+$0x10] =	vst v0  }
0x3ed: {  	v0 =	vld [tilespmem:s10+$0x20];
	_ =	sdelay $0x2  }
0x3ee: {  	v2 =	vmul.f32 v2, v1;
	_ =	sdelay $0x1  }
0x3ef: {  	v0 =	vadd.f32 v0, v2  }
0x3f0: {  	v2 =	vld [tilespmem:s3+$0x30]  }
0x3f1: {  	s16 =	sadd.s32 s13, s15;
	v3 =	vmov s13;
	[tilespmem:s3+$0x20] =	vst v0  }
0x3f2: {  	s13 =	sand.u32 $0xFFFFFFF0, s16;
	v0 =	vand.u32 $0xF, v3;
	v3 =	vld [tilespmem:s10+$0x30]  }
.Ltmp8:
0x3f3: {  	v0 =	vor.u32 s13, v0;
	(pc) =	sbr.rel @p1 .LBB2_18-.Ltmp8, $3  }
0x3f4: {  	v0 =	vbroadcast v0, $0x0  }
0x3f5: {  	v1 =	vmul.f32 v2, v1;
	_ =	sdelay $0x1  }
0x3f6: {  	s16 =	smov.u32 s4;
	v1 =	vadd.f32 v3, v1  }
0x3f7: {  	_ =	sdelay $0x1  }
0x3f8: {  	s16 =	sadd.s32 $0x80, s3  }
0x3f9: {  	[tilespmem:s3+$0x30] =	vst v1;
	v1 =	vld [tilespmem:s16+$0xFFFFFFC0]  }
0x3fa: {  	v0 =	vld.idx.msk [tilespmem:v0+s28+$0x0], $0xffff  }
0x3fb: {  	s4 =	sadd.s32 $0x80, s10  }
0x3fc: {  	v2 =	vld [tilespmem:s4+$0xFFFFFFC0];
	_ =	sdelay $0x2  }
0x3fd: {  	v1 =	vmul.f32 v1, v0;
	_ =	sdelay $0x1  }
0x3fe: {  	v1 =	vadd.f32 v2, v1  }
0x3ff: {  	v2 =	vld [tilespmem:s16+$0xFFFFFFD0]  }
0x400: {  	[tilespmem:s16+$0xFFFFFFC0] =	vst v1  }
0x401: {  	v1 =	vld [tilespmem:s4+$0xFFFFFFD0];
	_ =	sdelay $0x2  }
0x402: {  	v2 =	vmul.f32 v2, v0;
	_ =	sdelay $0x1  }
0x403: {  	v1 =	vadd.f32 v1, v2  }
0x404: {  	v2 =	vld [tilespmem:s16+$0xFFFFFFE0]  }
0x405: {  	[tilespmem:s16+$0xFFFFFFD0] =	vst v1  }
0x406: {  	v1 =	vld [tilespmem:s4+$0xFFFFFFE0];
	_ =	sdelay $0x2  }
0x407: {  	v2 =	vmul.f32 v2, v0;
	_ =	sdelay $0x1  }
0x408: {  	v1 =	vadd.f32 v1, v2  }
0x409: {  	v2 =	vld [tilespmem:s16+$0xFFFFFFF0]  }
0x40a: {  	[tilespmem:s16+$0xFFFFFFE0] =	vst v1  }
0x40b: {  	v1 =	vld [tilespmem:s4+$0xFFFFFFF0];
	_ =	sdelay $0x2  }
0x40c: {  	v2 =	vmul.f32 v2, v0;
	_ =	sdelay $0x1  }
0x40d: {  	v1 =	vadd.f32 v1, v2  }
0x40e: {  	v2 =	vld [tilespmem:s16+$0x0]  }
0x40f: {  	[tilespmem:s16+$0xFFFFFFF0] =	vst v1  }
0x410: {  	v1 =	vld [tilespmem:s4+$0x0];
	_ =	sdelay $0x2  }
0x411: {  	v2 =	vmul.f32 v2, v0;
	_ =	sdelay $0x1  }
0x412: {  	v1 =	vadd.f32 v1, v2  }
0x413: {  	v2 =	vld [tilespmem:s16+$0x10]  }
0x414: {  	[tilespmem:s16+$0x0] =	vst v1  }
0x415: {  	v1 =	vld [tilespmem:s4+$0x10];
	_ =	sdelay $0x2  }
0x416: {  	v2 =	vmul.f32 v2, v0;
	_ =	sdelay $0x1  }
0x417: {  	v1 =	vadd.f32 v1, v2  }
0x418: {  	v2 =	vld [tilespmem:s16+$0x20]  }
0x419: {  	[tilespmem:s16+$0x10] =	vst v1  }
0x41a: {  	v1 =	vld [tilespmem:s4+$0x20];
	_ =	sdelay $0x2  }
0x41b: {  	v2 =	vmul.f32 v2, v0;
	_ =	sdelay $0x1  }
0x41c: {  	v1 =	vadd.f32 v1, v2  }
0x41d: {  	v2 =	vld [tilespmem:s16+$0x30]  }
0x41e: {  	[tilespmem:s16+$0x20] =	vst v1  }
0x41f: {  	v1 =	vld [tilespmem:s4+$0x30];
	_ =	sdelay $0x2  }
0x420: {  	v0 =	vmul.f32 v2, v0;
	_ =	sdelay $0x1  }
0x421: {  	v0 =	vadd.f32 v1, v0;
	_ =	sdelay $0x1  }
0x422: {  	s13 =	rddreg [dreg:$0x14];
	s3 =	simm.s32 $0x0;
	[tilespmem:s16+$0x30] =	vst v0  }
0x423: {  	[hbm4b:s13+s3] =	stream.linear.scatter [tilespmem:s11], [sflag:$0x4], $0x4000, $0x38;
	[tilespmem:$0x1F880] =	vst v63  }
0x424: {  	_ =	swait.ge [sflag:s29], $0x4000  }
0x425: {  	[sflag:s29] =	ssyncset.done $0x0  }
0x426: {  	s10 =	sadd.s32 $0x0, s18;
	s16 =	rddreg [dreg:$0xc];
	[sflag:s29] =	ssyncadd.s32 $0xFFFFC000  }
0x427: {  	v0 =	vmov s3;
	[tilespmem:s11], [sflag:$0x2] =	stream.linear.gather [spmem:s16], $0x4000, $0x38;
	[tilespmem:$0x1F880] =	vst v63  }
0x428: {  	s4 =	sand.u32 $0xFFFFFFF0, s10;
	v0 =	vand.u32 $0xF, v0;
	s13 =	rddreg [dreg:$0x15]  }
0x429: {  	v0 =	vor.u32 s4, v0;
	[tilespmem:s23], [sflag:$0x3] =	stream.linear.gather [hbm4b:s13+s3], $0x4000, $0x38;
	[tilespmem:$0x1F880] =	vst v63  }
0x42a: {  	v0 =	vbroadcast v0, $0x0;
	_ =	swait.ge [sflag:s24], $0x4000  }
0x42b: {  	[sflag:s24] =	ssyncset.done $0x0  }
0x42c: {  	[sflag:s24] =	ssyncadd.s32 $0xFFFFC000  }
0x42d: {  	_ =	swait.ge [sflag:s25], $0x4000  }
0x42e: {  	[sflag:s25] =	ssyncset.done $0x0  }
0x42f: {  	[sflag:s25] =	ssyncadd.s32 $0xFFFFC000  }
0x430: {  	s3 =	simm.s32 $0x178C0;
	v0 =	vld.idx.msk [tilespmem:v0+s28+$0x0], $0xffff  }
0x431: {  	v1 =	vld [tilespmem:s3+$0xFFFFFFC0]  }
0x432: {  	s10 =	simm.s32 $0x1B8C0  }
0x433: {  	v2 =	vld [tilespmem:s10+$0xFFFFFFC0];
	_ =	sdelay $0x2  }
0x434: {  	v1 =	vmul.f32 v1, v0;
	_ =	sdelay $0x1  }
0x435: {  	v1 =	vadd.f32 v2, v1  }
0x436: {  	v2 =	vld [tilespmem:s3+$0xFFFFFFD0]  }
0x437: {  	[tilespmem:s3+$0xFFFFFFC0] =	vst v1  }
0x438: {  	v1 =	vld [tilespmem:s10+$0xFFFFFFD0];
	_ =	sdelay $0x2  }
0x439: {  	v2 =	vmul.f32 v2, v0;
	_ =	sdelay $0x1  }
0x43a: {  	v1 =	vadd.f32 v1, v2  }
0x43b: {  	v2 =	vld [tilespmem:s3+$0xFFFFFFE0]  }
0x43c: {  	[tilespmem:s3+$0xFFFFFFD0] =	vst v1  }
0x43d: {  	v1 =	vld [tilespmem:s10+$0xFFFFFFE0];
	_ =	sdelay $0x2  }
0x43e: {  	v2 =	vmul.f32 v2, v0;
	_ =	sdelay $0x1  }
0x43f: {  	v1 =	vadd.f32 v1, v2  }
0x440: {  	v2 =	vld [tilespmem:s3+$0xFFFFFFF0]  }
0x441: {  	[tilespmem:s3+$0xFFFFFFE0] =	vst v1  }
0x442: {  	v1 =	vld [tilespmem:s10+$0xFFFFFFF0];
	_ =	sdelay $0x2  }
0x443: {  	v2 =	vmul.f32 v2, v0;
	_ =	sdelay $0x1  }
0x444: {  	v1 =	vadd.f32 v1, v2  }
0x445: {  	v2 =	vld [tilespmem:s3+$0x0]  }
0x446: {  	[tilespmem:s3+$0xFFFFFFF0] =	vst v1  }
0x447: {  	v1 =	vld [tilespmem:s10+$0x0];
	_ =	sdelay $0x2  }
0x448: {  	v2 =	vmul.f32 v2, v0;
	_ =	sdelay $0x1  }
0x449: {  	v1 =	vadd.f32 v1, v2  }
0x44a: {  	v2 =	vld [tilespmem:s3+$0x10]  }
0x44b: {  	[tilespmem:s3+$0x0] =	vst v1  }
0x44c: {  	v1 =	vld [tilespmem:s10+$0x10];
	_ =	sdelay $0x2  }
0x44d: {  	v2 =	vmul.f32 v2, v0;
	_ =	sdelay $0x1  }
0x44e: {  	v1 =	vadd.f32 v1, v2  }
0x44f: {  	v2 =	vld [tilespmem:s3+$0x20]  }
0x450: {  	[tilespmem:s3+$0x10] =	vst v1  }
0x451: {  	v1 =	vld [tilespmem:s10+$0x20];
	_ =	sdelay $0x2  }
0x452: {  	v2 =	vmul.f32 v2, v0;
	_ =	sdelay $0x1  }
0x453: {  	v1 =	vadd.f32 v1, v2;
	v2 =	vld [tilespmem:s3+$0x30];
	_ =	sdelay $0x1  }
0x454: {  	s16 =	simm.s32 $0x1  }
0x455: {  	v3 =	vmov s16;
	s13 =	sadd.s32 $0x1, s18;
	[tilespmem:s3+$0x20] =	vst v1  }
0x456: {  	v3 =	vand.u32 $0xF, v3;
	s16 =	sand.u32 $0xFFFFFFF0, s13;
	v1 =	vld [tilespmem:s10+$0x30]  }
0x457: {  	v2 =	vmul.f32 v2, v0;
	v0 =	vor.u32 s16, v3  }
0x458: {  	v0 =	vbroadcast v0, $0x0;
	_ =	sdelay $0x2  }
0x459: {  	s16 =	simm.s32 $0x2;
	v1 =	vadd.f32 v1, v2  }
.LBB2_20:
0x45a: {  	s10 =	sadd.s32 $0x80, s10  }
0x45b: {  	s13 =	smov.u32 s16;
	s4 =	sadd.s32 $0x1, s16;
	[tilespmem:s3+$0x30] =	vst v1;
	s3 =	sadd.s32 $0x80, s3  }
0x45c: {  	p1 =	sne.s32 s16, $0x7F;
	v1 =	vld.idx.msk [tilespmem:v0+s28+$0x0], $0xffff  }
0x45d: {  	v0 =	vld [tilespmem:s3+$0xFFFFFFC0];
	_ =	sdelay $0x1  }
0x45e: {  	v2 =	vld [tilespmem:s10+$0xFFFFFFC0];
	_ =	sdelay $0x2  }
0x45f: {  	v0 =	vmul.f32 v0, v1;
	_ =	sdelay $0x1  }
0x460: {  	v0 =	vadd.f32 v2, v0  }
0x461: {  	v2 =	vld [tilespmem:s3+$0xFFFFFFD0]  }
0x462: {  	[tilespmem:s3+$0xFFFFFFC0] =	vst v0  }
0x463: {  	v0 =	vld [tilespmem:s10+$0xFFFFFFD0];
	_ =	sdelay $0x2  }
0x464: {  	v2 =	vmul.f32 v2, v1;
	_ =	sdelay $0x1  }
0x465: {  	v0 =	vadd.f32 v0, v2  }
0x466: {  	v2 =	vld [tilespmem:s3+$0xFFFFFFE0]  }
0x467: {  	[tilespmem:s3+$0xFFFFFFD0] =	vst v0  }
0x468: {  	v0 =	vld [tilespmem:s10+$0xFFFFFFE0];
	_ =	sdelay $0x2  }
0x469: {  	v2 =	vmul.f32 v2, v1;
	_ =	sdelay $0x1  }
0x46a: {  	v0 =	vadd.f32 v0, v2  }
0x46b: {  	v2 =	vld [tilespmem:s3+$0xFFFFFFF0]  }
0x46c: {  	[tilespmem:s3+$0xFFFFFFE0] =	vst v0  }
0x46d: {  	v0 =	vld [tilespmem:s10+$0xFFFFFFF0];
	_ =	sdelay $0x2  }
0x46e: {  	v2 =	vmul.f32 v2, v1;
	_ =	sdelay $0x1  }
0x46f: {  	v0 =	vadd.f32 v0, v2  }
0x470: {  	v2 =	vld [tilespmem:s3+$0x0]  }
0x471: {  	[tilespmem:s3+$0xFFFFFFF0] =	vst v0  }
0x472: {  	v0 =	vld [tilespmem:s10+$0x0];
	_ =	sdelay $0x2  }
0x473: {  	v2 =	vmul.f32 v2, v1;
	_ =	sdelay $0x1  }
0x474: {  	v0 =	vadd.f32 v0, v2  }
0x475: {  	v2 =	vld [tilespmem:s3+$0x10]  }
0x476: {  	[tilespmem:s3+$0x0] =	vst v0  }
0x477: {  	v0 =	vld [tilespmem:s10+$0x10];
	_ =	sdelay $0x2  }
0x478: {  	v2 =	vmul.f32 v2, v1;
	_ =	sdelay $0x1  }
0x479: {  	v0 =	vadd.f32 v0, v2  }
0x47a: {  	v2 =	vld [tilespmem:s3+$0x20]  }
0x47b: {  	[tilespmem:s3+$0x10] =	vst v0  }
0x47c: {  	v0 =	vld [tilespmem:s10+$0x20];
	_ =	sdelay $0x2  }
0x47d: {  	v2 =	vmul.f32 v2, v1;
	_ =	sdelay $0x1  }
0x47e: {  	v0 =	vadd.f32 v0, v2  }
0x47f: {  	v2 =	vld [tilespmem:s3+$0x30]  }
0x480: {  	s16 =	sadd.s32 s13, s18;
	v3 =	vmov s13;
	[tilespmem:s3+$0x20] =	vst v0  }
0x481: {  	s13 =	sand.u32 $0xFFFFFFF0, s16;
	v0 =	vand.u32 $0xF, v3;
	v3 =	vld [tilespmem:s10+$0x30]  }
.Ltmp9:
0x482: {  	v0 =	vor.u32 s13, v0;
	(pc) =	sbr.rel @p1 .LBB2_20-.Ltmp9, $3  }
0x483: {  	v0 =	vbroadcast v0, $0x0  }
0x484: {  	v1 =	vmul.f32 v2, v1;
	_ =	sdelay $0x1  }
0x485: {  	s16 =	smov.u32 s4;
	v1 =	vadd.f32 v3, v1  }
0x486: {  	_ =	sdelay $0x1  }
0x487: {  	s16 =	sadd.s32 $0x80, s3  }
0x488: {  	[tilespmem:s3+$0x30] =	vst v1;
	v1 =	vld [tilespmem:s16+$0xFFFFFFC0]  }
0x489: {  	v0 =	vld.idx.msk [tilespmem:v0+s28+$0x0], $0xffff  }
0x48a: {  	s4 =	sadd.s32 $0x80, s10  }
0x48b: {  	v2 =	vld [tilespmem:s4+$0xFFFFFFC0];
	_ =	sdelay $0x2  }
0x48c: {  	v1 =	vmul.f32 v1, v0;
	_ =	sdelay $0x1  }
0x48d: {  	v1 =	vadd.f32 v2, v1  }
0x48e: {  	v2 =	vld [tilespmem:s16+$0xFFFFFFD0]  }
0x48f: {  	[tilespmem:s16+$0xFFFFFFC0] =	vst v1  }
0x490: {  	v1 =	vld [tilespmem:s4+$0xFFFFFFD0];
	_ =	sdelay $0x2  }
0x491: {  	v2 =	vmul.f32 v2, v0;
	_ =	sdelay $0x1  }
0x492: {  	v1 =	vadd.f32 v1, v2  }
0x493: {  	v2 =	vld [tilespmem:s16+$0xFFFFFFE0]  }
0x494: {  	[tilespmem:s16+$0xFFFFFFD0] =	vst v1  }
0x495: {  	v1 =	vld [tilespmem:s4+$0xFFFFFFE0];
	_ =	sdelay $0x2  }
0x496: {  	v2 =	vmul.f32 v2, v0;
	_ =	sdelay $0x1  }
0x497: {  	v1 =	vadd.f32 v1, v2  }
0x498: {  	v2 =	vld [tilespmem:s16+$0xFFFFFFF0]  }
0x499: {  	[tilespmem:s16+$0xFFFFFFE0] =	vst v1  }
0x49a: {  	v1 =	vld [tilespmem:s4+$0xFFFFFFF0];
	_ =	sdelay $0x2  }
0x49b: {  	v2 =	vmul.f32 v2, v0;
	_ =	sdelay $0x1  }
0x49c: {  	v1 =	vadd.f32 v1, v2  }
0x49d: {  	v2 =	vld [tilespmem:s16+$0x0]  }
0x49e: {  	[tilespmem:s16+$0xFFFFFFF0] =	vst v1  }
0x49f: {  	v1 =	vld [tilespmem:s4+$0x0];
	_ =	sdelay $0x2  }
0x4a0: {  	v2 =	vmul.f32 v2, v0;
	_ =	sdelay $0x1  }
0x4a1: {  	v1 =	vadd.f32 v1, v2  }
0x4a2: {  	v2 =	vld [tilespmem:s16+$0x10]  }
0x4a3: {  	[tilespmem:s16+$0x0] =	vst v1  }
0x4a4: {  	v1 =	vld [tilespmem:s4+$0x10];
	_ =	sdelay $0x2  }
0x4a5: {  	v2 =	vmul.f32 v2, v0;
	_ =	sdelay $0x1  }
0x4a6: {  	v1 =	vadd.f32 v1, v2  }
0x4a7: {  	v2 =	vld [tilespmem:s16+$0x20]  }
0x4a8: {  	[tilespmem:s16+$0x10] =	vst v1  }
0x4a9: {  	v1 =	vld [tilespmem:s4+$0x20];
	_ =	sdelay $0x2  }
0x4aa: {  	v2 =	vmul.f32 v2, v0;
	_ =	sdelay $0x1  }
0x4ab: {  	v1 =	vadd.f32 v1, v2  }
0x4ac: {  	v2 =	vld [tilespmem:s16+$0x30]  }
0x4ad: {  	[tilespmem:s16+$0x20] =	vst v1  }
0x4ae: {  	v1 =	vld [tilespmem:s4+$0x30];
	_ =	sdelay $0x2  }
0x4af: {  	v0 =	vmul.f32 v2, v0;
	_ =	sdelay $0x1  }
0x4b0: {  	v0 =	vadd.f32 v1, v0;
	_ =	sdelay $0x1  }
0x4b1: {  	s13 =	rddreg [dreg:$0x16];
	s3 =	simm.s32 $0x0;
	[tilespmem:s16+$0x30] =	vst v0  }
0x4b2: {  	[hbm4b:s13+s3] =	stream.linear.scatter [tilespmem:s11], [sflag:$0x4], $0x4000, $0x38;
	[tilespmem:$0x1F880] =	vst v63  }
0x4b3: {  	_ =	swait.ge [sflag:s29], $0x4000  }
0x4b4: {  	[sflag:s29] =	ssyncset.done $0x0  }
0x4b5: {  	s10 =	sadd.s32 $0x0, s19;
	s16 =	rddreg [dreg:$0xd];
	[sflag:s29] =	ssyncadd.s32 $0xFFFFC000  }
0x4b6: {  	v0 =	vmov s3;
	[tilespmem:s11], [sflag:$0x2] =	stream.linear.gather [spmem:s16], $0x4000, $0x38;
	[tilespmem:$0x1F880] =	vst v63  }
0x4b7: {  	s4 =	sand.u32 $0xFFFFFFF0, s10;
	v0 =	vand.u32 $0xF, v0;
	s13 =	rddreg [dreg:$0x18]  }
0x4b8: {  	v0 =	vor.u32 s4, v0;
	[tilespmem:s23], [sflag:$0x3] =	stream.linear.gather [hbm4b:s13+s3], $0x4000, $0x38;
	[tilespmem:$0x1F880] =	vst v63  }
0x4b9: {  	v0 =	vbroadcast v0, $0x0;
	_ =	swait.ge [sflag:s24], $0x4000  }
0x4ba: {  	[sflag:s24] =	ssyncset.done $0x0  }
0x4bb: {  	[sflag:s24] =	ssyncadd.s32 $0xFFFFC000  }
0x4bc: {  	_ =	swait.ge [sflag:s25], $0x4000  }
0x4bd: {  	[sflag:s25] =	ssyncset.done $0x0  }
0x4be: {  	[sflag:s25] =	ssyncadd.s32 $0xFFFFC000  }
0x4bf: {  	s3 =	simm.s32 $0x178C0;
	v0 =	vld.idx.msk [tilespmem:v0+s28+$0x0], $0xffff  }
0x4c0: {  	v1 =	vld [tilespmem:s3+$0xFFFFFFC0]  }
0x4c1: {  	s10 =	simm.s32 $0x1B8C0  }
0x4c2: {  	v2 =	vld [tilespmem:s10+$0xFFFFFFC0];
	_ =	sdelay $0x2  }
0x4c3: {  	v1 =	vmul.f32 v1, v0;
	_ =	sdelay $0x1  }
0x4c4: {  	v1 =	vadd.f32 v2, v1  }
0x4c5: {  	v2 =	vld [tilespmem:s3+$0xFFFFFFD0]  }
0x4c6: {  	[tilespmem:s3+$0xFFFFFFC0] =	vst v1  }
0x4c7: {  	v1 =	vld [tilespmem:s10+$0xFFFFFFD0];
	_ =	sdelay $0x2  }
0x4c8: {  	v2 =	vmul.f32 v2, v0;
	_ =	sdelay $0x1  }
0x4c9: {  	v1 =	vadd.f32 v1, v2  }
0x4ca: {  	v2 =	vld [tilespmem:s3+$0xFFFFFFE0]  }
0x4cb: {  	[tilespmem:s3+$0xFFFFFFD0] =	vst v1  }
0x4cc: {  	v1 =	vld [tilespmem:s10+$0xFFFFFFE0];
	_ =	sdelay $0x2  }
0x4cd: {  	v2 =	vmul.f32 v2, v0;
	_ =	sdelay $0x1  }
0x4ce: {  	v1 =	vadd.f32 v1, v2  }
0x4cf: {  	v2 =	vld [tilespmem:s3+$0xFFFFFFF0]  }
0x4d0: {  	[tilespmem:s3+$0xFFFFFFE0] =	vst v1  }
0x4d1: {  	v1 =	vld [tilespmem:s10+$0xFFFFFFF0];
	_ =	sdelay $0x2  }
0x4d2: {  	v2 =	vmul.f32 v2, v0;
	_ =	sdelay $0x1  }
0x4d3: {  	v1 =	vadd.f32 v1, v2  }
0x4d4: {  	v2 =	vld [tilespmem:s3+$0x0]  }
0x4d5: {  	[tilespmem:s3+$0xFFFFFFF0] =	vst v1  }
0x4d6: {  	v1 =	vld [tilespmem:s10+$0x0];
	_ =	sdelay $0x2  }
0x4d7: {  	v2 =	vmul.f32 v2, v0;
	_ =	sdelay $0x1  }
0x4d8: {  	v1 =	vadd.f32 v1, v2  }
0x4d9: {  	v2 =	vld [tilespmem:s3+$0x10]  }
0x4da: {  	[tilespmem:s3+$0x0] =	vst v1  }
0x4db: {  	v1 =	vld [tilespmem:s10+$0x10];
	_ =	sdelay $0x2  }
0x4dc: {  	v2 =	vmul.f32 v2, v0;
	_ =	sdelay $0x1  }
0x4dd: {  	v1 =	vadd.f32 v1, v2  }
0x4de: {  	v2 =	vld [tilespmem:s3+$0x20]  }
0x4df: {  	[tilespmem:s3+$0x10] =	vst v1  }
0x4e0: {  	v1 =	vld [tilespmem:s10+$0x20];
	_ =	sdelay $0x2  }
0x4e1: {  	v2 =	vmul.f32 v2, v0;
	_ =	sdelay $0x1  }
0x4e2: {  	v1 =	vadd.f32 v1, v2;
	v2 =	vld [tilespmem:s3+$0x30];
	_ =	sdelay $0x1  }
0x4e3: {  	s16 =	simm.s32 $0x1  }
0x4e4: {  	v3 =	vmov s16;
	s13 =	sadd.s32 $0x1, s19;
	[tilespmem:s3+$0x20] =	vst v1  }
0x4e5: {  	v3 =	vand.u32 $0xF, v3;
	s16 =	sand.u32 $0xFFFFFFF0, s13;
	v1 =	vld [tilespmem:s10+$0x30]  }
0x4e6: {  	v2 =	vmul.f32 v2, v0;
	v0 =	vor.u32 s16, v3  }
0x4e7: {  	v0 =	vbroadcast v0, $0x0;
	_ =	sdelay $0x2  }
0x4e8: {  	s16 =	simm.s32 $0x2;
	v1 =	vadd.f32 v1, v2  }
.LBB2_22:
0x4e9: {  	s10 =	sadd.s32 $0x80, s10  }
0x4ea: {  	s13 =	smov.u32 s16;
	s4 =	sadd.s32 $0x1, s16;
	[tilespmem:s3+$0x30] =	vst v1;
	s3 =	sadd.s32 $0x80, s3  }
0x4eb: {  	p1 =	sne.s32 s16, $0x7F;
	v1 =	vld.idx.msk [tilespmem:v0+s28+$0x0], $0xffff  }
0x4ec: {  	v0 =	vld [tilespmem:s3+$0xFFFFFFC0];
	_ =	sdelay $0x1  }
0x4ed: {  	v2 =	vld [tilespmem:s10+$0xFFFFFFC0];
	_ =	sdelay $0x2  }
0x4ee: {  	v0 =	vmul.f32 v0, v1;
	_ =	sdelay $0x1  }
0x4ef: {  	v0 =	vadd.f32 v2, v0  }
0x4f0: {  	v2 =	vld [tilespmem:s3+$0xFFFFFFD0]  }
0x4f1: {  	[tilespmem:s3+$0xFFFFFFC0] =	vst v0  }
0x4f2: {  	v0 =	vld [tilespmem:s10+$0xFFFFFFD0];
	_ =	sdelay $0x2  }
0x4f3: {  	v2 =	vmul.f32 v2, v1;
	_ =	sdelay $0x1  }
0x4f4: {  	v0 =	vadd.f32 v0, v2  }
0x4f5: {  	v2 =	vld [tilespmem:s3+$0xFFFFFFE0]  }
0x4f6: {  	[tilespmem:s3+$0xFFFFFFD0] =	vst v0  }
0x4f7: {  	v0 =	vld [tilespmem:s10+$0xFFFFFFE0];
	_ =	sdelay $0x2  }
0x4f8: {  	v2 =	vmul.f32 v2, v1;
	_ =	sdelay $0x1  }
0x4f9: {  	v0 =	vadd.f32 v0, v2  }
0x4fa: {  	v2 =	vld [tilespmem:s3+$0xFFFFFFF0]  }
0x4fb: {  	[tilespmem:s3+$0xFFFFFFE0] =	vst v0  }
0x4fc: {  	v0 =	vld [tilespmem:s10+$0xFFFFFFF0];
	_ =	sdelay $0x2  }
0x4fd: {  	v2 =	vmul.f32 v2, v1;
	_ =	sdelay $0x1  }
0x4fe: {  	v0 =	vadd.f32 v0, v2  }
0x4ff: {  	v2 =	vld [tilespmem:s3+$0x0]  }
0x500: {  	[tilespmem:s3+$0xFFFFFFF0] =	vst v0  }
0x501: {  	v0 =	vld [tilespmem:s10+$0x0];
	_ =	sdelay $0x2  }
0x502: {  	v2 =	vmul.f32 v2, v1;
	_ =	sdelay $0x1  }
0x503: {  	v0 =	vadd.f32 v0, v2  }
0x504: {  	v2 =	vld [tilespmem:s3+$0x10]  }
0x505: {  	[tilespmem:s3+$0x0] =	vst v0  }
0x506: {  	v0 =	vld [tilespmem:s10+$0x10];
	_ =	sdelay $0x2  }
0x507: {  	v2 =	vmul.f32 v2, v1;
	_ =	sdelay $0x1  }
0x508: {  	v0 =	vadd.f32 v0, v2  }
0x509: {  	v2 =	vld [tilespmem:s3+$0x20]  }
0x50a: {  	[tilespmem:s3+$0x10] =	vst v0  }
0x50b: {  	v0 =	vld [tilespmem:s10+$0x20];
	_ =	sdelay $0x2  }
0x50c: {  	v2 =	vmul.f32 v2, v1;
	_ =	sdelay $0x1  }
0x50d: {  	v0 =	vadd.f32 v0, v2  }
0x50e: {  	v2 =	vld [tilespmem:s3+$0x30]  }
0x50f: {  	s16 =	sadd.s32 s13, s19;
	v3 =	vmov s13;
	[tilespmem:s3+$0x20] =	vst v0  }
0x510: {  	s13 =	sand.u32 $0xFFFFFFF0, s16;
	v0 =	vand.u32 $0xF, v3;
	v3 =	vld [tilespmem:s10+$0x30]  }
.Ltmp10:
0x511: {  	v0 =	vor.u32 s13, v0;
	(pc) =	sbr.rel @p1 .LBB2_22-.Ltmp10, $3  }
0x512: {  	v0 =	vbroadcast v0, $0x0  }
0x513: {  	v1 =	vmul.f32 v2, v1;
	_ =	sdelay $0x1  }
0x514: {  	s16 =	smov.u32 s4;
	v1 =	vadd.f32 v3, v1  }
0x515: {  	_ =	sdelay $0x1  }
0x516: {  	s16 =	sadd.s32 $0x80, s3  }
0x517: {  	[tilespmem:s3+$0x30] =	vst v1;
	v1 =	vld [tilespmem:s16+$0xFFFFFFC0]  }
0x518: {  	v0 =	vld.idx.msk [tilespmem:v0+s28+$0x0], $0xffff  }
0x519: {  	s4 =	sadd.s32 $0x80, s10  }
0x51a: {  	v2 =	vld [tilespmem:s4+$0xFFFFFFC0];
	_ =	sdelay $0x2  }
0x51b: {  	v1 =	vmul.f32 v1, v0;
	_ =	sdelay $0x1  }
0x51c: {  	v1 =	vadd.f32 v2, v1  }
0x51d: {  	v2 =	vld [tilespmem:s16+$0xFFFFFFD0]  }
0x51e: {  	[tilespmem:s16+$0xFFFFFFC0] =	vst v1  }
0x51f: {  	v1 =	vld [tilespmem:s4+$0xFFFFFFD0];
	_ =	sdelay $0x2  }
0x520: {  	v2 =	vmul.f32 v2, v0;
	_ =	sdelay $0x1  }
0x521: {  	v1 =	vadd.f32 v1, v2  }
0x522: {  	v2 =	vld [tilespmem:s16+$0xFFFFFFE0]  }
0x523: {  	[tilespmem:s16+$0xFFFFFFD0] =	vst v1  }
0x524: {  	v1 =	vld [tilespmem:s4+$0xFFFFFFE0];
	_ =	sdelay $0x2  }
0x525: {  	v2 =	vmul.f32 v2, v0;
	_ =	sdelay $0x1  }
0x526: {  	v1 =	vadd.f32 v1, v2  }
0x527: {  	v2 =	vld [tilespmem:s16+$0xFFFFFFF0]  }
0x528: {  	[tilespmem:s16+$0xFFFFFFE0] =	vst v1  }
0x529: {  	v1 =	vld [tilespmem:s4+$0xFFFFFFF0];
	_ =	sdelay $0x2  }
0x52a: {  	v2 =	vmul.f32 v2, v0;
	_ =	sdelay $0x1  }
0x52b: {  	v1 =	vadd.f32 v1, v2  }
0x52c: {  	v2 =	vld [tilespmem:s16+$0x0]  }
0x52d: {  	[tilespmem:s16+$0xFFFFFFF0] =	vst v1  }
0x52e: {  	v1 =	vld [tilespmem:s4+$0x0];
	_ =	sdelay $0x2  }
0x52f: {  	v2 =	vmul.f32 v2, v0;
	_ =	sdelay $0x1  }
0x530: {  	v1 =	vadd.f32 v1, v2  }
0x531: {  	v2 =	vld [tilespmem:s16+$0x10]  }
0x532: {  	[tilespmem:s16+$0x0] =	vst v1  }
0x533: {  	v1 =	vld [tilespmem:s4+$0x10];
	_ =	sdelay $0x2  }
0x534: {  	v2 =	vmul.f32 v2, v0;
	_ =	sdelay $0x1  }
0x535: {  	v1 =	vadd.f32 v1, v2  }
0x536: {  	v2 =	vld [tilespmem:s16+$0x20]  }
0x537: {  	[tilespmem:s16+$0x10] =	vst v1  }
0x538: {  	v1 =	vld [tilespmem:s4+$0x20];
	_ =	sdelay $0x2  }
0x539: {  	v2 =	vmul.f32 v2, v0;
	_ =	sdelay $0x1  }
0x53a: {  	v1 =	vadd.f32 v1, v2  }
0x53b: {  	v2 =	vld [tilespmem:s16+$0x30]  }
0x53c: {  	[tilespmem:s16+$0x20] =	vst v1  }
0x53d: {  	v1 =	vld [tilespmem:s4+$0x30];
	_ =	sdelay $0x2  }
0x53e: {  	v0 =	vmul.f32 v2, v0;
	_ =	sdelay $0x1  }
0x53f: {  	v0 =	vadd.f32 v1, v0;
	_ =	sdelay $0x1  }
0x540: {  	s10 =	rddreg [dreg:$0x17];
	[tilespmem:s16+$0x30] =	vst v0;
	s16 =	simm.s32 $0x0  }
0x541: {  	[hbm4b:s10+s16] =	stream.linear.scatter [tilespmem:s11], [sflag:$0x4], $0x4000, $0x38;
	[tilespmem:$0x1F880] =	vst v63  }
0x542: {  	_ =	swait.ge [sflag:s29], $0x4000  }
0x543: {  	s6 =	sadd.s32 $0x1, s6;
	s13 =	rddreg [dreg:$0x19]  }
0x544: {  	p1 =	sne.s32 s6, s13  }
.Ltmp11:
0x545: {  	_ = 	snop;
	(pc) =	sbr.rel @p1 .LBB2_1-.Ltmp11, $3  }
0x546: {  	_ =	sdelay $0x1  }
0x547: {  	[sflag:s29] =	ssyncset.done $0x0  }
0x548: {  	v1 =	vimm.f32 $1.000000000e+00;
	[sflag:s29] =	ssyncadd.s32 $0xFFFFC000;
	s13 =	simm.s32 $0x16A80  }
0x549: {  	_ =	sfence.sel $0x180000  }
0x54a: {  	[bflag:$0x0] =	sbarrier.arrive $0xFFFF  }
0x54b: {  	_ =	strace $0x90000047  }
0x54c: {  	[bflag:$0x2] =	sbarrier.arrive $0xFFFF  }
0x54d: {  	p0 =	sne.s32 s7, $0x0;
	s0 =	rddreg [dreg:$0x6]  }
0x54e: {  	s0 =	sadd.s32 @!p0 $0x100000, s0  }
0x54f: {  	[sflag:s0] =	ssyncadd.tile.s32 @!p0 $0x1;
	_ =	shalt  }
.Lfunc_end2:
_tile_overlayer_lowered:
.L_overlay_start_2:
0x550: {  	(tag) =	ssettag $0x2  }
0x551: {  	s0 =	rddreg [dreg:$0x0];
	s2 =	stileid.u32  }
0x552: {  	s1 =	rddreg [dreg:$0x1];
	p0 =	sne.s32 s2, $0x0  }
0x553: {  	s3 =	rddreg [dreg:$0x2];
	[bflag:$0x3] =	sbarrier.arrive $0xFFFF;
	s2 =	simm.s32 @!p0 $0x1C04  }
0x554: {  	[timem:s3], [sflag:s2] =	dma.local @!p0 [hbm:s0], s1  }
0x555: {  	s0 =	simm.s32 @!p0 $0x4  }
0x556: {  	_ =	swait.ge @!p0 [sflag:s0], s1  }
0x557: {  	s1 =	ssub.s32 @!p0 $0x0, s1;
	[sflag:s0] =	ssyncset.done @!p0 $0x0  }
0x558: {  	[sflag:s0] =	ssyncadd.s32 @!p0 s1  }
0x559: {  	[bflag:$0x3] =	sbarrier.arrive $0xFFFF  }
0x55a: {  	_ =	shalt  }

</sc_bundles>
